<compile_context>
chip_gen: v7x
topology: tpu7x:2x2x1
jax: 0.10.2.dev20260603
libtpu: 0.0.44.dev20260713+nightly
codegen_flags: <defaults>
</compile_context>

<pallas_src>
import jax
import jax.numpy as jnp
from jax import lax
from jax.experimental import pallas as pl
from jax.experimental.pallas import tpu as pltpu
from jax.experimental.pallas import tpu_sc as plsc

NC = 2
NS = 16
NW = NC * NS
L = 16
K = 128


def _dinv_body(degp_ref, x_ref, dinv_ref, y_ref):
    dinv = lax.rsqrt(degp_ref[0] + degp_ref[1] + 1.0)
    dinv_ref[...] = dinv
    y_ref[...] = dinv * x_ref[...]


def _deg_body(col_hbm, ew_hbm, degp_hbm, col_v, ew_v, dout_v, deg_sh):
    c = lax.axis_index("c")
    s = lax.axis_index("s")
    wid = s * NC + c
    npad = degp_hbm.shape[1]
    rpt = npad // NS
    epw = col_hbm.shape[0] // NW
    nchunks = epw // K
    zf = jnp.zeros((L,), jnp.float32)

    def zd(r, _):
        dout_v[pl.ds(r * L, L)] = zf
        return 0
    lax.fori_loop(0, rpt // L, zd, 0)
    pltpu.sync_copy(dout_v, deg_sh.at[pl.ds(s * rpt, rpt)])
    plsc.subcore_barrier()

    def chunk(i, _):
        base = wid * epw + i * K
        pltpu.sync_copy(col_hbm.at[pl.ds(base, K)], col_v)
        pltpu.sync_copy(ew_hbm.at[pl.ds(base, K)], ew_v)
        pltpu.sync_copy(ew_v, deg_sh.at[col_v], add=True)
        return 0
    lax.fori_loop(0, nchunks, chunk, 0)
    plsc.subcore_barrier()

    pltpu.sync_copy(deg_sh.at[pl.ds(s * rpt, rpt)], dout_v)
    pltpu.sync_copy(dout_v, degp_hbm.at[c, pl.ds(s * rpt, rpt)])


def _agg_body(row_hbm, col_hbm, ew_hbm, y_hbm, zp_hbm,
              row_v, col_v, ew_v, rows_v, flush_v,
              z_sh, sem):
    c = lax.axis_index("c")
    s = lax.axis_index("s")
    wid = s * NC + c
    npad = zp_hbm.shape[1]
    rpt = npad // NS
    fh = rpt // 4
    epw = row_hbm.shape[0] // NW
    nchunks = epw // K
    d = y_hbm.shape[1]
    zf = jnp.zeros((L,), jnp.float32)

    def zflush(r, _):
        for j in range(8):
            flush_v[r, pl.ds(j * L, L)] = zf
        return 0
    lax.fori_loop(0, fh, zflush, 0)
    for h in range(4):
        pltpu.sync_copy(flush_v, z_sh.at[pl.ds(s * rpt + h * fh, fh)])
    plsc.subcore_barrier()

    def chunk(i, _):
        base = wid * epw + i * K
        pltpu.sync_copy(row_hbm.at[pl.ds(base, K)], row_v)
        pltpu.sync_copy(col_hbm.at[pl.ds(base, K)], col_v)
        pltpu.sync_copy(ew_hbm.at[pl.ds(base, K)], ew_v)
        pltpu.async_copy(y_hbm.at[row_v], rows_v, sem).wait()

        def grp(g, _):
            sl = pl.ds(g * L, L)
            wv = ew_v[sl]
            for j in range(L):
                w = wv[j]
                k = g * L + j
                for q in range(d // L):
                    s2 = pl.ds(q * L, L)
                    rows_v[k, s2] = rows_v[k, s2] * w
            return 0
        lax.fori_loop(0, K // L, grp, 0)
        pltpu.sync_copy(rows_v, z_sh.at[col_v], add=True)
        return 0
    lax.fori_loop(0, nchunks, chunk, 0)
    plsc.subcore_barrier()

    for h in range(4):
        r0 = s * rpt + h * fh
        pltpu.sync_copy(z_sh.at[pl.ds(r0, fh)], flush_v)
        pltpu.sync_copy(flush_v, zp_hbm.at[c, pl.ds(r0, fh)])


def _mm_body(y_ref, zp_ref, dinv_ref, w_ref, b_ref, o_ref):
    h = zp_ref[0] + zp_ref[1] + y_ref[...]
    t = jnp.dot(h, w_ref[...], preferred_element_type=jnp.float32)
    r = dinv_ref[...] * t + b_ref[...]
    o_ref[...] = jnp.where(r > 0, r, jnp.exp(r) - 1.0)


def kernel(x, edge_index, edge_weight, W0, b0, W1, b1):
    n, d = x.shape
    e = edge_index.shape[1]
    npad = ((n + NS * L - 1) // (NS * L)) * (NS * L)
    epad = ((e + NW * K - 1) // (NW * K)) * (NW * K)

    row = edge_index[0]
    col = edge_index[1]
    ew = edge_weight
    padn = epad - e
    if padn:
        pidx = jnp.arange(padn, dtype=jnp.int32) % n
        row = jnp.concatenate([row, pidx])
        col = jnp.concatenate([col, pidx])
        ew = jnp.concatenate([ew, jnp.zeros((padn,), ew.dtype)])

    mesh = plsc.VectorSubcoreMesh(core_axis_name="c", subcore_axis_name="s")
    rpt = npad // NS

    degp = pl.kernel(
        _deg_body,
        out_type=jax.ShapeDtypeStruct((NC, npad), jnp.float32),
        mesh=mesh,
        scratch_types=[
            pltpu.VMEM((K,), jnp.int32),
            pltpu.VMEM((K,), jnp.float32),
            pltpu.VMEM((rpt,), jnp.float32),
            pltpu.VMEM_SHARED((npad,), jnp.float32),
        ],
    )(col, ew)

    bm = 400
    dinv, y = pl.pallas_call(
        _dinv_body,
        grid=(n // bm,),
        in_specs=[
            pl.BlockSpec((NC, bm, 1), lambda i: (0, i, 0)),
            pl.BlockSpec((bm, d), lambda i: (i, 0)),
        ],
        out_specs=[
            pl.BlockSpec((bm, 1), lambda i: (i, 0)),
            pl.BlockSpec((bm, d), lambda i: (i, 0)),
        ],
        out_shape=[
            jax.ShapeDtypeStruct((n, 1), jnp.float32),
            jax.ShapeDtypeStruct((n, d), jnp.float32),
        ],
    )(degp.reshape(NC, npad, 1), x)

    zp = pl.kernel(
        _agg_body,
        out_type=jax.ShapeDtypeStruct((NC, npad, d), jnp.float32),
        mesh=mesh,
        scratch_types=[
            pltpu.VMEM((K,), jnp.int32),
            pltpu.VMEM((K,), jnp.int32),
            pltpu.VMEM((K,), jnp.float32),
            pltpu.VMEM((K, d), jnp.float32),
            pltpu.VMEM((rpt // 4, d), jnp.float32),
            pltpu.VMEM_SHARED((npad, d), jnp.float32),
            pltpu.SemaphoreType.DMA,
        ],
    )(row, col, ew, y)

    out = pl.pallas_call(
        _mm_body,
        grid=(n // bm,),
        in_specs=[
            pl.BlockSpec((bm, d), lambda i: (i, 0)),
            pl.BlockSpec((NC, bm, d), lambda i: (0, i, 0)),
            pl.BlockSpec((bm, 1), lambda i: (i, 0)),
            pl.BlockSpec((d, d), lambda i: (0, 0)),
            pl.BlockSpec((1, d), lambda i: (0, 0)),
        ],
        out_specs=pl.BlockSpec((bm, d), lambda i: (i, 0)),
        out_shape=jax.ShapeDtypeStruct((n, d), jnp.float32),
    )(y, zp, dinv, W1, b1[None])
    return out

# --- scband reference (transcript-rebuilt; emitter-appended) ---
"""Pipeline reference for scband-gcn-graph-24816321036835 (READ-ONLY COPY).

The authoritative reference and input builder live on the scoring server;
editing this copy changes nothing except your own understanding.
"""

import jax, jax.numpy as jnp
import numpy as np

N = 10000
E = 320000
D = 128
NUM_LAYERS = 2


def setup_inputs(seed: int = 0) -> dict:
    key = jax.random.key(seed)
    ks = jax.random.split(key, 8)
    x = jax.random.normal(ks[0], (N, D), dtype=jnp.float32)
    edge_index = jax.random.randint(ks[1], (2, E), 0, N, dtype=jnp.int32)
    edge_weight = jax.random.uniform(ks[2], (E,), dtype=jnp.float32)
    scale = 1.0 / np.sqrt(D)
    W0 = jax.random.normal(ks[3], (D, D), dtype=jnp.float32) * scale
    b0 = jnp.zeros((D,), dtype=jnp.float32)
    W1 = jax.random.normal(ks[4], (D, D), dtype=jnp.float32) * scale
    b1 = jnp.zeros((D,), dtype=jnp.float32)
    return {"x": x, "edge_index": edge_index, "edge_weight": edge_weight,
            "W0": W0, "b0": b0, "W1": W1, "b1": b1}


def gcn_conv(x, edge_index, edge_weight, W, b):
    # Faithful PyG GCNConv: linear transform, gcn_norm with self-loops, scatter-add aggregate, bias.
    n = x.shape[0]
    row = edge_index[0]
    col = edge_index[1]
    loop = jnp.arange(n, dtype=row.dtype)
    row = jnp.concatenate([row, loop])
    col = jnp.concatenate([col, loop])
    ew = jnp.concatenate([edge_weight, jnp.ones((n,), dtype=edge_weight.dtype)])
    deg = jnp.zeros((n,), dtype=ew.dtype).at[col].add(ew)
    deg_safe = jnp.where(deg > 0, deg, 1.0)
    dinv = jnp.where(deg > 0, jax.lax.rsqrt(deg_safe), 0.0)
    norm = dinv[row] * ew * dinv[col]
    h = x @ W  # gather source node features below
    msg = norm[:, None] * h[row]
    out = jnp.zeros((n, W.shape[1]), dtype=h.dtype).at[col].add(msg)
    return out + b


def reference(x, edge_index, edge_weight, W0, b0, W1, b1):
    # Faithful to the original forward: note x is NEVER updated inside the loop
    # (each layer reads the original x); dropout is identity at inference.
    params = [(W0, b0), (W1, b1)]
    gcn_out = x
    for k in range(NUM_LAYERS):
        W, b = params[k]
        gcn_out = jax.nn.elu(gcn_conv(x, edge_index, edge_weight, W, b))
        if k < NUM_LAYERS - 1:
            gcn_out = gcn_out  # dropout: identity in eval mode
    return gcn_out

if __name__ == "__main__":
    import jax
    _d = setup_inputs()
    print(jax.jit(kernel)(*tuple(_d.values())))

</pallas_src>

<mosaic_0001>
#map = affine_map<(d0, d1) -> (0)>
#map1 = affine_map<(d0, d1) -> (0, 0)>
module attributes {stable_mosaic.version = 14 : i64} {
  func.func @_deg_body(%arg0: i32, %arg1: i32, %arg2: memref<323584xi32, #tpu.memory_space<hbm>>, %arg3: memref<323584xf32, #tpu.memory_space<hbm>>, %arg4: memref<2x10240xf32, #tpu.memory_space<hbm>>, %arg5: memref<128xi32, #tpu.memory_space<vmem>>, %arg6: memref<128xf32, #tpu.memory_space<vmem>>, %arg7: memref<640xf32, #tpu.memory_space<vmem>>, %arg8: memref<10240xf32, #tpu.memory_space<vmem_shared>>) attributes {dimension_semantics = [#tpu.dimension_semantics<core_parallel>, #tpu.dimension_semantics<subcore_parallel>], iteration_bounds = array<i64: 2, 16>, scalar_prefetch = 0 : i64, scratch_operands = 4 : i64, tpu.core_type = #tpu.core_type<sc_vector_subcore>, window_params = [{transform_indices = #map}, {transform_indices = #map}, {transform_indices = #map1}]} {
    %mul3A = arith.constant 2 : i32
    %mul3A_0 = arith.muli %arg1, %mul3A : i32
    %add3A = arith.addi %mul3A_0, %arg0 : i32
    %broadcast_in_dim3A = arith.constant 0.000000e+00 : f32
    %broadcast_in_dim3A_1 = vector.broadcast %broadcast_in_dim3A : f32 to vector<16xf32>
    %scan3A = arith.constant 0 : i32
    %scan3A_2 = arith.constant 0 : i32
    %scan3A_3 = arith.constant 40 : i32
    %scan3A_4 = arith.addi %scan3A_2, %scan3A_3 : i32
    %scan3A_5 = arith.constant 1 : i32
    %scan3A_6 = scf.for %scan3A_22 = %scan3A_2 to %scan3A_4 step %scan3A_5 iter_args(%scan3A_23 = %scan3A) -> (i32)  : i32 {
      %mul3A_24 = arith.constant 16 : i32
      %mul3A_25 = arith.muli %scan3A_22, %mul3A_24 : i32
      %swap3A = arith.index_cast %mul3A_25 : i32 to index
      %swap3A_26 = tpu.vector_load %arg7[%swap3A] {strides = array<i32>} : memref<640xf32, #tpu.memory_space<vmem>>, vector<16xf32>,
      %swap3A_27 = vector.shape_cast %swap3A_26 : vector<16xf32> to vector<16xf32>
      %swap3A_28 = vector.shape_cast %broadcast_in_dim3A_1 : vector<16xf32> to vector<16xf32>
      tpu.vector_store %arg7[%swap3A], %swap3A_28 {strides = array<i32>} : memref<640xf32, #tpu.memory_space<vmem>>, vector<16xf32>,
      %scan3A_29 = arith.constant 0 : i32
      scf.yield %scan3A_29 : i32
    }
    %scan3A_7 = arith.constant 40 : i32
    %mul3A_8 = arith.constant 640 : i32
    %mul3A_9 = arith.muli %arg1, %mul3A_8 : i32
    "tpu.region"() ({
      %run_scoped3A = tpu.sem_alloc : memref<!tpu.dma_semaphore, #tpu.memory_space<semaphore_mem>>
      %dma_start3A = tpu.memref_slice %arg8[%mul3A_9] : memref<10240xf32, #tpu.memory_space<vmem_shared>> -> memref<640xf32, #tpu.memory_space<vmem_shared>>
      %dma_start3A_22 = tpu.memref_slice %arg8[%mul3A_9] : memref<10240xf32, #tpu.memory_space<vmem_shared>> -> memref<640xf32, #tpu.memory_space<vmem_shared>>
      tpu.enqueue_dma source(%arg7 : memref<640xf32, #tpu.memory_space<vmem>>) target(%dma_start3A_22 : memref<640xf32, #tpu.memory_space<vmem_shared>>) target_semaphore(%run_scoped3A : memref<!tpu.dma_semaphore, #tpu.memory_space<semaphore_mem>>)
      %dma_wait3A = tpu.memref_slice %arg8[%mul3A_9] : memref<10240xf32, #tpu.memory_space<vmem_shared>> -> memref<640xf32, #tpu.memory_space<vmem_shared>>
      %dma_wait3A_23 = tpu.memref_slice %arg8[%mul3A_9] : memref<10240xf32, #tpu.memory_space<vmem_shared>> -> memref<640xf32, #tpu.memory_space<vmem_shared>>
      tpu.wait_dma2 semaphore(%run_scoped3A : memref<!tpu.dma_semaphore, #tpu.memory_space<semaphore_mem>>) src(%arg7 : memref<640xf32, #tpu.memory_space<vmem>>) dst(%dma_wait3A_23 : memref<640xf32, #tpu.memory_space<vmem_shared>>)
      tpu.yield
    }) : () -> ()
    %barrier3A = arith.constant 0 : index
    tpu.barrier barrier_id(%barrier3A)
    %scan3A_10 = arith.constant 0 : i32
    %scan3A_11 = arith.constant 0 : i32
    %scan3A_12 = arith.constant 79 : i32
    %scan3A_13 = arith.addi %scan3A_11, %scan3A_12 : i32
    %scan3A_14 = arith.constant 1 : i32
    %scan3A_15 = scf.for %scan3A_22 = %scan3A_11 to %scan3A_13 step %scan3A_14 iter_args(%scan3A_23 = %scan3A_10) -> (i32)  : i32 {
      %mul3A_24 = arith.constant 10112 : i32
      %mul3A_25 = arith.muli %add3A, %mul3A_24 : i32
      %mul3A_26 = arith.constant 128 : i32
      %mul3A_27 = arith.muli %scan3A_22, %mul3A_26 : i32
      %add3A_28 = arith.addi %mul3A_25, %mul3A_27 : i32
      "tpu.region"() ({
        %run_scoped3A = tpu.sem_alloc : memref<!tpu.dma_semaphore, #tpu.memory_space<semaphore_mem>>
        %dma_start3A = tpu.memref_slice %arg2[%add3A_28] : memref<323584xi32, #tpu.memory_space<hbm>> -> memref<128xi32, #tpu.memory_space<hbm>>
        %dma_start3A_30 = tpu.memref_slice %arg2[%add3A_28] : memref<323584xi32, #tpu.memory_space<hbm>> -> memref<128xi32, #tpu.memory_space<hbm>>
        tpu.enqueue_dma source(%dma_start3A_30 : memref<128xi32, #tpu.memory_space<hbm>>) target(%arg5 : memref<128xi32, #tpu.memory_space<vmem>>) target_semaphore(%run_scoped3A : memref<!tpu.dma_semaphore, #tpu.memory_space<semaphore_mem>>)
        %dma_wait3A = tpu.memref_slice %arg2[%add3A_28] : memref<323584xi32, #tpu.memory_space<hbm>> -> memref<128xi32, #tpu.memory_space<hbm>>
        %dma_wait3A_31 = tpu.memref_slice %arg2[%add3A_28] : memref<323584xi32, #tpu.memory_space<hbm>> -> memref<128xi32, #tpu.memory_space<hbm>>
        tpu.wait_dma2 semaphore(%run_scoped3A : memref<!tpu.dma_semaphore, #tpu.memory_space<semaphore_mem>>) src(%dma_wait3A_31 : memref<128xi32, #tpu.memory_space<hbm>>) dst(%arg5 : memref<128xi32, #tpu.memory_space<vmem>>)
        tpu.yield
      }) : () -> ()
      "tpu.region"() ({
        %run_scoped3A = tpu.sem_alloc : memref<!tpu.dma_semaphore, #tpu.memory_space<semaphore_mem>>
        %dma_start3A = tpu.memref_slice %arg3[%add3A_28] : memref<323584xf32, #tpu.memory_space<hbm>> -> memref<128xf32, #tpu.memory_space<hbm>>
        %dma_start3A_30 = tpu.memref_slice %arg3[%add3A_28] : memref<323584xf32, #tpu.memory_space<hbm>> -> memref<128xf32, #tpu.memory_space<hbm>>
        tpu.enqueue_dma source(%dma_start3A_30 : memref<128xf32, #tpu.memory_space<hbm>>) target(%arg6 : memref<128xf32, #tpu.memory_space<vmem>>) target_semaphore(%run_scoped3A : memref<!tpu.dma_semaphore, #tpu.memory_space<semaphore_mem>>)
        %dma_wait3A = tpu.memref_slice %arg3[%add3A_28] : memref<323584xf32, #tpu.memory_space<hbm>> -> memref<128xf32, #tpu.memory_space<hbm>>
        %dma_wait3A_31 = tpu.memref_slice %arg3[%add3A_28] : memref<323584xf32, #tpu.memory_space<hbm>> -> memref<128xf32, #tpu.memory_space<hbm>>
        tpu.wait_dma2 semaphore(%run_scoped3A : memref<!tpu.dma_semaphore, #tpu.memory_space<semaphore_mem>>) src(%dma_wait3A_31 : memref<128xf32, #tpu.memory_space<hbm>>) dst(%arg6 : memref<128xf32, #tpu.memory_space<vmem>>)
        tpu.yield
      }) : () -> ()
      "tpu.region"() ({
        %run_scoped3A = tpu.sem_alloc : memref<!tpu.dma_semaphore, #tpu.memory_space<semaphore_mem>>
        %dma_start3A = arith.constant 0 : i32
        %dma_start3A_30 = tpu.memref_slice %arg8[%dma_start3A] : memref<10240xf32, #tpu.memory_space<vmem_shared>> -> memref<10240xf32, #tpu.memory_space<vmem_shared>>
        tpu.enqueue_indirect_dma source(%arg6 : memref<128xf32, #tpu.memory_space<vmem>>) target(%dma_start3A_30 : memref<10240xf32, #tpu.memory_space<vmem_shared>>) offsets(%arg5 : memref<128xi32, #tpu.memory_space<vmem>>) semaphore(%run_scoped3A : memref<!tpu.dma_semaphore, #tpu.memory_space<semaphore_mem>>) {add = true}
        %dma_wait3A = arith.constant 0 : i32
        %dma_wait3A_31 = tpu.memref_slice %arg8[%dma_wait3A] : memref<10240xf32, #tpu.memory_space<vmem_shared>> -> memref<10240xf32, #tpu.memory_space<vmem_shared>>
        tpu.wait_indirect_dma semaphore(%run_scoped3A : memref<!tpu.dma_semaphore, #tpu.memory_space<semaphore_mem>>) src(%arg6 : memref<128xf32, #tpu.memory_space<vmem>>) dst(%dma_wait3A_31 : memref<10240xf32, #tpu.memory_space<vmem_shared>>)
        tpu.yield
      }) : () -> ()
      %scan3A_29 = arith.constant 0 : i32
      scf.yield %scan3A_29 : i32
    }
    %scan3A_16 = arith.constant 79 : i32
    %barrier3A_17 = arith.constant 0 : index
    tpu.barrier barrier_id(%barrier3A_17)
    %mul3A_18 = arith.constant 640 : i32
    %mul3A_19 = arith.muli %arg1, %mul3A_18 : i32
    "tpu.region"() ({
      %run_scoped3A = tpu.sem_alloc : memref<!tpu.dma_semaphore, #tpu.memory_space<semaphore_mem>>
      %dma_start3A = tpu.memref_slice %arg8[%mul3A_19] : memref<10240xf32, #tpu.memory_space<vmem_shared>> -> memref<640xf32, #tpu.memory_space<vmem_shared>>
      %dma_start3A_22 = tpu.memref_slice %arg8[%mul3A_19] : memref<10240xf32, #tpu.memory_space<vmem_shared>> -> memref<640xf32, #tpu.memory_space<vmem_shared>>
      tpu.enqueue_dma source(%dma_start3A_22 : memref<640xf32, #tpu.memory_space<vmem_shared>>) target(%arg7 : memref<640xf32, #tpu.memory_space<vmem>>) target_semaphore(%run_scoped3A : memref<!tpu.dma_semaphore, #tpu.memory_space<semaphore_mem>>)
      %dma_wait3A = tpu.memref_slice %arg8[%mul3A_19] : memref<10240xf32, #tpu.memory_space<vmem_shared>> -> memref<640xf32, #tpu.memory_space<vmem_shared>>
      %dma_wait3A_23 = tpu.memref_slice %arg8[%mul3A_19] : memref<10240xf32, #tpu.memory_space<vmem_shared>> -> memref<640xf32, #tpu.memory_space<vmem_shared>>
      tpu.wait_dma2 semaphore(%run_scoped3A : memref<!tpu.dma_semaphore, #tpu.memory_space<semaphore_mem>>) src(%dma_wait3A_23 : memref<640xf32, #tpu.memory_space<vmem_shared>>) dst(%arg7 : memref<640xf32, #tpu.memory_space<vmem>>)
      tpu.yield
    }) : () -> ()
    %mul3A_20 = arith.constant 640 : i32
    %mul3A_21 = arith.muli %arg1, %mul3A_20 : i32
    "tpu.region"() ({
      %run_scoped3A = tpu.sem_alloc : memref<!tpu.dma_semaphore, #tpu.memory_space<semaphore_mem>>
      %dma_start3A = tpu.memref_slice %arg4[%arg0, %mul3A_21] : memref<2x10240xf32, #tpu.memory_space<hbm>> -> memref<1x640xf32, #tpu.memory_space<hbm>>
      %dma_start3A_22 = tpu.memref_squeeze %dma_start3A : memref<1x640xf32, #tpu.memory_space<hbm>> -> memref<640xf32, #tpu.memory_space<hbm>>
      %dma_start3A_23 = tpu.memref_slice %arg4[%arg0, %mul3A_21] : memref<2x10240xf32, #tpu.memory_space<hbm>> -> memref<1x640xf32, #tpu.memory_space<hbm>>
      %dma_start3A_24 = tpu.memref_squeeze %dma_start3A_23 : memref<1x640xf32, #tpu.memory_space<hbm>> -> memref<640xf32, #tpu.memory_space<hbm>>
      tpu.enqueue_dma source(%arg7 : memref<640xf32, #tpu.memory_space<vmem>>) target(%dma_start3A_24 : memref<640xf32, #tpu.memory_space<hbm>>) target_semaphore(%run_scoped3A : memref<!tpu.dma_semaphore, #tpu.memory_space<semaphore_mem>>)
      %dma_wait3A = tpu.memref_slice %arg4[%arg0, %mul3A_21] : memref<2x10240xf32, #tpu.memory_space<hbm>> -> memref<1x640xf32, #tpu.memory_space<hbm>>
      %dma_wait3A_25 = tpu.memref_squeeze %dma_wait3A : memref<1x640xf32, #tpu.memory_space<hbm>> -> memref<640xf32, #tpu.memory_space<hbm>>
      %dma_wait3A_26 = tpu.memref_slice %arg4[%arg0, %mul3A_21] : memref<2x10240xf32, #tpu.memory_space<hbm>> -> memref<1x640xf32, #tpu.memory_space<hbm>>
      %dma_wait3A_27 = tpu.memref_squeeze %dma_wait3A_26 : memref<1x640xf32, #tpu.memory_space<hbm>> -> memref<640xf32, #tpu.memory_space<hbm>>
      tpu.wait_dma2 semaphore(%run_scoped3A : memref<!tpu.dma_semaphore, #tpu.memory_space<semaphore_mem>>) src(%arg7 : memref<640xf32, #tpu.memory_space<vmem>>) dst(%dma_wait3A_27 : memref<640xf32, #tpu.memory_space<hbm>>)
      tpu.yield
    }) : () -> ()
    return
  }
}

#map = affine_map<(d0, d1) -> (0)>
#map1 = affine_map<(d0, d1) -> (0, 0)>
#map2 = affine_map<(d0, d1) -> (0, 0, 0)>
module attributes {stable_mosaic.version = 14 : i64} {
  func.func @_agg_body(%arg0: i32, %arg1: i32, %arg2: memref<323584xi32, #tpu.memory_space<hbm>>, %arg3: memref<323584xi32, #tpu.memory_space<hbm>>, %arg4: memref<323584xf32, #tpu.memory_space<hbm>>, %arg5: memref<10000x128xf32, #tpu.memory_space<hbm>>, %arg6: memref<2x10240x128xf32, #tpu.memory_space<hbm>>, %arg7: memref<128xi32, #tpu.memory_space<vmem>>, %arg8: memref<128xi32, #tpu.memory_space<vmem>>, %arg9: memref<128xf32, #tpu.memory_space<vmem>>, %arg10: memref<128x128xf32, #tpu.memory_space<vmem>>, %arg11: memref<160x128xf32, #tpu.memory_space<vmem>>, %arg12: memref<10240x128xf32, #tpu.memory_space<vmem_shared>>, %arg13: memref<!tpu.dma_semaphore, #tpu.memory_space<semaphore_mem>>) attributes {dimension_semantics = [#tpu.dimension_semantics<core_parallel>, #tpu.dimension_semantics<subcore_parallel>], iteration_bounds = array<i64: 2, 16>, scalar_prefetch = 0 : i64, scratch_operands = 7 : i64, tpu.core_type = #tpu.core_type<sc_vector_subcore>, window_params = [{transform_indices = #map}, {transform_indices = #map}, {transform_indices = #map}, {transform_indices = #map1}, {transform_indices = #map2}]} {
    %mul3A = arith.constant 2 : i32
    %mul3A_0 = arith.muli %arg1, %mul3A : i32
    %add3A = arith.addi %mul3A_0, %arg0 : i32
    %broadcast_in_dim3A = arith.constant 0.000000e+00 : f32
    %broadcast_in_dim3A_1 = vector.broadcast %broadcast_in_dim3A : f32 to vector<16xf32>
    %scan3A = arith.constant 0 : i32
    %scan3A_2 = arith.constant 0 : i32
    %scan3A_3 = arith.constant 160 : i32
    %scan3A_4 = arith.addi %scan3A_2, %scan3A_3 : i32
    %scan3A_5 = arith.constant 1 : i32
    %scan3A_6 = scf.for %scan3A_48 = %scan3A_2 to %scan3A_4 step %scan3A_5 iter_args(%scan3A_49 = %scan3A) -> (i32)  : i32 {
      %swap3A = arith.index_cast %scan3A_48 : i32 to index
      %swap3A_50 = arith.constant 0 : index
      %swap3A_51 = tpu.vector_load %arg11[%swap3A, %swap3A_50] {strides = array<i32>} : memref<160x128xf32, #tpu.memory_space<vmem>>, vector<1x16xf32>,
      %swap3A_52 = vector.shape_cast %swap3A_51 : vector<1x16xf32> to vector<16xf32>
      %swap3A_53 = vector.shape_cast %broadcast_in_dim3A_1 : vector<16xf32> to vector<1x16xf32>
      tpu.vector_store %arg11[%swap3A, %swap3A_50], %swap3A_53 {strides = array<i32>} : memref<160x128xf32, #tpu.memory_space<vmem>>, vector<1x16xf32>,
      %swap3A_54 = arith.index_cast %scan3A_48 : i32 to index
      %swap3A_55 = arith.constant 16 : index
      %swap3A_56 = tpu.vector_load %arg11[%swap3A_54, %swap3A_55] {strides = array<i32>} : memref<160x128xf32, #tpu.memory_space<vmem>>, vector<1x16xf32>,
      %swap3A_57 = vector.shape_cast %swap3A_56 : vector<1x16xf32> to vector<16xf32>
      %swap3A_58 = vector.shape_cast %broadcast_in_dim3A_1 : vector<16xf32> to vector<1x16xf32>
      tpu.vector_store %arg11[%swap3A_54, %swap3A_55], %swap3A_58 {strides = array<i32>} : memref<160x128xf32, #tpu.memory_space<vmem>>, vector<1x16xf32>,
      %swap3A_59 = arith.index_cast %scan3A_48 : i32 to index
      %swap3A_60 = arith.constant 32 : index
      %swap3A_61 = tpu.vector_load %arg11[%swap3A_59, %swap3A_60] {strides = array<i32>} : memref<160x128xf32, #tpu.memory_space<vmem>>, vector<1x16xf32>,
      %swap3A_62 = vector.shape_cast %swap3A_61 : vector<1x16xf32> to vector<16xf32>
      %swap3A_63 = vector.shape_cast %broadcast_in_dim3A_1 : vector<16xf32> to vector<1x16xf32>
      tpu.vector_store %arg11[%swap3A_59, %swap3A_60], %swap3A_63 {strides = array<i32>} : memref<160x128xf32, #tpu.memory_space<vmem>>, vector<1x16xf32>,
      %swap3A_64 = arith.index_cast %scan3A_48 : i32 to index
      %swap3A_65 = arith.constant 48 : index
      %swap3A_66 = tpu.vector_load %arg11[%swap3A_64, %swap3A_65] {strides = array<i32>} : memref<160x128xf32, #tpu.memory_space<vmem>>, vector<1x16xf32>,
      %swap3A_67 = vector.shape_cast %swap3A_66 : vector<1x16xf32> to vector<16xf32>
      %swap3A_68 = vector.shape_cast %broadcast_in_dim3A_1 : vector<16xf32> to vector<1x16xf32>
      tpu.vector_store %arg11[%swap3A_64, %swap3A_65], %swap3A_68 {strides = array<i32>} : memref<160x128xf32, #tpu.memory_space<vmem>>, vector<1x16xf32>,
      %swap3A_69 = arith.index_cast %scan3A_48 : i32 to index
      %swap3A_70 = arith.constant 64 : index
      %swap3A_71 = tpu.vector_load %arg11[%swap3A_69, %swap3A_70] {strides = array<i32>} : memref<160x128xf32, #tpu.memory_space<vmem>>, vector<1x16xf32>,
      %swap3A_72 = vector.shape_cast %swap3A_71 : vector<1x16xf32> to vector<16xf32>
      %swap3A_73 = vector.shape_cast %broadcast_in_dim3A_1 : vector<16xf32> to vector<1x16xf32>
      tpu.vector_store %arg11[%swap3A_69, %swap3A_70], %swap3A_73 {strides = array<i32>} : memref<160x128xf32, #tpu.memory_space<vmem>>, vector<1x16xf32>,
      %swap3A_74 = arith.index_cast %scan3A_48 : i32 to index
      %swap3A_75 = arith.constant 80 : index
      %swap3A_76 = tpu.vector_load %arg11[%swap3A_74, %swap3A_75] {strides = array<i32>} : memref<160x128xf32, #tpu.memory_space<vmem>>, vector<1x16xf32>,
      %swap3A_77 = vector.shape_cast %swap3A_76 : vector<1x16xf32> to vector<16xf32>
      %swap3A_78 = vector.shape_cast %broadcast_in_dim3A_1 : vector<16xf32> to vector<1x16xf32>
      tpu.vector_store %arg11[%swap3A_74, %swap3A_75], %swap3A_78 {strides = array<i32>} : memref<160x128xf32, #tpu.memory_space<vmem>>, vector<1x16xf32>,
      %swap3A_79 = arith.index_cast %scan3A_48 : i32 to index
      %swap3A_80 = arith.constant 96 : index
      %swap3A_81 = tpu.vector_load %arg11[%swap3A_79, %swap3A_80] {strides = array<i32>} : memref<160x128xf32, #tpu.memory_space<vmem>>, vector<1x16xf32>,
      %swap3A_82 = vector.shape_cast %swap3A_81 : vector<1x16xf32> to vector<16xf32>
      %swap3A_83 = vector.shape_cast %broadcast_in_dim3A_1 : vector<16xf32> to vector<1x16xf32>
      tpu.vector_store %arg11[%swap3A_79, %swap3A_80], %swap3A_83 {strides = array<i32>} : memref<160x128xf32, #tpu.memory_space<vmem>>, vector<1x16xf32>,
      %swap3A_84 = arith.index_cast %scan3A_48 : i32 to index
      %swap3A_85 = arith.constant 112 : index
      %swap3A_86 = tpu.vector_load %arg11[%swap3A_84, %swap3A_85] {strides = array<i32>} : memref<160x128xf32, #tpu.memory_space<vmem>>, vector<1x16xf32>,
      %swap3A_87 = vector.shape_cast %swap3A_86 : vector<1x16xf32> to vector<16xf32>
      %swap3A_88 = vector.shape_cast %broadcast_in_dim3A_1 : vector<16xf32> to vector<1x16xf32>
      tpu.vector_store %arg11[%swap3A_84, %swap3A_85], %swap3A_88 {strides = array<i32>} : memref<160x128xf32, #tpu.memory_space<vmem>>, vector<1x16xf32>,
      %scan3A_89 = arith.constant 0 : i32
      scf.yield %scan3A_89 : i32
    }
    %scan3A_7 = arith.constant 160 : i32
    %mul3A_8 = arith.constant 640 : i32
    %mul3A_9 = arith.muli %arg1, %mul3A_8 : i32
    %add3A_10 = arith.constant 0 : i32
    %add3A_11 = arith.addi %mul3A_9, %add3A_10 : i32
    "tpu.region"() ({
      %run_scoped3A = tpu.sem_alloc : memref<!tpu.dma_semaphore, #tpu.memory_space<semaphore_mem>>
      %dma_start3A = arith.constant 0 : i32
      %dma_start3A_48 = tpu.memref_slice %arg12[%add3A_11, %dma_start3A] : memref<10240x128xf32, #tpu.memory_space<vmem_shared>> -> memref<160x128xf32, #tpu.memory_space<vmem_shared>>
      %dma_start3A_49 = arith.constant 0 : i32
      %dma_start3A_50 = tpu.memref_slice %arg12[%add3A_11, %dma_start3A_49] : memref<10240x128xf32, #tpu.memory_space<vmem_shared>> -> memref<160x128xf32, #tpu.memory_space<vmem_shared>>
      tpu.enqueue_dma source(%arg11 : memref<160x128xf32, #tpu.memory_space<vmem>>) target(%dma_start3A_50 : memref<160x128xf32, #tpu.memory_space<vmem_shared>>) target_semaphore(%run_scoped3A : memref<!tpu.dma_semaphore, #tpu.memory_space<semaphore_mem>>)
      %dma_wait3A = arith.constant 0 : i32
      %dma_wait3A_51 = tpu.memref_slice %arg12[%add3A_11, %dma_wait3A] : memref<10240x128xf32, #tpu.memory_space<vmem_shared>> -> memref<160x128xf32, #tpu.memory_space<vmem_shared>>
      %dma_wait3A_52 = arith.constant 0 : i32
      %dma_wait3A_53 = tpu.memref_slice %arg12[%add3A_11, %dma_wait3A_52] : memref<10240x128xf32, #tpu.memory_space<vmem_shared>> -> memref<160x128xf32, #tpu.memory_space<vmem_shared>>
      tpu.wait_dma2 semaphore(%run_scoped3A : memref<!tpu.dma_semaphore, #tpu.memory_space<semaphore_mem>>) src(%arg11 : memref<160x128xf32, #tpu.memory_space<vmem>>) dst(%dma_wait3A_53 : memref<160x128xf32, #tpu.memory_space<vmem_shared>>)
      tpu.yield
    }) : () -> ()
    %mul3A_12 = arith.constant 640 : i32
    %mul3A_13 = arith.muli %arg1, %mul3A_12 : i32
    %add3A_14 = arith.constant 160 : i32
    %add3A_15 = arith.addi %mul3A_13, %add3A_14 : i32
    "tpu.region"() ({
      %run_scoped3A = tpu.sem_alloc : memref<!tpu.dma_semaphore, #tpu.memory_space<semaphore_mem>>
      %dma_start3A = arith.constant 0 : i32
      %dma_start3A_48 = tpu.memref_slice %arg12[%add3A_15, %dma_start3A] : memref<10240x128xf32, #tpu.memory_space<vmem_shared>> -> memref<160x128xf32, #tpu.memory_space<vmem_shared>>
      %dma_start3A_49 = arith.constant 0 : i32
      %dma_start3A_50 = tpu.memref_slice %arg12[%add3A_15, %dma_start3A_49] : memref<10240x128xf32, #tpu.memory_space<vmem_shared>> -> memref<160x128xf32, #tpu.memory_space<vmem_shared>>
      tpu.enqueue_dma source(%arg11 : memref<160x128xf32, #tpu.memory_space<vmem>>) target(%dma_start3A_50 : memref<160x128xf32, #tpu.memory_space<vmem_shared>>) target_semaphore(%run_scoped3A : memref<!tpu.dma_semaphore, #tpu.memory_space<semaphore_mem>>)
      %dma_wait3A = arith.constant 0 : i32
      %dma_wait3A_51 = tpu.memref_slice %arg12[%add3A_15, %dma_wait3A] : memref<10240x128xf32, #tpu.memory_space<vmem_shared>> -> memref<160x128xf32, #tpu.memory_space<vmem_shared>>
      %dma_wait3A_52 = arith.constant 0 : i32
      %dma_wait3A_53 = tpu.memref_slice %arg12[%add3A_15, %dma_wait3A_52] : memref<10240x128xf32, #tpu.memory_space<vmem_shared>> -> memref<160x128xf32, #tpu.memory_space<vmem_shared>>
      tpu.wait_dma2 semaphore(%run_scoped3A : memref<!tpu.dma_semaphore, #tpu.memory_space<semaphore_mem>>) src(%arg11 : memref<160x128xf32, #tpu.memory_space<vmem>>) dst(%dma_wait3A_53 : memref<160x128xf32, #tpu.memory_space<vmem_shared>>)
      tpu.yield
    }) : () -> ()
    %mul3A_16 = arith.constant 640 : i32
    %mul3A_17 = arith.muli %arg1, %mul3A_16 : i32
    %add3A_18 = arith.constant 320 : i32
    %add3A_19 = arith.addi %mul3A_17, %add3A_18 : i32
    "tpu.region"() ({
      %run_scoped3A = tpu.sem_alloc : memref<!tpu.dma_semaphore, #tpu.memory_space<semaphore_mem>>
      %dma_start3A = arith.constant 0 : i32
      %dma_start3A_48 = tpu.memref_slice %arg12[%add3A_19, %dma_start3A] : memref<10240x128xf32, #tpu.memory_space<vmem_shared>> -> memref<160x128xf32, #tpu.memory_space<vmem_shared>>
      %dma_start3A_49 = arith.constant 0 : i32
      %dma_start3A_50 = tpu.memref_slice %arg12[%add3A_19, %dma_start3A_49] : memref<10240x128xf32, #tpu.memory_space<vmem_shared>> -> memref<160x128xf32, #tpu.memory_space<vmem_shared>>
      tpu.enqueue_dma source(%arg11 : memref<160x128xf32, #tpu.memory_space<vmem>>) target(%dma_start3A_50 : memref<160x128xf32, #tpu.memory_space<vmem_shared>>) target_semaphore(%run_scoped3A : memref<!tpu.dma_semaphore, #tpu.memory_space<semaphore_mem>>)
      %dma_wait3A = arith.constant 0 : i32
      %dma_wait3A_51 = tpu.memref_slice %arg12[%add3A_19, %dma_wait3A] : memref<10240x128xf32, #tpu.memory_space<vmem_shared>> -> memref<160x128xf32, #tpu.memory_space<vmem_shared>>
      %dma_wait3A_52 = arith.constant 0 : i32
      %dma_wait3A_53 = tpu.memref_slice %arg12[%add3A_19, %dma_wait3A_52] : memref<10240x128xf32, #tpu.memory_space<vmem_shared>> -> memref<160x128xf32, #tpu.memory_space<vmem_shared>>
      tpu.wait_dma2 semaphore(%run_scoped3A : memref<!tpu.dma_semaphore, #tpu.memory_space<semaphore_mem>>) src(%arg11 : memref<160x128xf32, #tpu.memory_space<vmem>>) dst(%dma_wait3A_53 : memref<160x128xf32, #tpu.memory_space<vmem_shared>>)
      tpu.yield
    }) : () -> ()
    %mul3A_20 = arith.constant 640 : i32
    %mul3A_21 = arith.muli %arg1, %mul3A_20 : i32
    %add3A_22 = arith.constant 480 : i32
    %add3A_23 = arith.addi %mul3A_21, %add3A_22 : i32
    "tpu.region"() ({
      %run_scoped3A = tpu.sem_alloc : memref<!tpu.dma_semaphore, #tpu.memory_space<semaphore_mem>>
      %dma_start3A = arith.constant 0 : i32
      %dma_start3A_48 = tpu.memref_slice %arg12[%add3A_23, %dma_start3A] : memref<10240x128xf32, #tpu.memory_space<vmem_shared>> -> memref<160x128xf32, #tpu.memory_space<vmem_shared>>
      %dma_start3A_49 = arith.constant 0 : i32
      %dma_start3A_50 = tpu.memref_slice %arg12[%add3A_23, %dma_start3A_49] : memref<10240x128xf32, #tpu.memory_space<vmem_shared>> -> memref<160x128xf32, #tpu.memory_space<vmem_shared>>
      tpu.enqueue_dma source(%arg11 : memref<160x128xf32, #tpu.memory_space<vmem>>) target(%dma_start3A_50 : memref<160x128xf32, #tpu.memory_space<vmem_shared>>) target_semaphore(%run_scoped3A : memref<!tpu.dma_semaphore, #tpu.memory_space<semaphore_mem>>)
      %dma_wait3A = arith.constant 0 : i32
      %dma_wait3A_51 = tpu.memref_slice %arg12[%add3A_23, %dma_wait3A] : memref<10240x128xf32, #tpu.memory_space<vmem_shared>> -> memref<160x128xf32, #tpu.memory_space<vmem_shared>>
      %dma_wait3A_52 = arith.constant 0 : i32
      %dma_wait3A_53 = tpu.memref_slice %arg12[%add3A_23, %dma_wait3A_52] : memref<10240x128xf32, #tpu.memory_space<vmem_shared>> -> memref<160x128xf32, #tpu.memory_space<vmem_shared>>
      tpu.wait_dma2 semaphore(%run_scoped3A : memref<!tpu.dma_semaphore, #tpu.memory_space<semaphore_mem>>) src(%arg11 : memref<160x128xf32, #tpu.memory_space<vmem>>) dst(%dma_wait3A_53 : memref<160x128xf32, #tpu.memory_space<vmem_shared>>)
      tpu.yield
    }) : () -> ()
    %barrier3A = arith.constant 0 : index
    tpu.barrier barrier_id(%barrier3A)
    %scan3A_24 = arith.constant 0 : i32
    %scan3A_25 = arith.constant 0 : i32
    %scan3A_26 = arith.constant 79 : i32
    %scan3A_27 = arith.addi %scan3A_25, %scan3A_26 : i32
    %scan3A_28 = arith.constant 1 : i32
    %scan3A_29 = scf.for %scan3A_48 = %scan3A_25 to %scan3A_27 step %scan3A_28 iter_args(%scan3A_49 = %scan3A_24) -> (i32)  : i32 {
      %mul3A_50 = arith.constant 10112 : i32
      %mul3A_51 = arith.muli %add3A, %mul3A_50 : i32
      %mul3A_52 = arith.constant 128 : i32
      %mul3A_53 = arith.muli %scan3A_48, %mul3A_52 : i32
      %add3A_54 = arith.addi %mul3A_51, %mul3A_53 : i32
      "tpu.region"() ({
        %run_scoped3A = tpu.sem_alloc : memref<!tpu.dma_semaphore, #tpu.memory_space<semaphore_mem>>
        %dma_start3A_67 = tpu.memref_slice %arg2[%add3A_54] : memref<323584xi32, #tpu.memory_space<hbm>> -> memref<128xi32, #tpu.memory_space<hbm>>
        %dma_start3A_68 = tpu.memref_slice %arg2[%add3A_54] : memref<323584xi32, #tpu.memory_space<hbm>> -> memref<128xi32, #tpu.memory_space<hbm>>
        tpu.enqueue_dma source(%dma_start3A_68 : memref<128xi32, #tpu.memory_space<hbm>>) target(%arg7 : memref<128xi32, #tpu.memory_space<vmem>>) target_semaphore(%run_scoped3A : memref<!tpu.dma_semaphore, #tpu.memory_space<semaphore_mem>>)
        %dma_wait3A_69 = tpu.memref_slice %arg2[%add3A_54] : memref<323584xi32, #tpu.memory_space<hbm>> -> memref<128xi32, #tpu.memory_space<hbm>>
        %dma_wait3A_70 = tpu.memref_slice %arg2[%add3A_54] : memref<323584xi32, #tpu.memory_space<hbm>> -> memref<128xi32, #tpu.memory_space<hbm>>
        tpu.wait_dma2 semaphore(%run_scoped3A : memref<!tpu.dma_semaphore, #tpu.memory_space<semaphore_mem>>) src(%dma_wait3A_70 : memref<128xi32, #tpu.memory_space<hbm>>) dst(%arg7 : memref<128xi32, #tpu.memory_space<vmem>>)
        tpu.yield
      }) : () -> ()
      "tpu.region"() ({
        %run_scoped3A = tpu.sem_alloc : memref<!tpu.dma_semaphore, #tpu.memory_space<semaphore_mem>>
        %dma_start3A_67 = tpu.memref_slice %arg3[%add3A_54] : memref<323584xi32, #tpu.memory_space<hbm>> -> memref<128xi32, #tpu.memory_space<hbm>>
        %dma_start3A_68 = tpu.memref_slice %arg3[%add3A_54] : memref<323584xi32, #tpu.memory_space<hbm>> -> memref<128xi32, #tpu.memory_space<hbm>>
        tpu.enqueue_dma source(%dma_start3A_68 : memref<128xi32, #tpu.memory_space<hbm>>) target(%arg8 : memref<128xi32, #tpu.memory_space<vmem>>) target_semaphore(%run_scoped3A : memref<!tpu.dma_semaphore, #tpu.memory_space<semaphore_mem>>)
        %dma_wait3A_69 = tpu.memref_slice %arg3[%add3A_54] : memref<323584xi32, #tpu.memory_space<hbm>> -> memref<128xi32, #tpu.memory_space<hbm>>
        %dma_wait3A_70 = tpu.memref_slice %arg3[%add3A_54] : memref<323584xi32, #tpu.memory_space<hbm>> -> memref<128xi32, #tpu.memory_space<hbm>>
        tpu.wait_dma2 semaphore(%run_scoped3A : memref<!tpu.dma_semaphore, #tpu.memory_space<semaphore_mem>>) src(%dma_wait3A_70 : memref<128xi32, #tpu.memory_space<hbm>>) dst(%arg8 : memref<128xi32, #tpu.memory_space<vmem>>)
        tpu.yield
      }) : () -> ()
      "tpu.region"() ({
        %run_scoped3A = tpu.sem_alloc : memref<!tpu.dma_semaphore, #tpu.memory_space<semaphore_mem>>
        %dma_start3A_67 = tpu.memref_slice %arg4[%add3A_54] : memref<323584xf32, #tpu.memory_space<hbm>> -> memref<128xf32, #tpu.memory_space<hbm>>
        %dma_start3A_68 = tpu.memref_slice %arg4[%add3A_54] : memref<323584xf32, #tpu.memory_space<hbm>> -> memref<128xf32, #tpu.memory_space<hbm>>
        tpu.enqueue_dma source(%dma_start3A_68 : memref<128xf32, #tpu.memory_space<hbm>>) target(%arg9 : memref<128xf32, #tpu.memory_space<vmem>>) target_semaphore(%run_scoped3A : memref<!tpu.dma_semaphore, #tpu.memory_space<semaphore_mem>>)
        %dma_wait3A_69 = tpu.memref_slice %arg4[%add3A_54] : memref<323584xf32, #tpu.memory_space<hbm>> -> memref<128xf32, #tpu.memory_space<hbm>>
        %dma_wait3A_70 = tpu.memref_slice %arg4[%add3A_54] : memref<323584xf32, #tpu.memory_space<hbm>> -> memref<128xf32, #tpu.memory_space<hbm>>
        tpu.wait_dma2 semaphore(%run_scoped3A : memref<!tpu.dma_semaphore, #tpu.memory_space<semaphore_mem>>) src(%dma_wait3A_70 : memref<128xf32, #tpu.memory_space<hbm>>) dst(%arg9 : memref<128xf32, #tpu.memory_space<vmem>>)
        tpu.yield
      }) : () -> ()
      %dma_start3A = arith.constant 0 : i32
      %dma_start3A_55 = arith.constant 0 : i32
      %dma_start3A_56 = tpu.memref_slice %arg5[%dma_start3A, %dma_start3A_55] : memref<10000x128xf32, #tpu.memory_space<hbm>> -> memref<10000x128xf32, #tpu.memory_space<hbm>>
      tpu.enqueue_indirect_dma source(%dma_start3A_56 : memref<10000x128xf32, #tpu.memory_space<hbm>>) target(%arg10 : memref<128x128xf32, #tpu.memory_space<vmem>>) offsets(%arg7 : memref<128xi32, #tpu.memory_space<vmem>>) semaphore(%arg13 : memref<!tpu.dma_semaphore, #tpu.memory_space<semaphore_mem>>)
      %dma_wait3A = arith.constant 0 : i32
      %dma_wait3A_57 = arith.constant 0 : i32
      %dma_wait3A_58 = tpu.memref_slice %arg5[%dma_wait3A, %dma_wait3A_57] : memref<10000x128xf32, #tpu.memory_space<hbm>> -> memref<10000x128xf32, #tpu.memory_space<hbm>>
      tpu.wait_indirect_dma semaphore(%arg13 : memref<!tpu.dma_semaphore, #tpu.memory_space<semaphore_mem>>) src(%dma_wait3A_58 : memref<10000x128xf32, #tpu.memory_space<hbm>>) dst(%arg10 : memref<128x128xf32, #tpu.memory_space<vmem>>)
      %scan3A_59 = arith.constant 0 : i32
      %scan3A_60 = arith.constant 0 : i32
      %scan3A_61 = arith.constant 8 : i32
      %scan3A_62 = arith.addi %scan3A_60, %scan3A_61 : i32
      %scan3A_63 = arith.constant 1 : i32
      %scan3A_64 = scf.for %scan3A_67 = %scan3A_60 to %scan3A_62 step %scan3A_63 iter_args(%scan3A_68 = %scan3A_59) -> (i32)  : i32 {
        %mul3A_69 = arith.constant 16 : i32
        %mul3A_70 = arith.muli %scan3A_67, %mul3A_69 : i32
        %get3A = arith.index_cast %mul3A_70 : i32 to index
        %get3A_71 = tpu.vector_load %arg9[%get3A] {strides = array<i32>} : memref<128xf32, #tpu.memory_space<vmem>>, vector<16xf32>,
        %get3A_72 = vector.shape_cast %get3A_71 : vector<16xf32> to vector<16xf32>
        %slice3A = vector.extract_strided_slice %get3A_72 {offsets = [0], sizes = [1], strides = [1]} : vector<16xf32> to vector<1xf32>
        %squeeze3A = vector.extract %slice3A[0] : f32 from vector<1xf32>
        %mul3A_73 = arith.constant 16 : i32
        %mul3A_74 = arith.muli %scan3A_67, %mul3A_73 : i32
        %add3A_75 = arith.constant 0 : i32
        %add3A_76 = arith.addi %mul3A_74, %add3A_75 : i32
        %get3A_77 = arith.index_cast %add3A_76 : i32 to index
        %get3A_78 = arith.constant 0 : index
        %get3A_79 = tpu.vector_load %arg10[%get3A_77, %get3A_78] {strides = array<i32>} : memref<128x128xf32, #tpu.memory_space<vmem>>, vector<1x16xf32>,
        %get3A_80 = vector.shape_cast %get3A_79 : vector<1x16xf32> to vector<16xf32>
        %mul3A_81 = vector.broadcast %squeeze3A : f32 to vector<16xf32>
        %mul3A_82 = arith.mulf %get3A_80, %mul3A_81 : vector<16xf32>
        %swap3A = arith.index_cast %add3A_76 : i32 to index
        %swap3A_83 = arith.constant 0 : index
        %swap3A_84 = tpu.vector_load %arg10[%swap3A, %swap3A_83] {strides = array<i32>} : memref<128x128xf32, #tpu.memory_space<vmem>>, vector<1x16xf32>,
        %swap3A_85 = vector.shape_cast %swap3A_84 : vector<1x16xf32> to vector<16xf32>
        %swap3A_86 = vector.shape_cast %mul3A_82 : vector<16xf32> to vector<1x16xf32>
        tpu.vector_store %arg10[%swap3A, %swap3A_83], %swap3A_86 {strides = array<i32>} : memref<128x128xf32, #tpu.memory_space<vmem>>, vector<1x16xf32>,
        %get3A_87 = arith.index_cast %add3A_76 : i32 to index
        %get3A_88 = arith.constant 16 : index
        %get3A_89 = tpu.vector_load %arg10[%get3A_87, %get3A_88] {strides = array<i32>} : memref<128x128xf32, #tpu.memory_space<vmem>>, vector<1x16xf32>,
        %get3A_90 = vector.shape_cast %get3A_89 : vector<1x16xf32> to vector<16xf32>
        %mul3A_91 = vector.broadcast %squeeze3A : f32 to vector<16xf32>
        %mul3A_92 = arith.mulf %get3A_90, %mul3A_91 : vector<16xf32>
        %swap3A_93 = arith.index_cast %add3A_76 : i32 to index
        %swap3A_94 = arith.constant 16 : index
        %swap3A_95 = tpu.vector_load %arg10[%swap3A_93, %swap3A_94] {strides = array<i32>} : memref<128x128xf32, #tpu.memory_space<vmem>>, vector<1x16xf32>,
        %swap3A_96 = vector.shape_cast %swap3A_95 : vector<1x16xf32> to vector<16xf32>
        %swap3A_97 = vector.shape_cast %mul3A_92 : vector<16xf32> to vector<1x16xf32>
        tpu.vector_store %arg10[%swap3A_93, %swap3A_94], %swap3A_97 {strides = array<i32>} : memref<128x128xf32, #tpu.memory_space<vmem>>, vector<1x16xf32>,
        %get3A_98 = arith.index_cast %add3A_76 : i32 to index
        %get3A_99 = arith.constant 32 : index
        %get3A_100 = tpu.vector_load %arg10[%get3A_98, %get3A_99] {strides = array<i32>} : memref<128x128xf32, #tpu.memory_space<vmem>>, vector<1x16xf32>,
        %get3A_101 = vector.shape_cast %get3A_100 : vector<1x16xf32> to vector<16xf32>
        %mul3A_102 = vector.broadcast %squeeze3A : f32 to vector<16xf32>
        %mul3A_103 = arith.mulf %get3A_101, %mul3A_102 : vector<16xf32>
        %swap3A_104 = arith.index_cast %add3A_76 : i32 to index
        %swap3A_105 = arith.constant 32 : index
        %swap3A_106 = tpu.vector_load %arg10[%swap3A_104, %swap3A_105] {strides = array<i32>} : memref<128x128xf32, #tpu.memory_space<vmem>>, vector<1x16xf32>,
        %swap3A_107 = vector.shape_cast %swap3A_106 : vector<1x16xf32> to vector<16xf32>
        %swap3A_108 = vector.shape_cast %mul3A_103 : vector<16xf32> to vector<1x16xf32>
        tpu.vector_store %arg10[%swap3A_104, %swap3A_105], %swap3A_108 {strides = array<i32>} : memref<128x128xf32, #tpu.memory_space<vmem>>, vector<1x16xf32>,
        %get3A_109 = arith.index_cast %add3A_76 : i32 to index
        %get3A_110 = arith.constant 48 : index
        %get3A_111 = tpu.vector_load %arg10[%get3A_109, %get3A_110] {strides = array<i32>} : memref<128x128xf32, #tpu.memory_space<vmem>>, vector<1x16xf32>,
        %get3A_112 = vector.shape_cast %get3A_111 : vector<1x16xf32> to vector<16xf32>
        %mul3A_113 = vector.broadcast %squeeze3A : f32 to vector<16xf32>
        %mul3A_114 = arith.mulf %get3A_112, %mul3A_113 : vector<16xf32>
        %swap3A_115 = arith.index_cast %add3A_76 : i32 to index
        %swap3A_116 = arith.constant 48 : index
        %swap3A_117 = tpu.vector_load %arg10[%swap3A_115, %swap3A_116] {strides = array<i32>} : memref<128x128xf32, #tpu.memory_space<vmem>>, vector<1x16xf32>,
        %swap3A_118 = vector.shape_cast %swap3A_117 : vector<1x16xf32> to vector<16xf32>
        %swap3A_119 = vector.shape_cast %mul3A_114 : vector<16xf32> to vector<1x16xf32>
        tpu.vector_store %arg10[%swap3A_115, %swap3A_116], %swap3A_119 {strides = array<i32>} : memref<128x128xf32, #tpu.memory_space<vmem>>, vector<1x16xf32>,
        %get3A_120 = arith.index_cast %add3A_76 : i32 to index
        %get3A_121 = arith.constant 64 : index
        %get3A_122 = tpu.vector_load %arg10[%get3A_120, %get3A_121] {strides = array<i32>} : memref<128x128xf32, #tpu.memory_space<vmem>>, vector<1x16xf32>,
        %get3A_123 = vector.shape_cast %get3A_122 : vector<1x16xf32> to vector<16xf32>
        %mul3A_124 = vector.broadcast %squeeze3A : f32 to vector<16xf32>
        %mul3A_125 = arith.mulf %get3A_123, %mul3A_124 : vector<16xf32>
        %swap3A_126 = arith.index_cast %add3A_76 : i32 to index
        %swap3A_127 = arith.constant 64 : index
        %swap3A_128 = tpu.vector_load %arg10[%swap3A_126, %swap3A_127] {strides = array<i32>} : memref<128x128xf32, #tpu.memory_space<vmem>>, vector<1x16xf32>,
        %swap3A_129 = vector.shape_cast %swap3A_128 : vector<1x16xf32> to vector<16xf32>
        %swap3A_130 = vector.shape_cast %mul3A_125 : vector<16xf32> to vector<1x16xf32>
        tpu.vector_store %arg10[%swap3A_126, %swap3A_127], %swap3A_130 {strides = array<i32>} : memref<128x128xf32, #tpu.memory_space<vmem>>, vector<1x16xf32>,
        %get3A_131 = arith.index_cast %add3A_76 : i32 to index
        %get3A_132 = arith.constant 80 : index
        %get3A_133 = tpu.vector_load %arg10[%get3A_131, %get3A_132] {strides = array<i32>} : memref<128x128xf32, #tpu.memory_space<vmem>>, vector<1x16xf32>,
        %get3A_134 = vector.shape_cast %get3A_133 : vector<1x16xf32> to vector<16xf32>
        %mul3A_135 = vector.broadcast %squeeze3A : f32 to vector<16xf32>
        %mul3A_136 = arith.mulf %get3A_134, %mul3A_135 : vector<16xf32>
        %swap3A_137 = arith.index_cast %add3A_76 : i32 to index
        %swap3A_138 = arith.constant 80 : index
        %swap3A_139 = tpu.vector_load %arg10[%swap3A_137, %swap3A_138] {strides = array<i32>} : memref<128x128xf32, #tpu.memory_space<vmem>>, vector<1x16xf32>,
        %swap3A_140 = vector.shape_cast %swap3A_139 : vector<1x16xf32> to vector<16xf32>
        %swap3A_141 = vector.shape_cast %mul3A_136 : vector<16xf32> to vector<1x16xf32>
        tpu.vector_store %arg10[%swap3A_137, %swap3A_138], %swap3A_141 {strides = array<i32>} : memref<128x128xf32, #tpu.memory_space<vmem>>, vector<1x16xf32>,
        %get3A_142 = arith.index_cast %add3A_76 : i32 to index
        %get3A_143 = arith.constant 96 : index
        %get3A_144 = tpu.vector_load %arg10[%get3A_142, %get3A_143] {strides = array<i32>} : memref<128x128xf32, #tpu.memory_space<vmem>>, vector<1x16xf32>,
        %get3A_145 = vector.shape_cast %get3A_144 : vector<1x16xf32> to vector<16xf32>
        %mul3A_146 = vector.broadcast %squeeze3A : f32 to vector<16xf32>
        %mul3A_147 = arith.mulf %get3A_145, %mul3A_146 : vector<16xf32>
        %swap3A_148 = arith.index_cast %add3A_76 : i32 to index
        %swap3A_149 = arith.constant 96 : index
        %swap3A_150 = tpu.vector_load %arg10[%swap3A_148, %swap3A_149] {strides = array<i32>} : memref<128x128xf32, #tpu.memory_space<vmem>>, vector<1x16xf32>,
        %swap3A_151 = vector.shape_cast %swap3A_150 : vector<1x16xf32> to vector<16xf32>
        %swap3A_152 = vector.shape_cast %mul3A_147 : vector<16xf32> to vector<1x16xf32>
        tpu.vector_store %arg10[%swap3A_148, %swap3A_149], %swap3A_152 {strides = array<i32>} : memref<128x128xf32, #tpu.memory_space<vmem>>, vector<1x16xf32>,
        %get3A_153 = arith.index_cast %add3A_76 : i32 to index
        %get3A_154 = arith.constant 112 : index
        %get3A_155 = tpu.vector_load %arg10[%get3A_153, %get3A_154] {strides = array<i32>} : memref<128x128xf32, #tpu.memory_space<vmem>>, vector<1x16xf32>,
        %get3A_156 = vector.shape_cast %get3A_155 : vector<1x16xf32> to vector<16xf32>
        %mul3A_157 = vector.broadcast %squeeze3A : f32 to vector<16xf32>
        %mul3A_158 = arith.mulf %get3A_156, %mul3A_157 : vector<16xf32>
        %swap3A_159 = arith.index_cast %add3A_76 : i32 to index
        %swap3A_160 = arith.constant 112 : index
        %swap3A_161 = tpu.vector_load %arg10[%swap3A_159, %swap3A_160] {strides = array<i32>} : memref<128x128xf32, #tpu.memory_space<vmem>>, vector<1x16xf32>,
        %swap3A_162 = vector.shape_cast %swap3A_161 : vector<1x16xf32> to vector<16xf32>
        %swap3A_163 = vector.shape_cast %mul3A_158 : vector<16xf32> to vector<1x16xf32>
        tpu.vector_store %arg10[%swap3A_159, %swap3A_160], %swap3A_163 {strides = array<i32>} : memref<128x128xf32, #tpu.memory_space<vmem>>, vector<1x16xf32>,
        %slice3A_164 = vector.extract_strided_slice %get3A_72 {offsets = [1], sizes = [1], strides = [1]} : vector<16xf32> to vector<1xf32>
        %squeeze3A_165 = vector.extract %slice3A_164[0] : f32 from vector<1xf32>
        %mul3A_166 = arith.constant 16 : i32
        %mul3A_167 = arith.muli %scan3A_67, %mul3A_166 : i32
        %add3A_168 = arith.constant 1 : i32
        %add3A_169 = arith.addi %mul3A_167, %add3A_168 : i32
        %get3A_170 = arith.index_cast %add3A_169 : i32 to index
        %get3A_171 = arith.constant 0 : index
        %get3A_172 = tpu.vector_load %arg10[%get3A_170, %get3A_171] {strides = array<i32>} : memref<128x128xf32, #tpu.memory_space<vmem>>, vector<1x16xf32>,
        %get3A_173 = vector.shape_cast %get3A_172 : vector<1x16xf32> to vector<16xf32>
        %mul3A_174 = vector.broadcast %squeeze3A_165 : f32 to vector<16xf32>
        %mul3A_175 = arith.mulf %get3A_173, %mul3A_174 : vector<16xf32>
        %swap3A_176 = arith.index_cast %add3A_169 : i32 to index
        %swap3A_177 = arith.constant 0 : index
        %swap3A_178 = tpu.vector_load %arg10[%swap3A_176, %swap3A_177] {strides = array<i32>} : memref<128x128xf32, #tpu.memory_space<vmem>>, vector<1x16xf32>,
        %swap3A_179 = vector.shape_cast %swap3A_178 : vector<1x16xf32> to vector<16xf32>
        %swap3A_180 = vector.shape_cast %mul3A_175 : vector<16xf32> to vector<1x16xf32>
        tpu.vector_store %arg10[%swap3A_176, %swap3A_177], %swap3A_180 {strides = array<i32>} : memref<128x128xf32, #tpu.memory_space<vmem>>, vector<1x16xf32>,
        %get3A_181 = arith.index_cast %add3A_169 : i32 to index
        %get3A_182 = arith.constant 16 : index
        %get3A_183 = tpu.vector_load %arg10[%get3A_181, %get3A_182] {strides = array<i32>} : memref<128x128xf32, #tpu.memory_space<vmem>>, vector<1x16xf32>,
        %get3A_184 = vector.shape_cast %get3A_183 : vector<1x16xf32> to vector<16xf32>
        %mul3A_185 = vector.broadcast %squeeze3A_165 : f32 to vector<16xf32>
        %mul3A_186 = arith.mulf %get3A_184, %mul3A_185 : vector<16xf32>
        %swap3A_187 = arith.index_cast %add3A_169 : i32 to index
        %swap3A_188 = arith.constant 16 : index
        %swap3A_189 = tpu.vector_load %arg10[%swap3A_187, %swap3A_188] {strides = array<i32>} : memref<128x128xf32, #tpu.memory_space<vmem>>, vector<1x16xf32>,
        %swap3A_190 = vector.shape_cast %swap3A_189 : vector<1x16xf32> to vector<16xf32>
        %swap3A_191 = vector.shape_cast %mul3A_186 : vector<16xf32> to vector<1x16xf32>
        tpu.vector_store %arg10[%swap3A_187, %swap3A_188], %swap3A_191 {strides = array<i32>} : memref<128x128xf32, #tpu.memory_space<vmem>>, vector<1x16xf32>,
        %get3A_192 = arith.index_cast %add3A_169 : i32 to index
        %get3A_193 = arith.constant 32 : index
        %get3A_194 = tpu.vector_load %arg10[%get3A_192, %get3A_193] {strides = array<i32>} : memref<128x128xf32, #tpu.memory_space<vmem>>, vector<1x16xf32>,
        %get3A_195 = vector.shape_cast %get3A_194 : vector<1x16xf32> to vector<16xf32>
        %mul3A_196 = vector.broadcast %squeeze3A_165 : f32 to vector<16xf32>
        %mul3A_197 = arith.mulf %get3A_195, %mul3A_196 : vector<16xf32>
        %swap3A_198 = arith.index_cast %add3A_169 : i32 to index
        %swap3A_199 = arith.constant 32 : index
        %swap3A_200 = tpu.vector_load %arg10[%swap3A_198, %swap3A_199] {strides = array<i32>} : memref<128x128xf32, #tpu.memory_space<vmem>>, vector<1x16xf32>,
        %swap3A_201 = vector.shape_cast %swap3A_200 : vector<1x16xf32> to vector<16xf32>
        %swap3A_202 = vector.shape_cast %mul3A_197 : vector<16xf32> to vector<1x16xf32>
        tpu.vector_store %arg10[%swap3A_198, %swap3A_199], %swap3A_202 {strides = array<i32>} : memref<128x128xf32, #tpu.memory_space<vmem>>, vector<1x16xf32>,
        %get3A_203 = arith.index_cast %add3A_169 : i32 to index
        %get3A_204 = arith.constant 48 : index
        %get3A_205 = tpu.vector_load %arg10[%get3A_203, %get3A_204] {strides = array<i32>} : memref<128x128xf32, #tpu.memory_space<vmem>>, vector<1x16xf32>,
        %get3A_206 = vector.shape_cast %get3A_205 : vector<1x16xf32> to vector<16xf32>
        %mul3A_207 = vector.broadcast %squeeze3A_165 : f32 to vector<16xf32>
        %mul3A_208 = arith.mulf %get3A_206, %mul3A_207 : vector<16xf32>
        %swap3A_209 = arith.index_cast %add3A_169 : i32 to index
        %swap3A_210 = arith.constant 48 : index
        %swap3A_211 = tpu.vector_load %arg10[%swap3A_209, %swap3A_210] {strides = array<i32>} : memref<128x128xf32, #tpu.memory_space<vmem>>, vector<1x16xf32>,
        %swap3A_212 = vector.shape_cast %swap3A_211 : vector<1x16xf32> to vector<16xf32>
        %swap3A_213 = vector.shape_cast %mul3A_208 : vector<16xf32> to vector<1x16xf32>
        tpu.vector_store %arg10[%swap3A_209, %swap3A_210], %swap3A_213 {strides = array<i32>} : memref<128x128xf32, #tpu.memory_space<vmem>>, vector<1x16xf32>,
        %get3A_214 = arith.index_cast %add3A_169 : i32 to index
        %get3A_215 = arith.constant 64 : index
        %get3A_216 = tpu.vector_load %arg10[%get3A_214, %get3A_215] {strides = array<i32>} : memref<128x128xf32, #tpu.memory_space<vmem>>, vector<1x16xf32>,
        %get3A_217 = vector.shape_cast %get3A_216 : vector<1x16xf32> to vector<16xf32>
        %mul3A_218 = vector.broadcast %squeeze3A_165 : f32 to vector<16xf32>
        %mul3A_219 = arith.mulf %get3A_217, %mul3A_218 : vector<16xf32>
        %swap3A_220 = arith.index_cast %add3A_169 : i32 to index
        %swap3A_221 = arith.constant 64 : index
        %swap3A_222 = tpu.vector_load %arg10[%swap3A_220, %swap3A_221] {strides = array<i32>} : memref<128x128xf32, #tpu.memory_space<vmem>>, vector<1x16xf32>,
        %swap3A_223 = vector.shape_cast %swap3A_222 : vector<1x16xf32> to vector<16xf32>
        %swap3A_224 = vector.shape_cast %mul3A_219 : vector<16xf32> to vector<1x16xf32>
        tpu.vector_store %arg10[%swap3A_220, %swap3A_221], %swap3A_224 {strides = array<i32>} : memref<128x128xf32, #tpu.memory_space<vmem>>, vector<1x16xf32>,
        %get3A_225 = arith.index_cast %add3A_169 : i32 to index
        %get3A_226 = arith.constant 80 : index
        %get3A_227 = tpu.vector_load %arg10[%get3A_225, %get3A_226] {strides = array<i32>} : memref<128x128xf32, #tpu.memory_space<vmem>>, vector<1x16xf32>,
        %get3A_228 = vector.shape_cast %get3A_227 : vector<1x16xf32> to vector<16xf32>
        %mul3A_229 = vector.broadcast %squeeze3A_165 : f32 to vector<16xf32>
        %mul3A_230 = arith.mulf %get3A_228, %mul3A_229 : vector<16xf32>
        %swap3A_231 = arith.index_cast %add3A_169 : i32 to index
        %swap3A_232 = arith.constant 80 : index
        %swap3A_233 = tpu.vector_load %arg10[%swap3A_231, %swap3A_232] {strides = array<i32>} : memref<128x128xf32, #tpu.memory_space<vmem>>, vector<1x16xf32>,
        %swap3A_234 = vector.shape_cast %swap3A_233 : vector<1x16xf32> to vector<16xf32>
        %swap3A_235 = vector.shape_cast %mul3A_230 : vector<16xf32> to vector<1x16xf32>
        tpu.vector_store %arg10[%swap3A_231, %swap3A_232], %swap3A_235 {strides = array<i32>} : memref<128x128xf32, #tpu.memory_space<vmem>>, vector<1x16xf32>,
        %get3A_236 = arith.index_cast %add3A_169 : i32 to index
        %get3A_237 = arith.constant 96 : index
        %get3A_238 = tpu.vector_load %arg10[%get3A_236, %get3A_237] {strides = array<i32>} : memref<128x128xf32, #tpu.memory_space<vmem>>, vector<1x16xf32>,
        %get3A_239 = vector.shape_cast %get3A_238 : vector<1x16xf32> to vector<16xf32>
        %mul3A_240 = vector.broadcast %squeeze3A_165 : f32 to vector<16xf32>
        %mul3A_241 = arith.mulf %get3A_239, %mul3A_240 : vector<16xf32>
        %swap3A_242 = arith.index_cast %add3A_169 : i32 to index
        %swap3A_243 = arith.constant 96 : index
        %swap3A_244 = tpu.vector_load %arg10[%swap3A_242, %swap3A_243] {strides = array<i32>} : memref<128x128xf32, #tpu.memory_space<vmem>>, vector<1x16xf32>,
        %swap3A_245 = vector.shape_cast %swap3A_244 : vector<1x16xf32> to vector<16xf32>
        %swap3A_246 = vector.shape_cast %mul3A_241 : vector<16xf32> to vector<1x16xf32>
        tpu.vector_store %arg10[%swap3A_242, %swap3A_243], %swap3A_246 {strides = array<i32>} : memref<128x128xf32, #tpu.memory_space<vmem>>, vector<1x16xf32>,
        %get3A_247 = arith.index_cast %add3A_169 : i32 to index
        %get3A_248 = arith.constant 112 : index
        %get3A_249 = tpu.vector_load %arg10[%get3A_247, %get3A_248] {strides = array<i32>} : memref<128x128xf32, #tpu.memory_space<vmem>>, vector<1x16xf32>,
        %get3A_250 = vector.shape_cast %get3A_249 : vector<1x16xf32> to vector<16xf32>
        %mul3A_251 = vector.broadcast %squeeze3A_165 : f32 to vector<16xf32>
        %mul3A_252 = arith.mulf %get3A_250, %mul3A_251 : vector<16xf32>
        %swap3A_253 = arith.index_cast %add3A_169 : i32 to index
        %swap3A_254 = arith.constant 112 : index
        %swap3A_255 = tpu.vector_load %arg10[%swap3A_253, %swap3A_254] {strides = array<i32>} : memref<128x128xf32, #tpu.memory_space<vmem>>, vector<1x16xf32>,
        %swap3A_256 = vector.shape_cast %swap3A_255 : vector<1x16xf32> to vector<16xf32>
        %swap3A_257 = vector.shape_cast %mul3A_252 : vector<16xf32> to vector<1x16xf32>
        tpu.vector_store %arg10[%swap3A_253, %swap3A_254], %swap3A_257 {strides = array<i32>} : memref<128x128xf32, #tpu.memory_space<vmem>>, vector<1x16xf32>,
        %slice3A_258 = vector.extract_strided_slice %get3A_72 {offsets = [2], sizes = [1], strides = [1]} : vector<16xf32> to vector<1xf32>
        %squeeze3A_259 = vector.extract %slice3A_258[0] : f32 from vector<1xf32>
        %mul3A_260 = arith.constant 16 : i32
        %mul3A_261 = arith.muli %scan3A_67, %mul3A_260 : i32
        %add3A_262 = arith.constant 2 : i32
        %add3A_263 = arith.addi %mul3A_261, %add3A_262 : i32
        %get3A_264 = arith.index_cast %add3A_263 : i32 to index
        %get3A_265 = arith.constant 0 : index
        %get3A_266 = tpu.vector_load %arg10[%get3A_264, %get3A_265] {strides = array<i32>} : memref<128x128xf32, #tpu.memory_space<vmem>>, vector<1x16xf32>,
        %get3A_267 = vector.shape_cast %get3A_266 : vector<1x16xf32> to vector<16xf32>
        %mul3A_268 = vector.broadcast %squeeze3A_259 : f32 to vector<16xf32>
        %mul3A_269 = arith.mulf %get3A_267, %mul3A_268 : vector<16xf32>
        %swap3A_270 = arith.index_cast %add3A_263 : i32 to index
        %swap3A_271 = arith.constant 0 : index
        %swap3A_272 = tpu.vector_load %arg10[%swap3A_270, %swap3A_271] {strides = array<i32>} : memref<128x128xf32, #tpu.memory_space<vmem>>, vector<1x16xf32>,
        %swap3A_273 = vector.shape_cast %swap3A_272 : vector<1x16xf32> to vector<16xf32>
        %swap3A_274 = vector.shape_cast %mul3A_269 : vector<16xf32> to vector<1x16xf32>
        tpu.vector_store %arg10[%swap3A_270, %swap3A_271], %swap3A_274 {strides = array<i32>} : memref<128x128xf32, #tpu.memory_space<vmem>>, vector<1x16xf32>,
        %get3A_275 = arith.index_cast %add3A_263 : i32 to index
        %get3A_276 = arith.constant 16 : index
        %get3A_277 = tpu.vector_load %arg10[%get3A_275, %get3A_276] {strides = array<i32>} : memref<128x128xf32, #tpu.memory_space<vmem>>, vector<1x16xf32>,
        %get3A_278 = vector.shape_cast %get3A_277 : vector<1x16xf32> to vector<16xf32>
        %mul3A_279 = vector.broadcast %squeeze3A_259 : f32 to vector<16xf32>
        %mul3A_280 = arith.mulf %get3A_278, %mul3A_279 : vector<16xf32>
        %swap3A_281 = arith.index_cast %add3A_263 : i32 to index
        %swap3A_282 = arith.constant 16 : index
        %swap3A_283 = tpu.vector_load %arg10[%swap3A_281, %swap3A_282] {strides = array<i32>} : memref<128x128xf32, #tpu.memory_space<vmem>>, vector<1x16xf32>,
        %swap3A_284 = vector.shape_cast %swap3A_283 : vector<1x16xf32> to vector<16xf32>
        %swap3A_285 = vector.shape_cast %mul3A_280 : vector<16xf32> to vector<1x16xf32>
        tpu.vector_store %arg10[%swap3A_281, %swap3A_282], %swap3A_285 {strides = array<i32>} : memref<128x128xf32, #tpu.memory_space<vmem>>, vector<1x16xf32>,
        %get3A_286 = arith.index_cast %add3A_263 : i32 to index
        %get3A_287 = arith.constant 32 : index
        %get3A_288 = tpu.vector_load %arg10[%get3A_286, %get3A_287] {strides = array<i32>} : memref<128x128xf32, #tpu.memory_space<vmem>>, vector<1x16xf32>,
        %get3A_289 = vector.shape_cast %get3A_288 : vector<1x16xf32> to vector<16xf32>
        %mul3A_290 = vector.broadcast %squeeze3A_259 : f32 to vector<16xf32>
        %mul3A_291 = arith.mulf %get3A_289, %mul3A_290 : vector<16xf32>
        %swap3A_292 = arith.index_cast %add3A_263 : i32 to index
        %swap3A_293 = arith.constant 32 : index
        %swap3A_294 = tpu.vector_load %arg10[%swap3A_292, %swap3A_293] {strides = array<i32>} : memref<128x128xf32, #tpu.memory_space<vmem>>, vector<1x16xf32>,
        %swap3A_295 = vector.shape_cast %swap3A_294 : vector<1x16xf32> to vector<16xf32>
        %swap3A_296 = vector.shape_cast %mul3A_291 : vector<16xf32> to vector<1x16xf32>
        tpu.vector_store %arg10[%swap3A_292, %swap3A_293], %swap3A_296 {strides = array<i32>} : memref<128x128xf32, #tpu.memory_space<vmem>>, vector<1x16xf32>,
        %get3A_297 = arith.index_cast %add3A_263 : i32 to index
        %get3A_298 = arith.constant 48 : index
        %get3A_299 = tpu.vector_load %arg10[%get3A_297, %get3A_298] {strides = array<i32>} : memref<128x128xf32, #tpu.memory_space<vmem>>, vector<1x16xf32>,
        %get3A_300 = vector.shape_cast %get3A_299 : vector<1x16xf32> to vector<16xf32>
        %mul3A_301 = vector.broadcast %squeeze3A_259 : f32 to vector<16xf32>
        %mul3A_302 = arith.mulf %get3A_300, %mul3A_301 : vector<16xf32>
        %swap3A_303 = arith.index_cast %add3A_263 : i32 to index
        %swap3A_304 = arith.constant 48 : index
        %swap3A_305 = tpu.vector_load %arg10[%swap3A_303, %swap3A_304] {strides = array<i32>} : memref<128x128xf32, #tpu.memory_space<vmem>>, vector<1x16xf32>,
        %swap3A_306 = vector.shape_cast %swap3A_305 : vector<1x16xf32> to vector<16xf32>
        %swap3A_307 = vector.shape_cast %mul3A_302 : vector<16xf32> to vector<1x16xf32>
        tpu.vector_store %arg10[%swap3A_303, %swap3A_304], %swap3A_307 {strides = array<i32>} : memref<128x128xf32, #tpu.memory_space<vmem>>, vector<1x16xf32>,
        %get3A_308 = arith.index_cast %add3A_263 : i32 to index
        %get3A_309 = arith.constant 64 : index
        %get3A_310 = tpu.vector_load %arg10[%get3A_308, %get3A_309] {strides = array<i32>} : memref<128x128xf32, #tpu.memory_space<vmem>>, vector<1x16xf32>,
        %get3A_311 = vector.shape_cast %get3A_310 : vector<1x16xf32> to vector<16xf32>
        %mul3A_312 = vector.broadcast %squeeze3A_259 : f32 to vector<16xf32>
        %mul3A_313 = arith.mulf %get3A_311, %mul3A_312 : vector<16xf32>
        %swap3A_314 = arith.index_cast %add3A_263 : i32 to index
        %swap3A_315 = arith.constant 64 : index
        %swap3A_316 = tpu.vector_load %arg10[%swap3A_314, %swap3A_315] {strides = array<i32>} : memref<128x128xf32, #tpu.memory_space<vmem>>, vector<1x16xf32>,
        %swap3A_317 = vector.shape_cast %swap3A_316 : vector<1x16xf32> to vector<16xf32>
        %swap3A_318 = vector.shape_cast %mul3A_313 : vector<16xf32> to vector<1x16xf32>
        tpu.vector_store %arg10[%swap3A_314, %swap3A_315], %swap3A_318 {strides = array<i32>} : memref<128x128xf32, #tpu.memory_space<vmem>>, vector<1x16xf32>,
        %get3A_319 = arith.index_cast %add3A_263 : i32 to index
        %get3A_320 = arith.constant 80 : index
        %get3A_321 = tpu.vector_load %arg10[%get3A_319, %get3A_320] {strides = array<i32>} : memref<128x128xf32, #tpu.memory_space<vmem>>, vector<1x16xf32>,
        %get3A_322 = vector.shape_cast %get3A_321 : vector<1x16xf32> to vector<16xf32>
        %mul3A_323 = vector.broadcast %squeeze3A_259 : f32 to vector<16xf32>
        %mul3A_324 = arith.mulf %get3A_322, %mul3A_323 : vector<16xf32>
        %swap3A_325 = arith.index_cast %add3A_263 : i32 to index
        %swap3A_326 = arith.constant 80 : index
        %swap3A_327 = tpu.vector_load %arg10[%swap3A_325, %swap3A_326] {strides = array<i32>} : memref<128x128xf32, #tpu.memory_space<vmem>>, vector<1x16xf32>,
        %swap3A_328 = vector.shape_cast %swap3A_327 : vector<1x16xf32> to vector<16xf32>
        %swap3A_329 = vector.shape_cast %mul3A_324 : vector<16xf32> to vector<1x16xf32>
        tpu.vector_store %arg10[%swap3A_325, %swap3A_326], %swap3A_329 {strides = array<i32>} : memref<128x128xf32, #tpu.memory_space<vmem>>, vector<1x16xf32>,
        %get3A_330 = arith.index_cast %add3A_263 : i32 to index
        %get3A_331 = arith.constant 96 : index
        %get3A_332 = tpu.vector_load %arg10[%get3A_330, %get3A_331] {strides = array<i32>} : memref<128x128xf32, #tpu.memory_space<vmem>>, vector<1x16xf32>,
        %get3A_333 = vector.shape_cast %get3A_332 : vector<1x16xf32> to vector<16xf32>
        %mul3A_334 = vector.broadcast %squeeze3A_259 : f32 to vector<16xf32>
        %mul3A_335 = arith.mulf %get3A_333, %mul3A_334 : vector<16xf32>
        %swap3A_336 = arith.index_cast %add3A_263 : i32 to index
        %swap3A_337 = arith.constant 96 : index
        %swap3A_338 = tpu.vector_load %arg10[%swap3A_336, %swap3A_337] {strides = array<i32>} : memref<128x128xf32, #tpu.memory_space<vmem>>, vector<1x16xf32>,
        %swap3A_339 = vector.shape_cast %swap3A_338 : vector<1x16xf32> to vector<16xf32>
        %swap3A_340 = vector.shape_cast %mul3A_335 : vector<16xf32> to vector<1x16xf32>
        tpu.vector_store %arg10[%swap3A_336, %swap3A_337], %swap3A_340 {strides = array<i32>} : memref<128x128xf32, #tpu.memory_space<vmem>>, vector<1x16xf32>,
        %get3A_341 = arith.index_cast %add3A_263 : i32 to index
        %get3A_342 = arith.constant 112 : index
        %get3A_343 = tpu.vector_load %arg10[%get3A_341, %get3A_342] {strides = array<i32>} : memref<128x128xf32, #tpu.memory_space<vmem>>, vector<1x16xf32>,
        %get3A_344 = vector.shape_cast %get3A_343 : vector<1x16xf32> to vector<16xf32>
        %mul3A_345 = vector.broadcast %squeeze3A_259 : f32 to vector<16xf32>
        %mul3A_346 = arith.mulf %get3A_344, %mul3A_345 : vector<16xf32>
        %swap3A_347 = arith.index_cast %add3A_263 : i32 to index
        %swap3A_348 = arith.constant 112 : index
        %swap3A_349 = tpu.vector_load %arg10[%swap3A_347, %swap3A_348] {strides = array<i32>} : memref<128x128xf32, #tpu.memory_space<vmem>>, vector<1x16xf32>,
        %swap3A_350 = vector.shape_cast %swap3A_349 : vector<1x16xf32> to vector<16xf32>
        %swap3A_351 = vector.shape_cast %mul3A_346 : vector<16xf32> to vector<1x16xf32>
        tpu.vector_store %arg10[%swap3A_347, %swap3A_348], %swap3A_351 {strides = array<i32>} : memref<128x128xf32, #tpu.memory_space<vmem>>, vector<1x16xf32>,
        %slice3A_352 = vector.extract_strided_slice %get3A_72 {offsets = [3], sizes = [1], strides = [1]} : vector<16xf32> to vector<1xf32>
        %squeeze3A_353 = vector.extract %slice3A_352[0] : f32 from vector<1xf32>
        %mul3A_354 = arith.constant 16 : i32
        %mul3A_355 = arith.muli %scan3A_67, %mul3A_354 : i32
        %add3A_356 = arith.constant 3 : i32
        %add3A_357 = arith.addi %mul3A_355, %add3A_356 : i32
        %get3A_358 = arith.index_cast %add3A_357 : i32 to index
        %get3A_359 = arith.constant 0 : index
        %get3A_360 = tpu.vector_load %arg10[%get3A_358, %get3A_359] {strides = array<i32>} : memref<128x128xf32, #tpu.memory_space<vmem>>, vector<1x16xf32>,
        %get3A_361 = vector.shape_cast %get3A_360 : vector<1x16xf32> to vector<16xf32>
        %mul3A_362 = vector.broadcast %squeeze3A_353 : f32 to vector<16xf32>
        %mul3A_363 = arith.mulf %get3A_361, %mul3A_362 : vector<16xf32>
        %swap3A_364 = arith.index_cast %add3A_357 : i32 to index
        %swap3A_365 = arith.constant 0 : index
        %swap3A_366 = tpu.vector_load %arg10[%swap3A_364, %swap3A_365] {strides = array<i32>} : memref<128x128xf32, #tpu.memory_space<vmem>>, vector<1x16xf32>,
        %swap3A_367 = vector.shape_cast %swap3A_366 : vector<1x16xf32> to vector<16xf32>
        %swap3A_368 = vector.shape_cast %mul3A_363 : vector<16xf32> to vector<1x16xf32>
        tpu.vector_store %arg10[%swap3A_364, %swap3A_365], %swap3A_368 {strides = array<i32>} : memref<128x128xf32, #tpu.memory_space<vmem>>, vector<1x16xf32>,
        %get3A_369 = arith.index_cast %add3A_357 : i32 to index
        %get3A_370 = arith.constant 16 : index
        %get3A_371 = tpu.vector_load %arg10[%get3A_369, %get3A_370] {strides = array<i32>} : memref<128x128xf32, #tpu.memory_space<vmem>>, vector<1x16xf32>,
        %get3A_372 = vector.shape_cast %get3A_371 : vector<1x16xf32> to vector<16xf32>
        %mul3A_373 = vector.broadcast %squeeze3A_353 : f32 to vector<16xf32>
        %mul3A_374 = arith.mulf %get3A_372, %mul3A_373 : vector<16xf32>
        %swap3A_375 = arith.index_cast %add3A_357 : i32 to index
        %swap3A_376 = arith.constant 16 : index
        %swap3A_377 = tpu.vector_load %arg10[%swap3A_375, %swap3A_376] {strides = array<i32>} : memref<128x128xf32, #tpu.memory_space<vmem>>, vector<1x16xf32>,
        %swap3A_378 = vector.shape_cast %swap3A_377 : vector<1x16xf32> to vector<16xf32>
        %swap3A_379 = vector.shape_cast %mul3A_374 : vector<16xf32> to vector<1x16xf32>
        tpu.vector_store %arg10[%swap3A_375, %swap3A_376], %swap3A_379 {strides = array<i32>} : memref<128x128xf32, #tpu.memory_space<vmem>>, vector<1x16xf32>,
        %get3A_380 = arith.index_cast %add3A_357 : i32 to index
        %get3A_381 = arith.constant 32 : index
        %get3A_382 = tpu.vector_load %arg10[%get3A_380, %get3A_381] {strides = array<i32>} : memref<128x128xf32, #tpu.memory_space<vmem>>, vector<1x16xf32>,
        %get3A_383 = vector.shape_cast %get3A_382 : vector<1x16xf32> to vector<16xf32>
        %mul3A_384 = vector.broadcast %squeeze3A_353 : f32 to vector<16xf32>
        %mul3A_385 = arith.mulf %get3A_383, %mul3A_384 : vector<16xf32>
        %swap3A_386 = arith.index_cast %add3A_357 : i32 to index
        %swap3A_387 = arith.constant 32 : index
        %swap3A_388 = tpu.vector_load %arg10[%swap3A_386, %swap3A_387] {strides = array<i32>} : memref<128x128xf32, #tpu.memory_space<vmem>>, vector<1x16xf32>,
        %swap3A_389 = vector.shape_cast %swap3A_388 : vector<1x16xf32> to vector<16xf32>
        %swap3A_390 = vector.shape_cast %mul3A_385 : vector<16xf32> to vector<1x16xf32>
        tpu.vector_store %arg10[%swap3A_386, %swap3A_387], %swap3A_390 {strides = array<i32>} : memref<128x128xf32, #tpu.memory_space<vmem>>, vector<1x16xf32>,
        %get3A_391 = arith.index_cast %add3A_357 : i32 to index
        %get3A_392 = arith.constant 48 : index
        %get3A_393 = tpu.vector_load %arg10[%get3A_391, %get3A_392] {strides = array<i32>} : memref<128x128xf32, #tpu.memory_space<vmem>>, vector<1x16xf32>,
        %get3A_394 = vector.shape_cast %get3A_393 : vector<1x16xf32> to vector<16xf32>
        %mul3A_395 = vector.broadcast %squeeze3A_353 : f32 to vector<16xf32>
        %mul3A_396 = arith.mulf %get3A_394, %mul3A_395 : vector<16xf32>
        %swap3A_397 = arith.index_cast %add3A_357 : i32 to index
        %swap3A_398 = arith.constant 48 : index
        %swap3A_399 = tpu.vector_load %arg10[%swap3A_397, %swap3A_398] {strides = array<i32>} : memref<128x128xf32, #tpu.memory_space<vmem>>, vector<1x16xf32>,
        %swap3A_400 = vector.shape_cast %swap3A_399 : vector<1x16xf32> to vector<16xf32>
        %swap3A_401 = vector.shape_cast %mul3A_396 : vector<16xf32> to vector<1x16xf32>
        tpu.vector_store %arg10[%swap3A_397, %swap3A_398], %swap3A_401 {strides = array<i32>} : memref<128x128xf32, #tpu.memory_space<vmem>>, vector<1x16xf32>,
        %get3A_402 = arith.index_cast %add3A_357 : i32 to index
        %get3A_403 = arith.constant 64 : index
        %get3A_404 = tpu.vector_load %arg10[%get3A_402, %get3A_403] {strides = array<i32>} : memref<128x128xf32, #tpu.memory_space<vmem>>, vector<1x16xf32>,
        %get3A_405 = vector.shape_cast %get3A_404 : vector<1x16xf32> to vector<16xf32>
        %mul3A_406 = vector.broadcast %squeeze3A_353 : f32 to vector<16xf32>
        %mul3A_407 = arith.mulf %get3A_405, %mul3A_406 : vector<16xf32>
        %swap3A_408 = arith.index_cast %add3A_357 : i32 to index
        %swap3A_409 = arith.constant 64 : index
        %swap3A_410 = tpu.vector_load %arg10[%swap3A_408, %swap3A_409] {strides = array<i32>} : memref<128x128xf32, #tpu.memory_space<vmem>>, vector<1x16xf32>,
        %swap3A_411 = vector.shape_cast %swap3A_410 : vector<1x16xf32> to vector<16xf32>
        %swap3A_412 = vector.shape_cast %mul3A_407 : vector<16xf32> to vector<1x16xf32>
        tpu.vector_store %arg10[%swap3A_408, %swap3A_409], %swap3A_412 {strides = array<i32>} : memref<128x128xf32, #tpu.memory_space<vmem>>, vector<1x16xf32>,
        %get3A_413 = arith.index_cast %add3A_357 : i32 to index
        %get3A_414 = arith.constant 80 : index
        %get3A_415 = tpu.vector_load %arg10[%get3A_413, %get3A_414] {strides = array<i32>} : memref<128x128xf32, #tpu.memory_space<vmem>>, vector<1x16xf32>,
        %get3A_416 = vector.shape_cast %get3A_415 : vector<1x16xf32> to vector<16xf32>
        %mul3A_417 = vector.broadcast %squeeze3A_353 : f32 to vector<16xf32>
        %mul3A_418 = arith.mulf %get3A_416, %mul3A_417 : vector<16xf32>
        %swap3A_419 = arith.index_cast %add3A_357 : i32 to index
        %swap3A_420 = arith.constant 80 : index
        %swap3A_421 = tpu.vector_load %arg10[%swap3A_419, %swap3A_420] {strides = array<i32>} : memref<128x128xf32, #tpu.memory_space<vmem>>, vector<1x16xf32>,
        %swap3A_422 = vector.shape_cast %swap3A_421 : vector<1x16xf32> to vector<16xf32>
        %swap3A_423 = vector.shape_cast %mul3A_418 : vector<16xf32> to vector<1x16xf32>
        tpu.vector_store %arg10[%swap3A_419, %swap3A_420], %swap3A_423 {strides = array<i32>} : memref<128x128xf32, #tpu.memory_space<vmem>>, vector<1x16xf32>,
        %get3A_424 = arith.index_cast %add3A_357 : i32 to index
        %get3A_425 = arith.constant 96 : index
        %get3A_426 = tpu.vector_load %arg10[%get3A_424, %get3A_425] {strides = array<i32>} : memref<128x128xf32, #tpu.memory_space<vmem>>, vector<1x16xf32>,
        %get3A_427 = vector.shape_cast %get3A_426 : vector<1x16xf32> to vector<16xf32>
        %mul3A_428 = vector.broadcast %squeeze3A_353 : f32 to vector<16xf32>
        %mul3A_429 = arith.mulf %get3A_427, %mul3A_428 : vector<16xf32>
        %swap3A_430 = arith.index_cast %add3A_357 : i32 to index
        %swap3A_431 = arith.constant 96 : index
        %swap3A_432 = tpu.vector_load %arg10[%swap3A_430, %swap3A_431] {strides = array<i32>} : memref<128x128xf32, #tpu.memory_space<vmem>>, vector<1x16xf32>,
        %swap3A_433 = vector.shape_cast %swap3A_432 : vector<1x16xf32> to vector<16xf32>
        %swap3A_434 = vector.shape_cast %mul3A_429 : vector<16xf32> to vector<1x16xf32>
        tpu.vector_store %arg10[%swap3A_430, %swap3A_431], %swap3A_434 {strides = array<i32>} : memref<128x128xf32, #tpu.memory_space<vmem>>, vector<1x16xf32>,
        %get3A_435 = arith.index_cast %add3A_357 : i32 to index
        %get3A_436 = arith.constant 112 : index
        %get3A_437 = tpu.vector_load %arg10[%get3A_435, %get3A_436] {strides = array<i32>} : memref<128x128xf32, #tpu.memory_space<vmem>>, vector<1x16xf32>,
        %get3A_438 = vector.shape_cast %get3A_437 : vector<1x16xf32> to vector<16xf32>
        %mul3A_439 = vector.broadcast %squeeze3A_353 : f32 to vector<16xf32>
        %mul3A_440 = arith.mulf %get3A_438, %mul3A_439 : vector<16xf32>
        %swap3A_441 = arith.index_cast %add3A_357 : i32 to index
        %swap3A_442 = arith.constant 112 : index
        %swap3A_443 = tpu.vector_load %arg10[%swap3A_441, %swap3A_442] {strides = array<i32>} : memref<128x128xf32, #tpu.memory_space<vmem>>, vector<1x16xf32>,
        %swap3A_444 = vector.shape_cast %swap3A_443 : vector<1x16xf32> to vector<16xf32>
        %swap3A_445 = vector.shape_cast %mul3A_440 : vector<16xf32> to vector<1x16xf32>
        tpu.vector_store %arg10[%swap3A_441, %swap3A_442], %swap3A_445 {strides = array<i32>} : memref<128x128xf32, #tpu.memory_space<vmem>>, vector<1x16xf32>,
        %slice3A_446 = vector.extract_strided_slice %get3A_72 {offsets = [4], sizes = [1], strides = [1]} : vector<16xf32> to vector<1xf32>
        %squeeze3A_447 = vector.extract %slice3A_446[0] : f32 from vector<1xf32>
        %mul3A_448 = arith.constant 16 : i32
        %mul3A_449 = arith.muli %scan3A_67, %mul3A_448 : i32
        %add3A_450 = arith.constant 4 : i32
        %add3A_451 = arith.addi %mul3A_449, %add3A_450 : i32
        %get3A_452 = arith.index_cast %add3A_451 : i32 to index
        %get3A_453 = arith.constant 0 : index
        %get3A_454 = tpu.vector_load %arg10[%get3A_452, %get3A_453] {strides = array<i32>} : memref<128x128xf32, #tpu.memory_space<vmem>>, vector<1x16xf32>,
        %get3A_455 = vector.shape_cast %get3A_454 : vector<1x16xf32> to vector<16xf32>
        %mul3A_456 = vector.broadcast %squeeze3A_447 : f32 to vector<16xf32>
        %mul3A_457 = arith.mulf %get3A_455, %mul3A_456 : vector<16xf32>
        %swap3A_458 = arith.index_cast %add3A_451 : i32 to index
        %swap3A_459 = arith.constant 0 : index
        %swap3A_460 = tpu.vector_load %arg10[%swap3A_458, %swap3A_459] {strides = array<i32>} : memref<128x128xf32, #tpu.memory_space<vmem>>, vector<1x16xf32>,
        %swap3A_461 = vector.shape_cast %swap3A_460 : vector<1x16xf32> to vector<16xf32>
        %swap3A_462 = vector.shape_cast %mul3A_457 : vector<16xf32> to vector<1x16xf32>
        tpu.vector_store %arg10[%swap3A_458, %swap3A_459], %swap3A_462 {strides = array<i32>} : memref<128x128xf32, #tpu.memory_space<vmem>>, vector<1x16xf32>,
        %get3A_463 = arith.index_cast %add3A_451 : i32 to index
        %get3A_464 = arith.constant 16 : index
        %get3A_465 = tpu.vector_load %arg10[%get3A_463, %get3A_464] {strides = array<i32>} : memref<128x128xf32, #tpu.memory_space<vmem>>, vector<1x16xf32>,
        %get3A_466 = vector.shape_cast %get3A_465 : vector<1x16xf32> to vector<16xf32>
        %mul3A_467 = vector.broadcast %squeeze3A_447 : f32 to vector<16xf32>
        %mul3A_468 = arith.mulf %get3A_466, %mul3A_467 : vector<16xf32>
        %swap3A_469 = arith.index_cast %add3A_451 : i32 to index
        %swap3A_470 = arith.constant 16 : index
        %swap3A_471 = tpu.vector_load %arg10[%swap3A_469, %swap3A_470] {strides = array<i32>} : memref<128x128xf32, #tpu.memory_space<vmem>>, vector<1x16xf32>,
        %swap3A_472 = vector.shape_cast %swap3A_471 : vector<1x16xf32> to vector<16xf32>
        %swap3A_473 = vector.shape_cast %mul3A_468 : vector<16xf32> to vector<1x16xf32>
        tpu.vector_store %arg10[%swap3A_469, %swap3A_470], %swap3A_473 {strides = array<i32>} : memref<128x128xf32, #tpu.memory_space<vmem>>, vector<1x16xf32>,
        %get3A_474 = arith.index_cast %add3A_451 : i32 to index
        %get3A_475 = arith.constant 32 : index
        %get3A_476 = tpu.vector_load %arg10[%get3A_474, %get3A_475] {strides = array<i32>} : memref<128x128xf32, #tpu.memory_space<vmem>>, vector<1x16xf32>,
        %get3A_477 = vector.shape_cast %get3A_476 : vector<1x16xf32> to vector<16xf32>
        %mul3A_478 = vector.broadcast %squeeze3A_447 : f32 to vector<16xf32>
        %mul3A_479 = arith.mulf %get3A_477, %mul3A_478 : vector<16xf32>
        %swap3A_480 = arith.index_cast %add3A_451 : i32 to index
        %swap3A_481 = arith.constant 32 : index
        %swap3A_482 = tpu.vector_load %arg10[%swap3A_480, %swap3A_481] {strides = array<i32>} : memref<128x128xf32, #tpu.memory_space<vmem>>, vector<1x16xf32>,
        %swap3A_483 = vector.shape_cast %swap3A_482 : vector<1x16xf32> to vector<16xf32>
        %swap3A_484 = vector.shape_cast %mul3A_479 : vector<16xf32> to vector<1x16xf32>
        tpu.vector_store %arg10[%swap3A_480, %swap3A_481], %swap3A_484 {strides = array<i32>} : memref<128x128xf32, #tpu.memory_space<vmem>>, vector<1x16xf32>,
        %get3A_485 = arith.index_cast %add3A_451 : i32 to index
        %get3A_486 = arith.constant 48 : index
        %get3A_487 = tpu.vector_load %arg10[%get3A_485, %get3A_486] {strides = array<i32>} : memref<128x128xf32, #tpu.memory_space<vmem>>, vector<1x16xf32>,
        %get3A_488 = vector.shape_cast %get3A_487 : vector<1x16xf32> to vector<16xf32>
        %mul3A_489 = vector.broadcast %squeeze3A_447 : f32 to vector<16xf32>
        %mul3A_490 = arith.mulf %get3A_488, %mul3A_489 : vector<16xf32>
        %swap3A_491 = arith.index_cast %add3A_451 : i32 to index
        %swap3A_492 = arith.constant 48 : index
        %swap3A_493 = tpu.vector_load %arg10[%swap3A_491, %swap3A_492] {strides = array<i32>} : memref<128x128xf32, #tpu.memory_space<vmem>>, vector<1x16xf32>,
        %swap3A_494 = vector.shape_cast %swap3A_493 : vector<1x16xf32> to vector<16xf32>
        %swap3A_495 = vector.shape_cast %mul3A_490 : vector<16xf32> to vector<1x16xf32>
        tpu.vector_store %arg10[%swap3A_491, %swap3A_492], %swap3A_495 {strides = array<i32>} : memref<128x128xf32, #tpu.memory_space<vmem>>, vector<1x16xf32>,
        %get3A_496 = arith.index_cast %add3A_451 : i32 to index
        %get3A_497 = arith.constant 64 : index
        %get3A_498 = tpu.vector_load %arg10[%get3A_496, %get3A_497] {strides = array<i32>} : memref<128x128xf32, #tpu.memory_space<vmem>>, vector<1x16xf32>,
        %get3A_499 = vector.shape_cast %get3A_498 : vector<1x16xf32> to vector<16xf32>
        %mul3A_500 = vector.broadcast %squeeze3A_447 : f32 to vector<16xf32>
        %mul3A_501 = arith.mulf %get3A_499, %mul3A_500 : vector<16xf32>
        %swap3A_502 = arith.index_cast %add3A_451 : i32 to index
        %swap3A_503 = arith.constant 64 : index
        %swap3A_504 = tpu.vector_load %arg10[%swap3A_502, %swap3A_503] {strides = array<i32>} : memref<128x128xf32, #tpu.memory_space<vmem>>, vector<1x16xf32>,
        %swap3A_505 = vector.shape_cast %swap3A_504 : vector<1x16xf32> to vector<16xf32>
        %swap3A_506 = vector.shape_cast %mul3A_501 : vector<16xf32> to vector<1x16xf32>
        tpu.vector_store %arg10[%swap3A_502, %swap3A_503], %swap3A_506 {strides = array<i32>} : memref<128x128xf32, #tpu.memory_space<vmem>>, vector<1x16xf32>,
        %get3A_507 = arith.index_cast %add3A_451 : i32 to index
        %get3A_508 = arith.constant 80 : index
        %get3A_509 = tpu.vector_load %arg10[%get3A_507, %get3A_508] {strides = array<i32>} : memref<128x128xf32, #tpu.memory_space<vmem>>, vector<1x16xf32>,
        %get3A_510 = vector.shape_cast %get3A_509 : vector<1x16xf32> to vector<16xf32>
        %mul3A_511 = vector.broadcast %squeeze3A_447 : f32 to vector<16xf32>
        %mul3A_512 = arith.mulf %get3A_510, %mul3A_511 : vector<16xf32>
        %swap3A_513 = arith.index_cast %add3A_451 : i32 to index
        %swap3A_514 = arith.constant 80 : index
        %swap3A_515 = tpu.vector_load %arg10[%swap3A_513, %swap3A_514] {strides = array<i32>} : memref<128x128xf32, #tpu.memory_space<vmem>>, vector<1x16xf32>,
        %swap3A_516 = vector.shape_cast %swap3A_515 : vector<1x16xf32> to vector<16xf32>
        %swap3A_517 = vector.shape_cast %mul3A_512 : vector<16xf32> to vector<1x16xf32>
        tpu.vector_store %arg10[%swap3A_513, %swap3A_514], %swap3A_517 {strides = array<i32>} : memref<128x128xf32, #tpu.memory_space<vmem>>, vector<1x16xf32>,
        %get3A_518 = arith.index_cast %add3A_451 : i32 to index
        %get3A_519 = arith.constant 96 : index
        %get3A_520 = tpu.vector_load %arg10[%get3A_518, %get3A_519] {strides = array<i32>} : memref<128x128xf32, #tpu.memory_space<vmem>>, vector<1x16xf32>,
        %get3A_521 = vector.shape_cast %get3A_520 : vector<1x16xf32> to vector<16xf32>
        %mul3A_522 = vector.broadcast %squeeze3A_447 : f32 to vector<16xf32>
        %mul3A_523 = arith.mulf %get3A_521, %mul3A_522 : vector<16xf32>
        %swap3A_524 = arith.index_cast %add3A_451 : i32 to index
        %swap3A_525 = arith.constant 96 : index
        %swap3A_526 = tpu.vector_load %arg10[%swap3A_524, %swap3A_525] {strides = array<i32>} : memref<128x128xf32, #tpu.memory_space<vmem>>, vector<1x16xf32>,
        %swap3A_527 = vector.shape_cast %swap3A_526 : vector<1x16xf32> to vector<16xf32>
        %swap3A_528 = vector.shape_cast %mul3A_523 : vector<16xf32> to vector<1x16xf32>
        tpu.vector_store %arg10[%swap3A_524, %swap3A_525], %swap3A_528 {strides = array<i32>} : memref<128x128xf32, #tpu.memory_space<vmem>>, vector<1x16xf32>,
        %get3A_529 = arith.index_cast %add3A_451 : i32 to index
        %get3A_530 = arith.constant 112 : index
        %get3A_531 = tpu.vector_load %arg10[%get3A_529, %get3A_530] {strides = array<i32>} : memref<128x128xf32, #tpu.memory_space<vmem>>, vector<1x16xf32>,
        %get3A_532 = vector.shape_cast %get3A_531 : vector<1x16xf32> to vector<16xf32>
        %mul3A_533 = vector.broadcast %squeeze3A_447 : f32 to vector<16xf32>
        %mul3A_534 = arith.mulf %get3A_532, %mul3A_533 : vector<16xf32>
        %swap3A_535 = arith.index_cast %add3A_451 : i32 to index
        %swap3A_536 = arith.constant 112 : index
        %swap3A_537 = tpu.vector_load %arg10[%swap3A_535, %swap3A_536] {strides = array<i32>} : memref<128x128xf32, #tpu.memory_space<vmem>>, vector<1x16xf32>,
        %swap3A_538 = vector.shape_cast %swap3A_537 : vector<1x16xf32> to vector<16xf32>
        %swap3A_539 = vector.shape_cast %mul3A_534 : vector<16xf32> to vector<1x16xf32>
        tpu.vector_store %arg10[%swap3A_535, %swap3A_536], %swap3A_539 {strides = array<i32>} : memref<128x128xf32, #tpu.memory_space<vmem>>, vector<1x16xf32>,
        %slice3A_540 = vector.extract_strided_slice %get3A_72 {offsets = [5], sizes = [1], strides = [1]} : vector<16xf32> to vector<1xf32>
        %squeeze3A_541 = vector.extract %slice3A_540[0] : f32 from vector<1xf32>
        %mul3A_542 = arith.constant 16 : i32
        %mul3A_543 = arith.muli %scan3A_67, %mul3A_542 : i32
        %add3A_544 = arith.constant 5 : i32
        %add3A_545 = arith.addi %mul3A_543, %add3A_544 : i32
        %get3A_546 = arith.index_cast %add3A_545 : i32 to index
        %get3A_547 = arith.constant 0 : index
        %get3A_548 = tpu.vector_load %arg10[%get3A_546, %get3A_547] {strides = array<i32>} : memref<128x128xf32, #tpu.memory_space<vmem>>, vector<1x16xf32>,
        %get3A_549 = vector.shape_cast %get3A_548 : vector<1x16xf32> to vector<16xf32>
        %mul3A_550 = vector.broadcast %squeeze3A_541 : f32 to vector<16xf32>
        %mul3A_551 = arith.mulf %get3A_549, %mul3A_550 : vector<16xf32>
        %swap3A_552 = arith.index_cast %add3A_545 : i32 to index
        %swap3A_553 = arith.constant 0 : index
        %swap3A_554 = tpu.vector_load %arg10[%swap3A_552, %swap3A_553] {strides = array<i32>} : memref<128x128xf32, #tpu.memory_space<vmem>>, vector<1x16xf32>,
        %swap3A_555 = vector.shape_cast %swap3A_554 : vector<1x16xf32> to vector<16xf32>
        %swap3A_556 = vector.shape_cast %mul3A_551 : vector<16xf32> to vector<1x16xf32>
        tpu.vector_store %arg10[%swap3A_552, %swap3A_553], %swap3A_556 {strides = array<i32>} : memref<128x128xf32, #tpu.memory_space<vmem>>, vector<1x16xf32>,
        %get3A_557 = arith.index_cast %add3A_545 : i32 to index
        %get3A_558 = arith.constant 16 : index
        %get3A_559 = tpu.vector_load %arg10[%get3A_557, %get3A_558] {strides = array<i32>} : memref<128x128xf32, #tpu.memory_space<vmem>>, vector<1x16xf32>,
        %get3A_560 = vector.shape_cast %get3A_559 : vector<1x16xf32> to vector<16xf32>
        %mul3A_561 = vector.broadcast %squeeze3A_541 : f32 to vector<16xf32>
        %mul3A_562 = arith.mulf %get3A_560, %mul3A_561 : vector<16xf32>
        %swap3A_563 = arith.index_cast %add3A_545 : i32 to index
        %swap3A_564 = arith.constant 16 : index
        %swap3A_565 = tpu.vector_load %arg10[%swap3A_563, %swap3A_564] {strides = array<i32>} : memref<128x128xf32, #tpu.memory_space<vmem>>, vector<1x16xf32>,
        %swap3A_566 = vector.shape_cast %swap3A_565 : vector<1x16xf32> to vector<16xf32>
        %swap3A_567 = vector.shape_cast %mul3A_562 : vector<16xf32> to vector<1x16xf32>
        tpu.vector_store %arg10[%swap3A_563, %swap3A_564], %swap3A_567 {strides = array<i32>} : memref<128x128xf32, #tpu.memory_space<vmem>>, vector<1x16xf32>,
        %get3A_568 = arith.index_cast %add3A_545 : i32 to index
        %get3A_569 = arith.constant 32 : index
        %get3A_570 = tpu.vector_load %arg10[%get3A_568, %get3A_569] {strides = array<i32>} : memref<128x128xf32, #tpu.memory_space<vmem>>, vector<1x16xf32>,
        %get3A_571 = vector.shape_cast %get3A_570 : vector<1x16xf32> to vector<16xf32>
        %mul3A_572 = vector.broadcast %squeeze3A_541 : f32 to vector<16xf32>
        %mul3A_573 = arith.mulf %get3A_571, %mul3A_572 : vector<16xf32>
        %swap3A_574 = arith.index_cast %add3A_545 : i32 to index
        %swap3A_575 = arith.constant 32 : index
        %swap3A_576 = tpu.vector_load %arg10[%swap3A_574, %swap3A_575] {strides = array<i32>} : memref<128x128xf32, #tpu.memory_space<vmem>>, vector<1x16xf32>,
        %swap3A_577 = vector.shape_cast %swap3A_576 : vector<1x16xf32> to vector<16xf32>
        %swap3A_578 = vector.shape_cast %mul3A_573 : vector<16xf32> to vector<1x16xf32>
        tpu.vector_store %arg10[%swap3A_574, %swap3A_575], %swap3A_578 {strides = array<i32>} : memref<128x128xf32, #tpu.memory_space<vmem>>, vector<1x16xf32>,
        %get3A_579 = arith.index_cast %add3A_545 : i32 to index
        %get3A_580 = arith.constant 48 : index
        %get3A_581 = tpu.vector_load %arg10[%get3A_579, %get3A_580] {strides = array<i32>} : memref<128x128xf32, #tpu.memory_space<vmem>>, vector<1x16xf32>,
        %get3A_582 = vector.shape_cast %get3A_581 : vector<1x16xf32> to vector<16xf32>
        %mul3A_583 = vector.broadcast %squeeze3A_541 : f32 to vector<16xf32>
        %mul3A_584 = arith.mulf %get3A_582, %mul3A_583 : vector<16xf32>
        %swap3A_585 = arith.index_cast %add3A_545 : i32 to index
        %swap3A_586 = arith.constant 48 : index
        %swap3A_587 = tpu.vector_load %arg10[%swap3A_585, %swap3A_586] {strides = array<i32>} : memref<128x128xf32, #tpu.memory_space<vmem>>, vector<1x16xf32>,
        %swap3A_588 = vector.shape_cast %swap3A_587 : vector<1x16xf32> to vector<16xf32>
        %swap3A_589 = vector.shape_cast %mul3A_584 : vector<16xf32> to vector<1x16xf32>
        tpu.vector_store %arg10[%swap3A_585, %swap3A_586], %swap3A_589 {strides = array<i32>} : memref<128x128xf32, #tpu.memory_space<vmem>>, vector<1x16xf32>,
        %get3A_590 = arith.index_cast %add3A_545 : i32 to index
        %get3A_591 = arith.constant 64 : index
        %get3A_592 = tpu.vector_load %arg10[%get3A_590, %get3A_591] {strides = array<i32>} : memref<128x128xf32, #tpu.memory_space<vmem>>, vector<1x16xf32>,
        %get3A_593 = vector.shape_cast %get3A_592 : vector<1x16xf32> to vector<16xf32>
        %mul3A_594 = vector.broadcast %squeeze3A_541 : f32 to vector<16xf32>
        %mul3A_595 = arith.mulf %get3A_593, %mul3A_594 : vector<16xf32>
        %swap3A_596 = arith.index_cast %add3A_545 : i32 to index
        %swap3A_597 = arith.constant 64 : index
        %swap3A_598 = tpu.vector_load %arg10[%swap3A_596, %swap3A_597] {strides = array<i32>} : memref<128x128xf32, #tpu.memory_space<vmem>>, vector<1x16xf32>,
        %swap3A_599 = vector.shape_cast %swap3A_598 : vector<1x16xf32> to vector<16xf32>
        %swap3A_600 = vector.shape_cast %mul3A_595 : vector<16xf32> to vector<1x16xf32>
        tpu.vector_store %arg10[%swap3A_596, %swap3A_597], %swap3A_600 {strides = array<i32>} : memref<128x128xf32, #tpu.memory_space<vmem>>, vector<1x16xf32>,
        %get3A_601 = arith.index_cast %add3A_545 : i32 to index
        %get3A_602 = arith.constant 80 : index
        %get3A_603 = tpu.vector_load %arg10[%get3A_601, %get3A_602] {strides = array<i32>} : memref<128x128xf32, #tpu.memory_space<vmem>>, vector<1x16xf32>,
        %get3A_604 = vector.shape_cast %get3A_603 : vector<1x16xf32> to vector<16xf32>
        %mul3A_605 = vector.broadcast %squeeze3A_541 : f32 to vector<16xf32>
        %mul3A_606 = arith.mulf %get3A_604, %mul3A_605 : vector<16xf32>
        %swap3A_607 = arith.index_cast %add3A_545 : i32 to index
        %swap3A_608 = arith.constant 80 : index
        %swap3A_609 = tpu.vector_load %arg10[%swap3A_607, %swap3A_608] {strides = array<i32>} : memref<128x128xf32, #tpu.memory_space<vmem>>, vector<1x16xf32>,
        %swap3A_610 = vector.shape_cast %swap3A_609 : vector<1x16xf32> to vector<16xf32>
        %swap3A_611 = vector.shape_cast %mul3A_606 : vector<16xf32> to vector<1x16xf32>
        tpu.vector_store %arg10[%swap3A_607, %swap3A_608], %swap3A_611 {strides = array<i32>} : memref<128x128xf32, #tpu.memory_space<vmem>>, vector<1x16xf32>,
        %get3A_612 = arith.index_cast %add3A_545 : i32 to index
        %get3A_613 = arith.constant 96 : index
        %get3A_614 = tpu.vector_load %arg10[%get3A_612, %get3A_613] {strides = array<i32>} : memref<128x128xf32, #tpu.memory_space<vmem>>, vector<1x16xf32>,
        %get3A_615 = vector.shape_cast %get3A_614 : vector<1x16xf32> to vector<16xf32>
        %mul3A_616 = vector.broadcast %squeeze3A_541 : f32 to vector<16xf32>
        %mul3A_617 = arith.mulf %get3A_615, %mul3A_616 : vector<16xf32>
        %swap3A_618 = arith.index_cast %add3A_545 : i32 to index
        %swap3A_619 = arith.constant 96 : index
        %swap3A_620 = tpu.vector_load %arg10[%swap3A_618, %swap3A_619] {strides = array<i32>} : memref<128x128xf32, #tpu.memory_space<vmem>>, vector<1x16xf32>,
        %swap3A_621 = vector.shape_cast %swap3A_620 : vector<1x16xf32> to vector<16xf32>
        %swap3A_622 = vector.shape_cast %mul3A_617 : vector<16xf32> to vector<1x16xf32>
        tpu.vector_store %arg10[%swap3A_618, %swap3A_619], %swap3A_622 {strides = array<i32>} : memref<128x128xf32, #tpu.memory_space<vmem>>, vector<1x16xf32>,
        %get3A_623 = arith.index_cast %add3A_545 : i32 to index
        %get3A_624 = arith.constant 112 : index
        %get3A_625 = tpu.vector_load %arg10[%get3A_623, %get3A_624] {strides = array<i32>} : memref<128x128xf32, #tpu.memory_space<vmem>>, vector<1x16xf32>,
        %get3A_626 = vector.shape_cast %get3A_625 : vector<1x16xf32> to vector<16xf32>
        %mul3A_627 = vector.broadcast %squeeze3A_541 : f32 to vector<16xf32>
        %mul3A_628 = arith.mulf %get3A_626, %mul3A_627 : vector<16xf32>
        %swap3A_629 = arith.index_cast %add3A_545 : i32 to index
        %swap3A_630 = arith.constant 112 : index
        %swap3A_631 = tpu.vector_load %arg10[%swap3A_629, %swap3A_630] {strides = array<i32>} : memref<128x128xf32, #tpu.memory_space<vmem>>, vector<1x16xf32>,
        %swap3A_632 = vector.shape_cast %swap3A_631 : vector<1x16xf32> to vector<16xf32>
        %swap3A_633 = vector.shape_cast %mul3A_628 : vector<16xf32> to vector<1x16xf32>
        tpu.vector_store %arg10[%swap3A_629, %swap3A_630], %swap3A_633 {strides = array<i32>} : memref<128x128xf32, #tpu.memory_space<vmem>>, vector<1x16xf32>,
        %slice3A_634 = vector.extract_strided_slice %get3A_72 {offsets = [6], sizes = [1], strides = [1]} : vector<16xf32> to vector<1xf32>
        %squeeze3A_635 = vector.extract %slice3A_634[0] : f32 from vector<1xf32>
        %mul3A_636 = arith.constant 16 : i32
        %mul3A_637 = arith.muli %scan3A_67, %mul3A_636 : i32
        %add3A_638 = arith.constant 6 : i32
        %add3A_639 = arith.addi %mul3A_637, %add3A_638 : i32
        %get3A_640 = arith.index_cast %add3A_639 : i32 to index
        %get3A_641 = arith.constant 0 : index
        %get3A_642 = tpu.vector_load %arg10[%get3A_640, %get3A_641] {strides = array<i32>} : memref<128x128xf32, #tpu.memory_space<vmem>>, vector<1x16xf32>,
        %get3A_643 = vector.shape_cast %get3A_642 : vector<1x16xf32> to vector<16xf32>
        %mul3A_644 = vector.broadcast %squeeze3A_635 : f32 to vector<16xf32>
        %mul3A_645 = arith.mulf %get3A_643, %mul3A_644 : vector<16xf32>
        %swap3A_646 = arith.index_cast %add3A_639 : i32 to index
        %swap3A_647 = arith.constant 0 : index
        %swap3A_648 = tpu.vector_load %arg10[%swap3A_646, %swap3A_647] {strides = array<i32>} : memref<128x128xf32, #tpu.memory_space<vmem>>, vector<1x16xf32>,
        %swap3A_649 = vector.shape_cast %swap3A_648 : vector<1x16xf32> to vector<16xf32>
        %swap3A_650 = vector.shape_cast %mul3A_645 : vector<16xf32> to vector<1x16xf32>
        tpu.vector_store %arg10[%swap3A_646, %swap3A_647], %swap3A_650 {strides = array<i32>} : memref<128x128xf32, #tpu.memory_space<vmem>>, vector<1x16xf32>,
        %get3A_651 = arith.index_cast %add3A_639 : i32 to index
        %get3A_652 = arith.constant 16 : index
        %get3A_653 = tpu.vector_load %arg10[%get3A_651, %get3A_652] {strides = array<i32>} : memref<128x128xf32, #tpu.memory_space<vmem>>, vector<1x16xf32>,
        %get3A_654 = vector.shape_cast %get3A_653 : vector<1x16xf32> to vector<16xf32>
        %mul3A_655 = vector.broadcast %squeeze3A_635 : f32 to vector<16xf32>
        %mul3A_656 = arith.mulf %get3A_654, %mul3A_655 : vector<16xf32>
        %swap3A_657 = arith.index_cast %add3A_639 : i32 to index
        %swap3A_658 = arith.constant 16 : index
        %swap3A_659 = tpu.vector_load %arg10[%swap3A_657, %swap3A_658] {strides = array<i32>} : memref<128x128xf32, #tpu.memory_space<vmem>>, vector<1x16xf32>,
        %swap3A_660 = vector.shape_cast %swap3A_659 : vector<1x16xf32> to vector<16xf32>
        %swap3A_661 = vector.shape_cast %mul3A_656 : vector<16xf32> to vector<1x16xf32>
        tpu.vector_store %arg10[%swap3A_657, %swap3A_658], %swap3A_661 {strides = array<i32>} : memref<128x128xf32, #tpu.memory_space<vmem>>, vector<1x16xf32>,
        %get3A_662 = arith.index_cast %add3A_639 : i32 to index
        %get3A_663 = arith.constant 32 : index
        %get3A_664 = tpu.vector_load %arg10[%get3A_662, %get3A_663] {strides = array<i32>} : memref<128x128xf32, #tpu.memory_space<vmem>>, vector<1x16xf32>,
        %get3A_665 = vector.shape_cast %get3A_664 : vector<1x16xf32> to vector<16xf32>
        %mul3A_666 = vector.broadcast %squeeze3A_635 : f32 to vector<16xf32>
        %mul3A_667 = arith.mulf %get3A_665, %mul3A_666 : vector<16xf32>
        %swap3A_668 = arith.index_cast %add3A_639 : i32 to index
        %swap3A_669 = arith.constant 32 : index
        %swap3A_670 = tpu.vector_load %arg10[%swap3A_668, %swap3A_669] {strides = array<i32>} : memref<128x128xf32, #tpu.memory_space<vmem>>, vector<1x16xf32>,
        %swap3A_671 = vector.shape_cast %swap3A_670 : vector<1x16xf32> to vector<16xf32>
        %swap3A_672 = vector.shape_cast %mul3A_667 : vector<16xf32> to vector<1x16xf32>
        tpu.vector_store %arg10[%swap3A_668, %swap3A_669], %swap3A_672 {strides = array<i32>} : memref<128x128xf32, #tpu.memory_space<vmem>>, vector<1x16xf32>,
        %get3A_673 = arith.index_cast %add3A_639 : i32 to index
        %get3A_674 = arith.constant 48 : index
        %get3A_675 = tpu.vector_load %arg10[%get3A_673, %get3A_674] {strides = array<i32>} : memref<128x128xf32, #tpu.memory_space<vmem>>, vector<1x16xf32>,
        %get3A_676 = vector.shape_cast %get3A_675 : vector<1x16xf32> to vector<16xf32>
        %mul3A_677 = vector.broadcast %squeeze3A_635 : f32 to vector<16xf32>
        %mul3A_678 = arith.mulf %get3A_676, %mul3A_677 : vector<16xf32>
        %swap3A_679 = arith.index_cast %add3A_639 : i32 to index
        %swap3A_680 = arith.constant 48 : index
        %swap3A_681 = tpu.vector_load %arg10[%swap3A_679, %swap3A_680] {strides = array<i32>} : memref<128x128xf32, #tpu.memory_space<vmem>>, vector<1x16xf32>,
        %swap3A_682 = vector.shape_cast %swap3A_681 : vector<1x16xf32> to vector<16xf32>
        %swap3A_683 = vector.shape_cast %mul3A_678 : vector<16xf32> to vector<1x16xf32>
        tpu.vector_store %arg10[%swap3A_679, %swap3A_680], %swap3A_683 {strides = array<i32>} : memref<128x128xf32, #tpu.memory_space<vmem>>, vector<1x16xf32>,
        %get3A_684 = arith.index_cast %add3A_639 : i32 to index
        %get3A_685 = arith.constant 64 : index
        %get3A_686 = tpu.vector_load %arg10[%get3A_684, %get3A_685] {strides = array<i32>} : memref<128x128xf32, #tpu.memory_space<vmem>>, vector<1x16xf32>,
        %get3A_687 = vector.shape_cast %get3A_686 : vector<1x16xf32> to vector<16xf32>
        %mul3A_688 = vector.broadcast %squeeze3A_635 : f32 to vector<16xf32>
        %mul3A_689 = arith.mulf %get3A_687, %mul3A_688 : vector<16xf32>
        %swap3A_690 = arith.index_cast %add3A_639 : i32 to index
        %swap3A_691 = arith.constant 64 : index
        %swap3A_692 = tpu.vector_load %arg10[%swap3A_690, %swap3A_691] {strides = array<i32>} : memref<128x128xf32, #tpu.memory_space<vmem>>, vector<1x16xf32>,
        %swap3A_693 = vector.shape_cast %swap3A_692 : vector<1x16xf32> to vector<16xf32>
        %swap3A_694 = vector.shape_cast %mul3A_689 : vector<16xf32> to vector<1x16xf32>
        tpu.vector_store %arg10[%swap3A_690, %swap3A_691], %swap3A_694 {strides = array<i32>} : memref<128x128xf32, #tpu.memory_space<vmem>>, vector<1x16xf32>,
        %get3A_695 = arith.index_cast %add3A_639 : i32 to index
        %get3A_696 = arith.constant 80 : index
        %get3A_697 = tpu.vector_load %arg10[%get3A_695, %get3A_696] {strides = array<i32>} : memref<128x128xf32, #tpu.memory_space<vmem>>, vector<1x16xf32>,
        %get3A_698 = vector.shape_cast %get3A_697 : vector<1x16xf32> to vector<16xf32>
        %mul3A_699 = vector.broadcast %squeeze3A_635 : f32 to vector<16xf32>
        %mul3A_700 = arith.mulf %get3A_698, %mul3A_699 : vector<16xf32>
        %swap3A_701 = arith.index_cast %add3A_639 : i32 to index
        %swap3A_702 = arith.constant 80 : index
        %swap3A_703 = tpu.vector_load %arg10[%swap3A_701, %swap3A_702] {strides = array<i32>} : memref<128x128xf32, #tpu.memory_space<vmem>>, vector<1x16xf32>,
        %swap3A_704 = vector.shape_cast %swap3A_703 : vector<1x16xf32> to vector<16xf32>
        %swap3A_705 = vector.shape_cast %mul3A_700 : vector<16xf32> to vector<1x16xf32>
        tpu.vector_store %arg10[%swap3A_701, %swap3A_702], %swap3A_705 {strides = array<i32>} : memref<128x128xf32, #tpu.memory_space<vmem>>, vector<1x16xf32>,
        %get3A_706 = arith.index_cast %add3A_639 : i32 to index
        %get3A_707 = arith.constant 96 : index
        %get3A_708 = tpu.vector_load %arg10[%get3A_706, %get3A_707] {strides = array<i32>} : memref<128x128xf32, #tpu.memory_space<vmem>>, vector<1x16xf32>,
        %get3A_709 = vector.shape_cast %get3A_708 : vector<1x16xf32> to vector<16xf32>
        %mul3A_710 = vector.broadcast %squeeze3A_635 : f32 to vector<16xf32>
        %mul3A_711 = arith.mulf %get3A_709, %mul3A_710 : vector<16xf32>
        %swap3A_712 = arith.index_cast %add3A_639 : i32 to index
        %swap3A_713 = arith.constant 96 : index
        %swap3A_714 = tpu.vector_load %arg10[%swap3A_712, %swap3A_713] {strides = array<i32>} : memref<128x128xf32, #tpu.memory_space<vmem>>, vector<1x16xf32>,
        %swap3A_715 = vector.shape_cast %swap3A_714 : vector<1x16xf32> to vector<16xf32>
        %swap3A_716 = vector.shape_cast %mul3A_711 : vector<16xf32> to vector<1x16xf32>
        tpu.vector_store %arg10[%swap3A_712, %swap3A_713], %swap3A_716 {strides = array<i32>} : memref<128x128xf32, #tpu.memory_space<vmem>>, vector<1x16xf32>,
        %get3A_717 = arith.index_cast %add3A_639 : i32 to index
        %get3A_718 = arith.constant 112 : index
        %get3A_719 = tpu.vector_load %arg10[%get3A_717, %get3A_718] {strides = array<i32>} : memref<128x128xf32, #tpu.memory_space<vmem>>, vector<1x16xf32>,
        %get3A_720 = vector.shape_cast %get3A_719 : vector<1x16xf32> to vector<16xf32>
        %mul3A_721 = vector.broadcast %squeeze3A_635 : f32 to vector<16xf32>
        %mul3A_722 = arith.mulf %get3A_720, %mul3A_721 : vector<16xf32>
        %swap3A_723 = arith.index_cast %add3A_639 : i32 to index
        %swap3A_724 = arith.constant 112 : index
        %swap3A_725 = tpu.vector_load %arg10[%swap3A_723, %swap3A_724] {strides = array<i32>} : memref<128x128xf32, #tpu.memory_space<vmem>>, vector<1x16xf32>,
        %swap3A_726 = vector.shape_cast %swap3A_725 : vector<1x16xf32> to vector<16xf32>
        %swap3A_727 = vector.shape_cast %mul3A_722 : vector<16xf32> to vector<1x16xf32>
        tpu.vector_store %arg10[%swap3A_723, %swap3A_724], %swap3A_727 {strides = array<i32>} : memref<128x128xf32, #tpu.memory_space<vmem>>, vector<1x16xf32>,
        %slice3A_728 = vector.extract_strided_slice %get3A_72 {offsets = [7], sizes = [1], strides = [1]} : vector<16xf32> to vector<1xf32>
        %squeeze3A_729 = vector.extract %slice3A_728[0] : f32 from vector<1xf32>
        %mul3A_730 = arith.constant 16 : i32
        %mul3A_731 = arith.muli %scan3A_67, %mul3A_730 : i32
        %add3A_732 = arith.constant 7 : i32
        %add3A_733 = arith.addi %mul3A_731, %add3A_732 : i32
        %get3A_734 = arith.index_cast %add3A_733 : i32 to index
        %get3A_735 = arith.constant 0 : index
        %get3A_736 = tpu.vector_load %arg10[%get3A_734, %get3A_735] {strides = array<i32>} : memref<128x128xf32, #tpu.memory_space<vmem>>, vector<1x16xf32>,
        %get3A_737 = vector.shape_cast %get3A_736 : vector<1x16xf32> to vector<16xf32>
        %mul3A_738 = vector.broadcast %squeeze3A_729 : f32 to vector<16xf32>
        %mul3A_739 = arith.mulf %get3A_737, %mul3A_738 : vector<16xf32>
        %swap3A_740 = arith.index_cast %add3A_733 : i32 to index
        %swap3A_741 = arith.constant 0 : index
        %swap3A_742 = tpu.vector_load %arg10[%swap3A_740, %swap3A_741] {strides = array<i32>} : memref<128x128xf32, #tpu.memory_space<vmem>>, vector<1x16xf32>,
        %swap3A_743 = vector.shape_cast %swap3A_742 : vector<1x16xf32> to vector<16xf32>
        %swap3A_744 = vector.shape_cast %mul3A_739 : vector<16xf32> to vector<1x16xf32>
        tpu.vector_store %arg10[%swap3A_740, %swap3A_741], %swap3A_744 {strides = array<i32>} : memref<128x128xf32, #tpu.memory_space<vmem>>, vector<1x16xf32>,
        %get3A_745 = arith.index_cast %add3A_733 : i32 to index
        %get3A_746 = arith.constant 16 : index
        %get3A_747 = tpu.vector_load %arg10[%get3A_745, %get3A_746] {strides = array<i32>} : memref<128x128xf32, #tpu.memory_space<vmem>>, vector<1x16xf32>,
        %get3A_748 = vector.shape_cast %get3A_747 : vector<1x16xf32> to vector<16xf32>
        %mul3A_749 = vector.broadcast %squeeze3A_729 : f32 to vector<16xf32>
        %mul3A_750 = arith.mulf %get3A_748, %mul3A_749 : vector<16xf32>
        %swap3A_751 = arith.index_cast %add3A_733 : i32 to index
        %swap3A_752 = arith.constant 16 : index
        %swap3A_753 = tpu.vector_load %arg10[%swap3A_751, %swap3A_752] {strides = array<i32>} : memref<128x128xf32, #tpu.memory_space<vmem>>, vector<1x16xf32>,
        %swap3A_754 = vector.shape_cast %swap3A_753 : vector<1x16xf32> to vector<16xf32>
        %swap3A_755 = vector.shape_cast %mul3A_750 : vector<16xf32> to vector<1x16xf32>
        tpu.vector_store %arg10[%swap3A_751, %swap3A_752], %swap3A_755 {strides = array<i32>} : memref<128x128xf32, #tpu.memory_space<vmem>>, vector<1x16xf32>,
        %get3A_756 = arith.index_cast %add3A_733 : i32 to index
        %get3A_757 = arith.constant 32 : index
        %get3A_758 = tpu.vector_load %arg10[%get3A_756, %get3A_757] {strides = array<i32>} : memref<128x128xf32, #tpu.memory_space<vmem>>, vector<1x16xf32>,
        %get3A_759 = vector.shape_cast %get3A_758 : vector<1x16xf32> to vector<16xf32>
        %mul3A_760 = vector.broadcast %squeeze3A_729 : f32 to vector<16xf32>
        %mul3A_761 = arith.mulf %get3A_759, %mul3A_760 : vector<16xf32>
        %swap3A_762 = arith.index_cast %add3A_733 : i32 to index
        %swap3A_763 = arith.constant 32 : index
        %swap3A_764 = tpu.vector_load %arg10[%swap3A_762, %swap3A_763] {strides = array<i32>} : memref<128x128xf32, #tpu.memory_space<vmem>>, vector<1x16xf32>,
        %swap3A_765 = vector.shape_cast %swap3A_764 : vector<1x16xf32> to vector<16xf32>
        %swap3A_766 = vector.shape_cast %mul3A_761 : vector<16xf32> to vector<1x16xf32>
        tpu.vector_store %arg10[%swap3A_762, %swap3A_763], %swap3A_766 {strides = array<i32>} : memref<128x128xf32, #tpu.memory_space<vmem>>, vector<1x16xf32>,
        %get3A_767 = arith.index_cast %add3A_733 : i32 to index
        %get3A_768 = arith.constant 48 : index
        %get3A_769 = tpu.vector_load %arg10[%get3A_767, %get3A_768] {strides = array<i32>} : memref<128x128xf32, #tpu.memory_space<vmem>>, vector<1x16xf32>,
        %get3A_770 = vector.shape_cast %get3A_769 : vector<1x16xf32> to vector<16xf32>
        %mul3A_771 = vector.broadcast %squeeze3A_729 : f32 to vector<16xf32>
        %mul3A_772 = arith.mulf %get3A_770, %mul3A_771 : vector<16xf32>
        %swap3A_773 = arith.index_cast %add3A_733 : i32 to index
        %swap3A_774 = arith.constant 48 : index
        %swap3A_775 = tpu.vector_load %arg10[%swap3A_773, %swap3A_774] {strides = array<i32>} : memref<128x128xf32, #tpu.memory_space<vmem>>, vector<1x16xf32>,
        %swap3A_776 = vector.shape_cast %swap3A_775 : vector<1x16xf32> to vector<16xf32>
        %swap3A_777 = vector.shape_cast %mul3A_772 : vector<16xf32> to vector<1x16xf32>
        tpu.vector_store %arg10[%swap3A_773, %swap3A_774], %swap3A_777 {strides = array<i32>} : memref<128x128xf32, #tpu.memory_space<vmem>>, vector<1x16xf32>,
        %get3A_778 = arith.index_cast %add3A_733 : i32 to index
        %get3A_779 = arith.constant 64 : index
        %get3A_780 = tpu.vector_load %arg10[%get3A_778, %get3A_779] {strides = array<i32>} : memref<128x128xf32, #tpu.memory_space<vmem>>, vector<1x16xf32>,
        %get3A_781 = vector.shape_cast %get3A_780 : vector<1x16xf32> to vector<16xf32>
        %mul3A_782 = vector.broadcast %squeeze3A_729 : f32 to vector<16xf32>
        %mul3A_783 = arith.mulf %get3A_781, %mul3A_782 : vector<16xf32>
        %swap3A_784 = arith.index_cast %add3A_733 : i32 to index
        %swap3A_785 = arith.constant 64 : index
        %swap3A_786 = tpu.vector_load %arg10[%swap3A_784, %swap3A_785] {strides = array<i32>} : memref<128x128xf32, #tpu.memory_space<vmem>>, vector<1x16xf32>,
        %swap3A_787 = vector.shape_cast %swap3A_786 : vector<1x16xf32> to vector<16xf32>
        %swap3A_788 = vector.shape_cast %mul3A_783 : vector<16xf32> to vector<1x16xf32>
        tpu.vector_store %arg10[%swap3A_784, %swap3A_785], %swap3A_788 {strides = array<i32>} : memref<128x128xf32, #tpu.memory_space<vmem>>, vector<1x16xf32>,
        %get3A_789 = arith.index_cast %add3A_733 : i32 to index
        %get3A_790 = arith.constant 80 : index
        %get3A_791 = tpu.vector_load %arg10[%get3A_789, %get3A_790] {strides = array<i32>} : memref<128x128xf32, #tpu.memory_space<vmem>>, vector<1x16xf32>,
        %get3A_792 = vector.shape_cast %get3A_791 : vector<1x16xf32> to vector<16xf32>
        %mul3A_793 = vector.broadcast %squeeze3A_729 : f32 to vector<16xf32>
        %mul3A_794 = arith.mulf %get3A_792, %mul3A_793 : vector<16xf32>
        %swap3A_795 = arith.index_cast %add3A_733 : i32 to index
        %swap3A_796 = arith.constant 80 : index
        %swap3A_797 = tpu.vector_load %arg10[%swap3A_795, %swap3A_796] {strides = array<i32>} : memref<128x128xf32, #tpu.memory_space<vmem>>, vector<1x16xf32>,
        %swap3A_798 = vector.shape_cast %swap3A_797 : vector<1x16xf32> to vector<16xf32>
        %swap3A_799 = vector.shape_cast %mul3A_794 : vector<16xf32> to vector<1x16xf32>
        tpu.vector_store %arg10[%swap3A_795, %swap3A_796], %swap3A_799 {strides = array<i32>} : memref<128x128xf32, #tpu.memory_space<vmem>>, vector<1x16xf32>,
        %get3A_800 = arith.index_cast %add3A_733 : i32 to index
        %get3A_801 = arith.constant 96 : index
        %get3A_802 = tpu.vector_load %arg10[%get3A_800, %get3A_801] {strides = array<i32>} : memref<128x128xf32, #tpu.memory_space<vmem>>, vector<1x16xf32>,
        %get3A_803 = vector.shape_cast %get3A_802 : vector<1x16xf32> to vector<16xf32>
        %mul3A_804 = vector.broadcast %squeeze3A_729 : f32 to vector<16xf32>
        %mul3A_805 = arith.mulf %get3A_803, %mul3A_804 : vector<16xf32>
        %swap3A_806 = arith.index_cast %add3A_733 : i32 to index
        %swap3A_807 = arith.constant 96 : index
        %swap3A_808 = tpu.vector_load %arg10[%swap3A_806, %swap3A_807] {strides = array<i32>} : memref<128x128xf32, #tpu.memory_space<vmem>>, vector<1x16xf32>,
        %swap3A_809 = vector.shape_cast %swap3A_808 : vector<1x16xf32> to vector<16xf32>
        %swap3A_810 = vector.shape_cast %mul3A_805 : vector<16xf32> to vector<1x16xf32>
        tpu.vector_store %arg10[%swap3A_806, %swap3A_807], %swap3A_810 {strides = array<i32>} : memref<128x128xf32, #tpu.memory_space<vmem>>, vector<1x16xf32>,
        %get3A_811 = arith.index_cast %add3A_733 : i32 to index
        %get3A_812 = arith.constant 112 : index
        %get3A_813 = tpu.vector_load %arg10[%get3A_811, %get3A_812] {strides = array<i32>} : memref<128x128xf32, #tpu.memory_space<vmem>>, vector<1x16xf32>,
        %get3A_814 = vector.shape_cast %get3A_813 : vector<1x16xf32> to vector<16xf32>
        %mul3A_815 = vector.broadcast %squeeze3A_729 : f32 to vector<16xf32>
        %mul3A_816 = arith.mulf %get3A_814, %mul3A_815 : vector<16xf32>
        %swap3A_817 = arith.index_cast %add3A_733 : i32 to index
        %swap3A_818 = arith.constant 112 : index
        %swap3A_819 = tpu.vector_load %arg10[%swap3A_817, %swap3A_818] {strides = array<i32>} : memref<128x128xf32, #tpu.memory_space<vmem>>, vector<1x16xf32>,
        %swap3A_820 = vector.shape_cast %swap3A_819 : vector<1x16xf32> to vector<16xf32>
        %swap3A_821 = vector.shape_cast %mul3A_816 : vector<16xf32> to vector<1x16xf32>
        tpu.vector_store %arg10[%swap3A_817, %swap3A_818], %swap3A_821 {strides = array<i32>} : memref<128x128xf32, #tpu.memory_space<vmem>>, vector<1x16xf32>,
        %slice3A_822 = vector.extract_strided_slice %get3A_72 {offsets = [8], sizes = [1], strides = [1]} : vector<16xf32> to vector<1xf32>
        %squeeze3A_823 = vector.extract %slice3A_822[0] : f32 from vector<1xf32>
        %mul3A_824 = arith.constant 16 : i32
        %mul3A_825 = arith.muli %scan3A_67, %mul3A_824 : i32
        %add3A_826 = arith.constant 8 : i32
        %add3A_827 = arith.addi %mul3A_825, %add3A_826 : i32
        %get3A_828 = arith.index_cast %add3A_827 : i32 to index
        %get3A_829 = arith.constant 0 : index
        %get3A_830 = tpu.vector_load %arg10[%get3A_828, %get3A_829] {strides = array<i32>} : memref<128x128xf32, #tpu.memory_space<vmem>>, vector<1x16xf32>,
        %get3A_831 = vector.shape_cast %get3A_830 : vector<1x16xf32> to vector<16xf32>
        %mul3A_832 = vector.broadcast %squeeze3A_823 : f32 to vector<16xf32>
        %mul3A_833 = arith.mulf %get3A_831, %mul3A_832 : vector<16xf32>
        %swap3A_834 = arith.index_cast %add3A_827 : i32 to index
        %swap3A_835 = arith.constant 0 : index
        %swap3A_836 = tpu.vector_load %arg10[%swap3A_834, %swap3A_835] {strides = array<i32>} : memref<128x128xf32, #tpu.memory_space<vmem>>, vector<1x16xf32>,
        %swap3A_837 = vector.shape_cast %swap3A_836 : vector<1x16xf32> to vector<16xf32>
        %swap3A_838 = vector.shape_cast %mul3A_833 : vector<16xf32> to vector<1x16xf32>
        tpu.vector_store %arg10[%swap3A_834, %swap3A_835], %swap3A_838 {strides = array<i32>} : memref<128x128xf32, #tpu.memory_space<vmem>>, vector<1x16xf32>,
        %get3A_839 = arith.index_cast %add3A_827 : i32 to index
        %get3A_840 = arith.constant 16 : index
        %get3A_841 = tpu.vector_load %arg10[%get3A_839, %get3A_840] {strides = array<i32>} : memref<128x128xf32, #tpu.memory_space<vmem>>, vector<1x16xf32>,
        %get3A_842 = vector.shape_cast %get3A_841 : vector<1x16xf32> to vector<16xf32>
        %mul3A_843 = vector.broadcast %squeeze3A_823 : f32 to vector<16xf32>
        %mul3A_844 = arith.mulf %get3A_842, %mul3A_843 : vector<16xf32>
        %swap3A_845 = arith.index_cast %add3A_827 : i32 to index
        %swap3A_846 = arith.constant 16 : index
        %swap3A_847 = tpu.vector_load %arg10[%swap3A_845, %swap3A_846] {strides = array<i32>} : memref<128x128xf32, #tpu.memory_space<vmem>>, vector<1x16xf32>,
        %swap3A_848 = vector.shape_cast %swap3A_847 : vector<1x16xf32> to vector<16xf32>
        %swap3A_849 = vector.shape_cast %mul3A_844 : vector<16xf32> to vector<1x16xf32>
        tpu.vector_store %arg10[%swap3A_845, %swap3A_846], %swap3A_849 {strides = array<i32>} : memref<128x128xf32, #tpu.memory_space<vmem>>, vector<1x16xf32>,
        %get3A_850 = arith.index_cast %add3A_827 : i32 to index
        %get3A_851 = arith.constant 32 : index
        %get3A_852 = tpu.vector_load %arg10[%get3A_850, %get3A_851] {strides = array<i32>} : memref<128x128xf32, #tpu.memory_space<vmem>>, vector<1x16xf32>,
        %get3A_853 = vector.shape_cast %get3A_852 : vector<1x16xf32> to vector<16xf32>
        %mul3A_854 = vector.broadcast %squeeze3A_823 : f32 to vector<16xf32>
        %mul3A_855 = arith.mulf %get3A_853, %mul3A_854 : vector<16xf32>
        %swap3A_856 = arith.index_cast %add3A_827 : i32 to index
        %swap3A_857 = arith.constant 32 : index
        %swap3A_858 = tpu.vector_load %arg10[%swap3A_856, %swap3A_857] {strides = array<i32>} : memref<128x128xf32, #tpu.memory_space<vmem>>, vector<1x16xf32>,
        %swap3A_859 = vector.shape_cast %swap3A_858 : vector<1x16xf32> to vector<16xf32>
        %swap3A_860 = vector.shape_cast %mul3A_855 : vector<16xf32> to vector<1x16xf32>
        tpu.vector_store %arg10[%swap3A_856, %swap3A_857], %swap3A_860 {strides = array<i32>} : memref<128x128xf32, #tpu.memory_space<vmem>>, vector<1x16xf32>,
        %get3A_861 = arith.index_cast %add3A_827 : i32 to index
        %get3A_862 = arith.constant 48 : index
        %get3A_863 = tpu.vector_load %arg10[%get3A_861, %get3A_862] {strides = array<i32>} : memref<128x128xf32, #tpu.memory_space<vmem>>, vector<1x16xf32>,
        %get3A_864 = vector.shape_cast %get3A_863 : vector<1x16xf32> to vector<16xf32>
        %mul3A_865 = vector.broadcast %squeeze3A_823 : f32 to vector<16xf32>
        %mul3A_866 = arith.mulf %get3A_864, %mul3A_865 : vector<16xf32>
        %swap3A_867 = arith.index_cast %add3A_827 : i32 to index
        %swap3A_868 = arith.constant 48 : index
        %swap3A_869 = tpu.vector_load %arg10[%swap3A_867, %swap3A_868] {strides = array<i32>} : memref<128x128xf32, #tpu.memory_space<vmem>>, vector<1x16xf32>,
        %swap3A_870 = vector.shape_cast %swap3A_869 : vector<1x16xf32> to vector<16xf32>
        %swap3A_871 = vector.shape_cast %mul3A_866 : vector<16xf32> to vector<1x16xf32>
        tpu.vector_store %arg10[%swap3A_867, %swap3A_868], %swap3A_871 {strides = array<i32>} : memref<128x128xf32, #tpu.memory_space<vmem>>, vector<1x16xf32>,
        %get3A_872 = arith.index_cast %add3A_827 : i32 to index
        %get3A_873 = arith.constant 64 : index
        %get3A_874 = tpu.vector_load %arg10[%get3A_872, %get3A_873] {strides = array<i32>} : memref<128x128xf32, #tpu.memory_space<vmem>>, vector<1x16xf32>,
        %get3A_875 = vector.shape_cast %get3A_874 : vector<1x16xf32> to vector<16xf32>
        %mul3A_876 = vector.broadcast %squeeze3A_823 : f32 to vector<16xf32>
        %mul3A_877 = arith.mulf %get3A_875, %mul3A_876 : vector<16xf32>
        %swap3A_878 = arith.index_cast %add3A_827 : i32 to index
        %swap3A_879 = arith.constant 64 : index
        %swap3A_880 = tpu.vector_load %arg10[%swap3A_878, %swap3A_879] {strides = array<i32>} : memref<128x128xf32, #tpu.memory_space<vmem>>, vector<1x16xf32>,
        %swap3A_881 = vector.shape_cast %swap3A_880 : vector<1x16xf32> to vector<16xf32>
        %swap3A_882 = vector.shape_cast %mul3A_877 : vector<16xf32> to vector<1x16xf32>
        tpu.vector_store %arg10[%swap3A_878, %swap3A_879], %swap3A_882 {strides = array<i32>} : memref<128x128xf32, #tpu.memory_space<vmem>>, vector<1x16xf32>,
        %get3A_883 = arith.index_cast %add3A_827 : i32 to index
        %get3A_884 = arith.constant 80 : index
        %get3A_885 = tpu.vector_load %arg10[%get3A_883, %get3A_884] {strides = array<i32>} : memref<128x128xf32, #tpu.memory_space<vmem>>, vector<1x16xf32>,
        %get3A_886 = vector.shape_cast %get3A_885 : vector<1x16xf32> to vector<16xf32>
        %mul3A_887 = vector.broadcast %squeeze3A_823 : f32 to vector<16xf32>
        %mul3A_888 = arith.mulf %get3A_886, %mul3A_887 : vector<16xf32>
        %swap3A_889 = arith.index_cast %add3A_827 : i32 to index
        %swap3A_890 = arith.constant 80 : index
        %swap3A_891 = tpu.vector_load %arg10[%swap3A_889, %swap3A_890] {strides = array<i32>} : memref<128x128xf32, #tpu.memory_space<vmem>>, vector<1x16xf32>,
        %swap3A_892 = vector.shape_cast %swap3A_891 : vector<1x16xf32> to vector<16xf32>
        %swap3A_893 = vector.shape_cast %mul3A_888 : vector<16xf32> to vector<1x16xf32>
        tpu.vector_store %arg10[%swap3A_889, %swap3A_890], %swap3A_893 {strides = array<i32>} : memref<128x128xf32, #tpu.memory_space<vmem>>, vector<1x16xf32>,
        %get3A_894 = arith.index_cast %add3A_827 : i32 to index
        %get3A_895 = arith.constant 96 : index
        %get3A_896 = tpu.vector_load %arg10[%get3A_894, %get3A_895] {strides = array<i32>} : memref<128x128xf32, #tpu.memory_space<vmem>>, vector<1x16xf32>,
        %get3A_897 = vector.shape_cast %get3A_896 : vector<1x16xf32> to vector<16xf32>
        %mul3A_898 = vector.broadcast %squeeze3A_823 : f32 to vector<16xf32>
        %mul3A_899 = arith.mulf %get3A_897, %mul3A_898 : vector<16xf32>
        %swap3A_900 = arith.index_cast %add3A_827 : i32 to index
        %swap3A_901 = arith.constant 96 : index
        %swap3A_902 = tpu.vector_load %arg10[%swap3A_900, %swap3A_901] {strides = array<i32>} : memref<128x128xf32, #tpu.memory_space<vmem>>, vector<1x16xf32>,
        %swap3A_903 = vector.shape_cast %swap3A_902 : vector<1x16xf32> to vector<16xf32>
        %swap3A_904 = vector.shape_cast %mul3A_899 : vector<16xf32> to vector<1x16xf32>
        tpu.vector_store %arg10[%swap3A_900, %swap3A_901], %swap3A_904 {strides = array<i32>} : memref<128x128xf32, #tpu.memory_space<vmem>>, vector<1x16xf32>,
        %get3A_905 = arith.index_cast %add3A_827 : i32 to index
        %get3A_906 = arith.constant 112 : index
        %get3A_907 = tpu.vector_load %arg10[%get3A_905, %get3A_906] {strides = array<i32>} : memref<128x128xf32, #tpu.memory_space<vmem>>, vector<1x16xf32>,
        %get3A_908 = vector.shape_cast %get3A_907 : vector<1x16xf32> to vector<16xf32>
        %mul3A_909 = vector.broadcast %squeeze3A_823 : f32 to vector<16xf32>
        %mul3A_910 = arith.mulf %get3A_908, %mul3A_909 : vector<16xf32>
        %swap3A_911 = arith.index_cast %add3A_827 : i32 to index
        %swap3A_912 = arith.constant 112 : index
        %swap3A_913 = tpu.vector_load %arg10[%swap3A_911, %swap3A_912] {strides = array<i32>} : memref<128x128xf32, #tpu.memory_space<vmem>>, vector<1x16xf32>,
        %swap3A_914 = vector.shape_cast %swap3A_913 : vector<1x16xf32> to vector<16xf32>
        %swap3A_915 = vector.shape_cast %mul3A_910 : vector<16xf32> to vector<1x16xf32>
        tpu.vector_store %arg10[%swap3A_911, %swap3A_912], %swap3A_915 {strides = array<i32>} : memref<128x128xf32, #tpu.memory_space<vmem>>, vector<1x16xf32>,
        %slice3A_916 = vector.extract_strided_slice %get3A_72 {offsets = [9], sizes = [1], strides = [1]} : vector<16xf32> to vector<1xf32>
        %squeeze3A_917 = vector.extract %slice3A_916[0] : f32 from vector<1xf32>
        %mul3A_918 = arith.constant 16 : i32
        %mul3A_919 = arith.muli %scan3A_67, %mul3A_918 : i32
        %add3A_920 = arith.constant 9 : i32
        %add3A_921 = arith.addi %mul3A_919, %add3A_920 : i32
        %get3A_922 = arith.index_cast %add3A_921 : i32 to index
        %get3A_923 = arith.constant 0 : index
        %get3A_924 = tpu.vector_load %arg10[%get3A_922, %get3A_923] {strides = array<i32>} : memref<128x128xf32, #tpu.memory_space<vmem>>, vector<1x16xf32>,
        %get3A_925 = vector.shape_cast %get3A_924 : vector<1x16xf32> to vector<16xf32>
        %mul3A_926 = vector.broadcast %squeeze3A_917 : f32 to vector<16xf32>
        %mul3A_927 = arith.mulf %get3A_925, %mul3A_926 : vector<16xf32>
        %swap3A_928 = arith.index_cast %add3A_921 : i32 to index
        %swap3A_929 = arith.constant 0 : index
        %swap3A_930 = tpu.vector_load %arg10[%swap3A_928, %swap3A_929] {strides = array<i32>} : memref<128x128xf32, #tpu.memory_space<vmem>>, vector<1x16xf32>,
        %swap3A_931 = vector.shape_cast %swap3A_930 : vector<1x16xf32> to vector<16xf32>
        %swap3A_932 = vector.shape_cast %mul3A_927 : vector<16xf32> to vector<1x16xf32>
        tpu.vector_store %arg10[%swap3A_928, %swap3A_929], %swap3A_932 {strides = array<i32>} : memref<128x128xf32, #tpu.memory_space<vmem>>, vector<1x16xf32>,
        %get3A_933 = arith.index_cast %add3A_921 : i32 to index
        %get3A_934 = arith.constant 16 : index
        %get3A_935 = tpu.vector_load %arg10[%get3A_933, %get3A_934] {strides = array<i32>} : memref<128x128xf32, #tpu.memory_space<vmem>>, vector<1x16xf32>,
        %get3A_936 = vector.shape_cast %get3A_935 : vector<1x16xf32> to vector<16xf32>
        %mul3A_937 = vector.broadcast %squeeze3A_917 : f32 to vector<16xf32>
        %mul3A_938 = arith.mulf %get3A_936, %mul3A_937 : vector<16xf32>
        %swap3A_939 = arith.index_cast %add3A_921 : i32 to index
        %swap3A_940 = arith.constant 16 : index
        %swap3A_941 = tpu.vector_load %arg10[%swap3A_939, %swap3A_940] {strides = array<i32>} : memref<128x128xf32, #tpu.memory_space<vmem>>, vector<1x16xf32>,
        %swap3A_942 = vector.shape_cast %swap3A_941 : vector<1x16xf32> to vector<16xf32>
        %swap3A_943 = vector.shape_cast %mul3A_938 : vector<16xf32> to vector<1x16xf32>
        tpu.vector_store %arg10[%swap3A_939, %swap3A_940], %swap3A_943 {strides = array<i32>} : memref<128x128xf32, #tpu.memory_space<vmem>>, vector<1x16xf32>,
        %get3A_944 = arith.index_cast %add3A_921 : i32 to index
        %get3A_945 = arith.constant 32 : index
        %get3A_946 = tpu.vector_load %arg10[%get3A_944, %get3A_945] {strides = array<i32>} : memref<128x128xf32, #tpu.memory_space<vmem>>, vector<1x16xf32>,
        %get3A_947 = vector.shape_cast %get3A_946 : vector<1x16xf32> to vector<16xf32>
        %mul3A_948 = vector.broadcast %squeeze3A_917 : f32 to vector<16xf32>
        %mul3A_949 = arith.mulf %get3A_947, %mul3A_948 : vector<16xf32>
        %swap3A_950 = arith.index_cast %add3A_921 : i32 to index
        %swap3A_951 = arith.constant 32 : index
        %swap3A_952 = tpu.vector_load %arg10[%swap3A_950, %swap3A_951] {strides = array<i32>} : memref<128x128xf32, #tpu.memory_space<vmem>>, vector<1x16xf32>,
        %swap3A_953 = vector.shape_cast %swap3A_952 : vector<1x16xf32> to vector<16xf32>
        %swap3A_954 = vector.shape_cast %mul3A_949 : vector<16xf32> to vector<1x16xf32>
        tpu.vector_store %arg10[%swap3A_950, %swap3A_951], %swap3A_954 {strides = array<i32>} : memref<128x128xf32, #tpu.memory_space<vmem>>, vector<1x16xf32>,
        %get3A_955 = arith.index_cast %add3A_921 : i32 to index
        %get3A_956 = arith.constant 48 : index
        %get3A_957 = tpu.vector_load %arg10[%get3A_955, %get3A_956] {strides = array<i32>} : memref<128x128xf32, #tpu.memory_space<vmem>>, vector<1x16xf32>,
        %get3A_958 = vector.shape_cast %get3A_957 : vector<1x16xf32> to vector<16xf32>
        %mul3A_959 = vector.broadcast %squeeze3A_917 : f32 to vector<16xf32>
        %mul3A_960 = arith.mulf %get3A_958, %mul3A_959 : vector<16xf32>
        %swap3A_961 = arith.index_cast %add3A_921 : i32 to index
        %swap3A_962 = arith.constant 48 : index
        %swap3A_963 = tpu.vector_load %arg10[%swap3A_961, %swap3A_962] {strides = array<i32>} : memref<128x128xf32, #tpu.memory_space<vmem>>, vector<1x16xf32>,
        %swap3A_964 = vector.shape_cast %swap3A_963 : vector<1x16xf32> to vector<16xf32>
        %swap3A_965 = vector.shape_cast %mul3A_960 : vector<16xf32> to vector<1x16xf32>
        tpu.vector_store %arg10[%swap3A_961, %swap3A_962], %swap3A_965 {strides = array<i32>} : memref<128x128xf32, #tpu.memory_space<vmem>>, vector<1x16xf32>,
        %get3A_966 = arith.index_cast %add3A_921 : i32 to index
        %get3A_967 = arith.constant 64 : index
        %get3A_968 = tpu.vector_load %arg10[%get3A_966, %get3A_967] {strides = array<i32>} : memref<128x128xf32, #tpu.memory_space<vmem>>, vector<1x16xf32>,
        %get3A_969 = vector.shape_cast %get3A_968 : vector<1x16xf32> to vector<16xf32>
        %mul3A_970 = vector.broadcast %squeeze3A_917 : f32 to vector<16xf32>
        %mul3A_971 = arith.mulf %get3A_969, %mul3A_970 : vector<16xf32>
        %swap3A_972 = arith.index_cast %add3A_921 : i32 to index
        %swap3A_973 = arith.constant 64 : index
        %swap3A_974 = tpu.vector_load %arg10[%swap3A_972, %swap3A_973] {strides = array<i32>} : memref<128x128xf32, #tpu.memory_space<vmem>>, vector<1x16xf32>,
        %swap3A_975 = vector.shape_cast %swap3A_974 : vector<1x16xf32> to vector<16xf32>
        %swap3A_976 = vector.shape_cast %mul3A_971 : vector<16xf32> to vector<1x16xf32>
        tpu.vector_store %arg10[%swap3A_972, %swap3A_973], %swap3A_976 {strides = array<i32>} : memref<128x128xf32, #tpu.memory_space<vmem>>, vector<1x16xf32>,
        %get3A_977 = arith.index_cast %add3A_921 : i32 to index
        %get3A_978 = arith.constant 80 : index
        %get3A_979 = tpu.vector_load %arg10[%get3A_977, %get3A_978] {strides = array<i32>} : memref<128x128xf32, #tpu.memory_space<vmem>>, vector<1x16xf32>,
        %get3A_980 = vector.shape_cast %get3A_979 : vector<1x16xf32> to vector<16xf32>
        %mul3A_981 = vector.broadcast %squeeze3A_917 : f32 to vector<16xf32>
        %mul3A_982 = arith.mulf %get3A_980, %mul3A_981 : vector<16xf32>
        %swap3A_983 = arith.index_cast %add3A_921 : i32 to index
        %swap3A_984 = arith.constant 80 : index
        %swap3A_985 = tpu.vector_load %arg10[%swap3A_983, %swap3A_984] {strides = array<i32>} : memref<128x128xf32, #tpu.memory_space<vmem>>, vector<1x16xf32>,
        %swap3A_986 = vector.shape_cast %swap3A_985 : vector<1x16xf32> to vector<16xf32>
        %swap3A_987 = vector.shape_cast %mul3A_982 : vector<16xf32> to vector<1x16xf32>
        tpu.vector_store %arg10[%swap3A_983, %swap3A_984], %swap3A_987 {strides = array<i32>} : memref<128x128xf32, #tpu.memory_space<vmem>>, vector<1x16xf32>,
        %get3A_988 = arith.index_cast %add3A_921 : i32 to index
        %get3A_989 = arith.constant 96 : index
        %get3A_990 = tpu.vector_load %arg10[%get3A_988, %get3A_989] {strides = array<i32>} : memref<128x128xf32, #tpu.memory_space<vmem>>, vector<1x16xf32>,
        %get3A_991 = vector.shape_cast %get3A_990 : vector<1x16xf32> to vector<16xf32>
        %mul3A_992 = vector.broadcast %squeeze3A_917 : f32 to vector<16xf32>
        %mul3A_993 = arith.mulf %get3A_991, %mul3A_992 : vector<16xf32>
        %swap3A_994 = arith.index_cast %add3A_921 : i32 to index
        %swap3A_995 = arith.constant 96 : index
        %swap3A_996 = tpu.vector_load %arg10[%swap3A_994, %swap3A_995] {strides = array<i32>} : memref<128x128xf32, #tpu.memory_space<vmem>>, vector<1x16xf32>,
        %swap3A_997 = vector.shape_cast %swap3A_996 : vector<1x16xf32> to vector<16xf32>
        %swap3A_998 = vector.shape_cast %mul3A_993 : vector<16xf32> to vector<1x16xf32>
        tpu.vector_store %arg10[%swap3A_994, %swap3A_995], %swap3A_998 {strides = array<i32>} : memref<128x128xf32, #tpu.memory_space<vmem>>, vector<1x16xf32>,
        %get3A_999 = arith.index_cast %add3A_921 : i32 to index
        %get3A_1000 = arith.constant 112 : index
        %get3A_1001 = tpu.vector_load %arg10[%get3A_999, %get3A_1000] {strides = array<i32>} : memref<128x128xf32, #tpu.memory_space<vmem>>, vector<1x16xf32>,
        %get3A_1002 = vector.shape_cast %get3A_1001 : vector<1x16xf32> to vector<16xf32>
        %mul3A_1003 = vector.broadcast %squeeze3A_917 : f32 to vector<16xf32>
        %mul3A_1004 = arith.mulf %get3A_1002, %mul3A_1003 : vector<16xf32>
        %swap3A_1005 = arith.index_cast %add3A_921 : i32 to index
        %swap3A_1006 = arith.constant 112 : index
        %swap3A_1007 = tpu.vector_load %arg10[%swap3A_1005, %swap3A_1006] {strides = array<i32>} : memref<128x128xf32, #tpu.memory_space<vmem>>, vector<1x16xf32>,
        %swap3A_1008 = vector.shape_cast %swap3A_1007 : vector<1x16xf32> to vector<16xf32>
        %swap3A_1009 = vector.shape_cast %mul3A_1004 : vector<16xf32> to vector<1x16xf32>
        tpu.vector_store %arg10[%swap3A_1005, %swap3A_1006], %swap3A_1009 {strides = array<i32>} : memref<128x128xf32, #tpu.memory_space<vmem>>, vector<1x16xf32>,
        %slice3A_1010 = vector.extract_strided_slice %get3A_72 {offsets = [10], sizes = [1], strides = [1]} : vector<16xf32> to vector<1xf32>
        %squeeze3A_1011 = vector.extract %slice3A_1010[0] : f32 from vector<1xf32>
        %mul3A_1012 = arith.constant 16 : i32
        %mul3A_1013 = arith.muli %scan3A_67, %mul3A_1012 : i32
        %add3A_1014 = arith.constant 10 : i32
        %add3A_1015 = arith.addi %mul3A_1013, %add3A_1014 : i32
        %get3A_1016 = arith.index_cast %add3A_1015 : i32 to index
        %get3A_1017 = arith.constant 0 : index
        %get3A_1018 = tpu.vector_load %arg10[%get3A_1016, %get3A_1017] {strides = array<i32>} : memref<128x128xf32, #tpu.memory_space<vmem>>, vector<1x16xf32>,
        %get3A_1019 = vector.shape_cast %get3A_1018 : vector<1x16xf32> to vector<16xf32>
        %mul3A_1020 = vector.broadcast %squeeze3A_1011 : f32 to vector<16xf32>
        %mul3A_1021 = arith.mulf %get3A_1019, %mul3A_1020 : vector<16xf32>
        %swap3A_1022 = arith.index_cast %add3A_1015 : i32 to index
        %swap3A_1023 = arith.constant 0 : index
        %swap3A_1024 = tpu.vector_load %arg10[%swap3A_1022, %swap3A_1023] {strides = array<i32>} : memref<128x128xf32, #tpu.memory_space<vmem>>, vector<1x16xf32>,
        %swap3A_1025 = vector.shape_cast %swap3A_1024 : vector<1x16xf32> to vector<16xf32>
        %swap3A_1026 = vector.shape_cast %mul3A_1021 : vector<16xf32> to vector<1x16xf32>
        tpu.vector_store %arg10[%swap3A_1022, %swap3A_1023], %swap3A_1026 {strides = array<i32>} : memref<128x128xf32, #tpu.memory_space<vmem>>, vector<1x16xf32>,
        %get3A_1027 = arith.index_cast %add3A_1015 : i32 to index
        %get3A_1028 = arith.constant 16 : index
        %get3A_1029 = tpu.vector_load %arg10[%get3A_1027, %get3A_1028] {strides = array<i32>} : memref<128x128xf32, #tpu.memory_space<vmem>>, vector<1x16xf32>,
        %get3A_1030 = vector.shape_cast %get3A_1029 : vector<1x16xf32> to vector<16xf32>
        %mul3A_1031 = vector.broadcast %squeeze3A_1011 : f32 to vector<16xf32>
        %mul3A_1032 = arith.mulf %get3A_1030, %mul3A_1031 : vector<16xf32>
        %swap3A_1033 = arith.index_cast %add3A_1015 : i32 to index
        %swap3A_1034 = arith.constant 16 : index
        %swap3A_1035 = tpu.vector_load %arg10[%swap3A_1033, %swap3A_1034] {strides = array<i32>} : memref<128x128xf32, #tpu.memory_space<vmem>>, vector<1x16xf32>,
        %swap3A_1036 = vector.shape_cast %swap3A_1035 : vector<1x16xf32> to vector<16xf32>
        %swap3A_1037 = vector.shape_cast %mul3A_1032 : vector<16xf32> to vector<1x16xf32>
        tpu.vector_store %arg10[%swap3A_1033, %swap3A_1034], %swap3A_1037 {strides = array<i32>} : memref<128x128xf32, #tpu.memory_space<vmem>>, vector<1x16xf32>,
        %get3A_1038 = arith.index_cast %add3A_1015 : i32 to index
        %get3A_1039 = arith.constant 32 : index
        %get3A_1040 = tpu.vector_load %arg10[%get3A_1038, %get3A_1039] {strides = array<i32>} : memref<128x128xf32, #tpu.memory_space<vmem>>, vector<1x16xf32>,
        %get3A_1041 = vector.shape_cast %get3A_1040 : vector<1x16xf32> to vector<16xf32>
        %mul3A_1042 = vector.broadcast %squeeze3A_1011 : f32 to vector<16xf32>
        %mul3A_1043 = arith.mulf %get3A_1041, %mul3A_1042 : vector<16xf32>
        %swap3A_1044 = arith.index_cast %add3A_1015 : i32 to index
        %swap3A_1045 = arith.constant 32 : index
        %swap3A_1046 = tpu.vector_load %arg10[%swap3A_1044, %swap3A_1045] {strides = array<i32>} : memref<128x128xf32, #tpu.memory_space<vmem>>, vector<1x16xf32>,
        %swap3A_1047 = vector.shape_cast %swap3A_1046 : vector<1x16xf32> to vector<16xf32>
        %swap3A_1048 = vector.shape_cast %mul3A_1043 : vector<16xf32> to vector<1x16xf32>
        tpu.vector_store %arg10[%swap3A_1044, %swap3A_1045], %swap3A_1048 {strides = array<i32>} : memref<128x128xf32, #tpu.memory_space<vmem>>, vector<1x16xf32>,
        %get3A_1049 = arith.index_cast %add3A_1015 : i32 to index
        %get3A_1050 = arith.constant 48 : index
        %get3A_1051 = tpu.vector_load %arg10[%get3A_1049, %get3A_1050] {strides = array<i32>} : memref<128x128xf32, #tpu.memory_space<vmem>>, vector<1x16xf32>,
        %get3A_1052 = vector.shape_cast %get3A_1051 : vector<1x16xf32> to vector<16xf32>
        %mul3A_1053 = vector.broadcast %squeeze3A_1011 : f32 to vector<16xf32>
        %mul3A_1054 = arith.mulf %get3A_1052, %mul3A_1053 : vector<16xf32>
        %swap3A_1055 = arith.index_cast %add3A_1015 : i32 to index
        %swap3A_1056 = arith.constant 48 : index
        %swap3A_1057 = tpu.vector_load %arg10[%swap3A_1055, %swap3A_1056] {strides = array<i32>} : memref<128x128xf32, #tpu.memory_space<vmem>>, vector<1x16xf32>,
        %swap3A_1058 = vector.shape_cast %swap3A_1057 : vector<1x16xf32> to vector<16xf32>
        %swap3A_1059 = vector.shape_cast %mul3A_1054 : vector<16xf32> to vector<1x16xf32>
        tpu.vector_store %arg10[%swap3A_1055, %swap3A_1056], %swap3A_1059 {strides = array<i32>} : memref<128x128xf32, #tpu.memory_space<vmem>>, vector<1x16xf32>,
        %get3A_1060 = arith.index_cast %add3A_1015 : i32 to index
        %get3A_1061 = arith.constant 64 : index
        %get3A_1062 = tpu.vector_load %arg10[%get3A_1060, %get3A_1061] {strides = array<i32>} : memref<128x128xf32, #tpu.memory_space<vmem>>, vector<1x16xf32>,
        %get3A_1063 = vector.shape_cast %get3A_1062 : vector<1x16xf32> to vector<16xf32>
        %mul3A_1064 = vector.broadcast %squeeze3A_1011 : f32 to vector<16xf32>
        %mul3A_1065 = arith.mulf %get3A_1063, %mul3A_1064 : vector<16xf32>
        %swap3A_1066 = arith.index_cast %add3A_1015 : i32 to index
        %swap3A_1067 = arith.constant 64 : index
        %swap3A_1068 = tpu.vector_load %arg10[%swap3A_1066, %swap3A_1067] {strides = array<i32>} : memref<128x128xf32, #tpu.memory_space<vmem>>, vector<1x16xf32>,
        %swap3A_1069 = vector.shape_cast %swap3A_1068 : vector<1x16xf32> to vector<16xf32>
        %swap3A_1070 = vector.shape_cast %mul3A_1065 : vector<16xf32> to vector<1x16xf32>
        tpu.vector_store %arg10[%swap3A_1066, %swap3A_1067], %swap3A_1070 {strides = array<i32>} : memref<128x128xf32, #tpu.memory_space<vmem>>, vector<1x16xf32>,
        %get3A_1071 = arith.index_cast %add3A_1015 : i32 to index
        %get3A_1072 = arith.constant 80 : index
        %get3A_1073 = tpu.vector_load %arg10[%get3A_1071, %get3A_1072] {strides = array<i32>} : memref<128x128xf32, #tpu.memory_space<vmem>>, vector<1x16xf32>,
        %get3A_1074 = vector.shape_cast %get3A_1073 : vector<1x16xf32> to vector<16xf32>
        %mul3A_1075 = vector.broadcast %squeeze3A_1011 : f32 to vector<16xf32>
        %mul3A_1076 = arith.mulf %get3A_1074, %mul3A_1075 : vector<16xf32>
        %swap3A_1077 = arith.index_cast %add3A_1015 : i32 to index
        %swap3A_1078 = arith.constant 80 : index
        %swap3A_1079 = tpu.vector_load %arg10[%swap3A_1077, %swap3A_1078] {strides = array<i32>} : memref<128x128xf32, #tpu.memory_space<vmem>>, vector<1x16xf32>,
        %swap3A_1080 = vector.shape_cast %swap3A_1079 : vector<1x16xf32> to vector<16xf32>
        %swap3A_1081 = vector.shape_cast %mul3A_1076 : vector<16xf32> to vector<1x16xf32>
        tpu.vector_store %arg10[%swap3A_1077, %swap3A_1078], %swap3A_1081 {strides = array<i32>} : memref<128x128xf32, #tpu.memory_space<vmem>>, vector<1x16xf32>,
        %get3A_1082 = arith.index_cast %add3A_1015 : i32 to index
        %get3A_1083 = arith.constant 96 : index
        %get3A_1084 = tpu.vector_load %arg10[%get3A_1082, %get3A_1083] {strides = array<i32>} : memref<128x128xf32, #tpu.memory_space<vmem>>, vector<1x16xf32>,
        %get3A_1085 = vector.shape_cast %get3A_1084 : vector<1x16xf32> to vector<16xf32>
        %mul3A_1086 = vector.broadcast %squeeze3A_1011 : f32 to vector<16xf32>
        %mul3A_1087 = arith.mulf %get3A_1085, %mul3A_1086 : vector<16xf32>
        %swap3A_1088 = arith.index_cast %add3A_1015 : i32 to index
        %swap3A_1089 = arith.constant 96 : index
        %swap3A_1090 = tpu.vector_load %arg10[%swap3A_1088, %swap3A_1089] {strides = array<i32>} : memref<128x128xf32, #tpu.memory_space<vmem>>, vector<1x16xf32>,
        %swap3A_1091 = vector.shape_cast %swap3A_1090 : vector<1x16xf32> to vector<16xf32>
        %swap3A_1092 = vector.shape_cast %mul3A_1087 : vector<16xf32> to vector<1x16xf32>
        tpu.vector_store %arg10[%swap3A_1088, %swap3A_1089], %swap3A_1092 {strides = array<i32>} : memref<128x128xf32, #tpu.memory_space<vmem>>, vector<1x16xf32>,
        %get3A_1093 = arith.index_cast %add3A_1015 : i32 to index
        %get3A_1094 = arith.constant 112 : index
        %get3A_1095 = tpu.vector_load %arg10[%get3A_1093, %get3A_1094] {strides = array<i32>} : memref<128x128xf32, #tpu.memory_space<vmem>>, vector<1x16xf32>,
        %get3A_1096 = vector.shape_cast %get3A_1095 : vector<1x16xf32> to vector<16xf32>
        %mul3A_1097 = vector.broadcast %squeeze3A_1011 : f32 to vector<16xf32>
        %mul3A_1098 = arith.mulf %get3A_1096, %mul3A_1097 : vector<16xf32>
        %swap3A_1099 = arith.index_cast %add3A_1015 : i32 to index
        %swap3A_1100 = arith.constant 112 : index
        %swap3A_1101 = tpu.vector_load %arg10[%swap3A_1099, %swap3A_1100] {strides = array<i32>} : memref<128x128xf32, #tpu.memory_space<vmem>>, vector<1x16xf32>,
        %swap3A_1102 = vector.shape_cast %swap3A_1101 : vector<1x16xf32> to vector<16xf32>
        %swap3A_1103 = vector.shape_cast %mul3A_1098 : vector<16xf32> to vector<1x16xf32>
        tpu.vector_store %arg10[%swap3A_1099, %swap3A_1100], %swap3A_1103 {strides = array<i32>} : memref<128x128xf32, #tpu.memory_space<vmem>>, vector<1x16xf32>,
        %slice3A_1104 = vector.extract_strided_slice %get3A_72 {offsets = [11], sizes = [1], strides = [1]} : vector<16xf32> to vector<1xf32>
        %squeeze3A_1105 = vector.extract %slice3A_1104[0] : f32 from vector<1xf32>
        %mul3A_1106 = arith.constant 16 : i32
        %mul3A_1107 = arith.muli %scan3A_67, %mul3A_1106 : i32
        %add3A_1108 = arith.constant 11 : i32
        %add3A_1109 = arith.addi %mul3A_1107, %add3A_1108 : i32
        %get3A_1110 = arith.index_cast %add3A_1109 : i32 to index
        %get3A_1111 = arith.constant 0 : index
        %get3A_1112 = tpu.vector_load %arg10[%get3A_1110, %get3A_1111] {strides = array<i32>} : memref<128x128xf32, #tpu.memory_space<vmem>>, vector<1x16xf32>,
        %get3A_1113 = vector.shape_cast %get3A_1112 : vector<1x16xf32> to vector<16xf32>
        %mul3A_1114 = vector.broadcast %squeeze3A_1105 : f32 to vector<16xf32>
        %mul3A_1115 = arith.mulf %get3A_1113, %mul3A_1114 : vector<16xf32>
        %swap3A_1116 = arith.index_cast %add3A_1109 : i32 to index
        %swap3A_1117 = arith.constant 0 : index
        %swap3A_1118 = tpu.vector_load %arg10[%swap3A_1116, %swap3A_1117] {strides = array<i32>} : memref<128x128xf32, #tpu.memory_space<vmem>>, vector<1x16xf32>,
        %swap3A_1119 = vector.shape_cast %swap3A_1118 : vector<1x16xf32> to vector<16xf32>
        %swap3A_1120 = vector.shape_cast %mul3A_1115 : vector<16xf32> to vector<1x16xf32>
        tpu.vector_store %arg10[%swap3A_1116, %swap3A_1117], %swap3A_1120 {strides = array<i32>} : memref<128x128xf32, #tpu.memory_space<vmem>>, vector<1x16xf32>,
        %get3A_1121 = arith.index_cast %add3A_1109 : i32 to index
        %get3A_1122 = arith.constant 16 : index
        %get3A_1123 = tpu.vector_load %arg10[%get3A_1121, %get3A_1122] {strides = array<i32>} : memref<128x128xf32, #tpu.memory_space<vmem>>, vector<1x16xf32>,
        %get3A_1124 = vector.shape_cast %get3A_1123 : vector<1x16xf32> to vector<16xf32>
        %mul3A_1125 = vector.broadcast %squeeze3A_1105 : f32 to vector<16xf32>
        %mul3A_1126 = arith.mulf %get3A_1124, %mul3A_1125 : vector<16xf32>
        %swap3A_1127 = arith.index_cast %add3A_1109 : i32 to index
        %swap3A_1128 = arith.constant 16 : index
        %swap3A_1129 = tpu.vector_load %arg10[%swap3A_1127, %swap3A_1128] {strides = array<i32>} : memref<128x128xf32, #tpu.memory_space<vmem>>, vector<1x16xf32>,
        %swap3A_1130 = vector.shape_cast %swap3A_1129 : vector<1x16xf32> to vector<16xf32>
        %swap3A_1131 = vector.shape_cast %mul3A_1126 : vector<16xf32> to vector<1x16xf32>
        tpu.vector_store %arg10[%swap3A_1127, %swap3A_1128], %swap3A_1131 {strides = array<i32>} : memref<128x128xf32, #tpu.memory_space<vmem>>, vector<1x16xf32>,
        %get3A_1132 = arith.index_cast %add3A_1109 : i32 to index
        %get3A_1133 = arith.constant 32 : index
        %get3A_1134 = tpu.vector_load %arg10[%get3A_1132, %get3A_1133] {strides = array<i32>} : memref<128x128xf32, #tpu.memory_space<vmem>>, vector<1x16xf32>,
        %get3A_1135 = vector.shape_cast %get3A_1134 : vector<1x16xf32> to vector<16xf32>
        %mul3A_1136 = vector.broadcast %squeeze3A_1105 : f32 to vector<16xf32>
        %mul3A_1137 = arith.mulf %get3A_1135, %mul3A_1136 : vector<16xf32>
        %swap3A_1138 = arith.index_cast %add3A_1109 : i32 to index
        %swap3A_1139 = arith.constant 32 : index
        %swap3A_1140 = tpu.vector_load %arg10[%swap3A_1138, %swap3A_1139] {strides = array<i32>} : memref<128x128xf32, #tpu.memory_space<vmem>>, vector<1x16xf32>,
        %swap3A_1141 = vector.shape_cast %swap3A_1140 : vector<1x16xf32> to vector<16xf32>
        %swap3A_1142 = vector.shape_cast %mul3A_1137 : vector<16xf32> to vector<1x16xf32>
        tpu.vector_store %arg10[%swap3A_1138, %swap3A_1139], %swap3A_1142 {strides = array<i32>} : memref<128x128xf32, #tpu.memory_space<vmem>>, vector<1x16xf32>,
        %get3A_1143 = arith.index_cast %add3A_1109 : i32 to index
        %get3A_1144 = arith.constant 48 : index
        %get3A_1145 = tpu.vector_load %arg10[%get3A_1143, %get3A_1144] {strides = array<i32>} : memref<128x128xf32, #tpu.memory_space<vmem>>, vector<1x16xf32>,
        %get3A_1146 = vector.shape_cast %get3A_1145 : vector<1x16xf32> to vector<16xf32>
        %mul3A_1147 = vector.broadcast %squeeze3A_1105 : f32 to vector<16xf32>
        %mul3A_1148 = arith.mulf %get3A_1146, %mul3A_1147 : vector<16xf32>
        %swap3A_1149 = arith.index_cast %add3A_1109 : i32 to index
        %swap3A_1150 = arith.constant 48 : index
        %swap3A_1151 = tpu.vector_load %arg10[%swap3A_1149, %swap3A_1150] {strides = array<i32>} : memref<128x128xf32, #tpu.memory_space<vmem>>, vector<1x16xf32>,
        %swap3A_1152 = vector.shape_cast %swap3A_1151 : vector<1x16xf32> to vector<16xf32>
        %swap3A_1153 = vector.shape_cast %mul3A_1148 : vector<16xf32> to vector<1x16xf32>
        tpu.vector_store %arg10[%swap3A_1149, %swap3A_1150], %swap3A_1153 {strides = array<i32>} : memref<128x128xf32, #tpu.memory_space<vmem>>, vector<1x16xf32>,
        %get3A_1154 = arith.index_cast %add3A_1109 : i32 to index
        %get3A_1155 = arith.constant 64 : index
        %get3A_1156 = tpu.vector_load %arg10[%get3A_1154, %get3A_1155] {strides = array<i32>} : memref<128x128xf32, #tpu.memory_space<vmem>>, vector<1x16xf32>,
        %get3A_1157 = vector.shape_cast %get3A_1156 : vector<1x16xf32> to vector<16xf32>
        %mul3A_1158 = vector.broadcast %squeeze3A_1105 : f32 to vector<16xf32>
        %mul3A_1159 = arith.mulf %get3A_1157, %mul3A_1158 : vector<16xf32>
        %swap3A_1160 = arith.index_cast %add3A_1109 : i32 to index
        %swap3A_1161 = arith.constant 64 : index
        %swap3A_1162 = tpu.vector_load %arg10[%swap3A_1160, %swap3A_1161] {strides = array<i32>} : memref<128x128xf32, #tpu.memory_space<vmem>>, vector<1x16xf32>,
        %swap3A_1163 = vector.shape_cast %swap3A_1162 : vector<1x16xf32> to vector<16xf32>
        %swap3A_1164 = vector.shape_cast %mul3A_1159 : vector<16xf32> to vector<1x16xf32>
        tpu.vector_store %arg10[%swap3A_1160, %swap3A_1161], %swap3A_1164 {strides = array<i32>} : memref<128x128xf32, #tpu.memory_space<vmem>>, vector<1x16xf32>,
        %get3A_1165 = arith.index_cast %add3A_1109 : i32 to index
        %get3A_1166 = arith.constant 80 : index
        %get3A_1167 = tpu.vector_load %arg10[%get3A_1165, %get3A_1166] {strides = array<i32>} : memref<128x128xf32, #tpu.memory_space<vmem>>, vector<1x16xf32>,
        %get3A_1168 = vector.shape_cast %get3A_1167 : vector<1x16xf32> to vector<16xf32>
        %mul3A_1169 = vector.broadcast %squeeze3A_1105 : f32 to vector<16xf32>
        %mul3A_1170 = arith.mulf %get3A_1168, %mul3A_1169 : vector<16xf32>
        %swap3A_1171 = arith.index_cast %add3A_1109 : i32 to index
        %swap3A_1172 = arith.constant 80 : index
        %swap3A_1173 = tpu.vector_load %arg10[%swap3A_1171, %swap3A_1172] {strides = array<i32>} : memref<128x128xf32, #tpu.memory_space<vmem>>, vector<1x16xf32>,
        %swap3A_1174 = vector.shape_cast %swap3A_1173 : vector<1x16xf32> to vector<16xf32>
        %swap3A_1175 = vector.shape_cast %mul3A_1170 : vector<16xf32> to vector<1x16xf32>
        tpu.vector_store %arg10[%swap3A_1171, %swap3A_1172], %swap3A_1175 {strides = array<i32>} : memref<128x128xf32, #tpu.memory_space<vmem>>, vector<1x16xf32>,
        %get3A_1176 = arith.index_cast %add3A_1109 : i32 to index
        %get3A_1177 = arith.constant 96 : index
        %get3A_1178 = tpu.vector_load %arg10[%get3A_1176, %get3A_1177] {strides = array<i32>} : memref<128x128xf32, #tpu.memory_space<vmem>>, vector<1x16xf32>,
        %get3A_1179 = vector.shape_cast %get3A_1178 : vector<1x16xf32> to vector<16xf32>
        %mul3A_1180 = vector.broadcast %squeeze3A_1105 : f32 to vector<16xf32>
        %mul3A_1181 = arith.mulf %get3A_1179, %mul3A_1180 : vector<16xf32>
        %swap3A_1182 = arith.index_cast %add3A_1109 : i32 to index
        %swap3A_1183 = arith.constant 96 : index
        %swap3A_1184 = tpu.vector_load %arg10[%swap3A_1182, %swap3A_1183] {strides = array<i32>} : memref<128x128xf32, #tpu.memory_space<vmem>>, vector<1x16xf32>,
        %swap3A_1185 = vector.shape_cast %swap3A_1184 : vector<1x16xf32> to vector<16xf32>
        %swap3A_1186 = vector.shape_cast %mul3A_1181 : vector<16xf32> to vector<1x16xf32>
        tpu.vector_store %arg10[%swap3A_1182, %swap3A_1183], %swap3A_1186 {strides = array<i32>} : memref<128x128xf32, #tpu.memory_space<vmem>>, vector<1x16xf32>,
        %get3A_1187 = arith.index_cast %add3A_1109 : i32 to index
        %get3A_1188 = arith.constant 112 : index
        %get3A_1189 = tpu.vector_load %arg10[%get3A_1187, %get3A_1188] {strides = array<i32>} : memref<128x128xf32, #tpu.memory_space<vmem>>, vector<1x16xf32>,
        %get3A_1190 = vector.shape_cast %get3A_1189 : vector<1x16xf32> to vector<16xf32>
        %mul3A_1191 = vector.broadcast %squeeze3A_1105 : f32 to vector<16xf32>
        %mul3A_1192 = arith.mulf %get3A_1190, %mul3A_1191 : vector<16xf32>
        %swap3A_1193 = arith.index_cast %add3A_1109 : i32 to index
        %swap3A_1194 = arith.constant 112 : index
        %swap3A_1195 = tpu.vector_load %arg10[%swap3A_1193, %swap3A_1194] {strides = array<i32>} : memref<128x128xf32, #tpu.memory_space<vmem>>, vector<1x16xf32>,
        %swap3A_1196 = vector.shape_cast %swap3A_1195 : vector<1x16xf32> to vector<16xf32>
        %swap3A_1197 = vector.shape_cast %mul3A_1192 : vector<16xf32> to vector<1x16xf32>
        tpu.vector_store %arg10[%swap3A_1193, %swap3A_1194], %swap3A_1197 {strides = array<i32>} : memref<128x128xf32, #tpu.memory_space<vmem>>, vector<1x16xf32>,
        %slice3A_1198 = vector.extract_strided_slice %get3A_72 {offsets = [12], sizes = [1], strides = [1]} : vector<16xf32> to vector<1xf32>
        %squeeze3A_1199 = vector.extract %slice3A_1198[0] : f32 from vector<1xf32>
        %mul3A_1200 = arith.constant 16 : i32
        %mul3A_1201 = arith.muli %scan3A_67, %mul3A_1200 : i32
        %add3A_1202 = arith.constant 12 : i32
        %add3A_1203 = arith.addi %mul3A_1201, %add3A_1202 : i32
        %get3A_1204 = arith.index_cast %add3A_1203 : i32 to index
        %get3A_1205 = arith.constant 0 : index
        %get3A_1206 = tpu.vector_load %arg10[%get3A_1204, %get3A_1205] {strides = array<i32>} : memref<128x128xf32, #tpu.memory_space<vmem>>, vector<1x16xf32>,
        %get3A_1207 = vector.shape_cast %get3A_1206 : vector<1x16xf32> to vector<16xf32>
        %mul3A_1208 = vector.broadcast %squeeze3A_1199 : f32 to vector<16xf32>
        %mul3A_1209 = arith.mulf %get3A_1207, %mul3A_1208 : vector<16xf32>
        %swap3A_1210 = arith.index_cast %add3A_1203 : i32 to index
        %swap3A_1211 = arith.constant 0 : index
        %swap3A_1212 = tpu.vector_load %arg10[%swap3A_1210, %swap3A_1211] {strides = array<i32>} : memref<128x128xf32, #tpu.memory_space<vmem>>, vector<1x16xf32>,
        %swap3A_1213 = vector.shape_cast %swap3A_1212 : vector<1x16xf32> to vector<16xf32>
        %swap3A_1214 = vector.shape_cast %mul3A_1209 : vector<16xf32> to vector<1x16xf32>
        tpu.vector_store %arg10[%swap3A_1210, %swap3A_1211], %swap3A_1214 {strides = array<i32>} : memref<128x128xf32, #tpu.memory_space<vmem>>, vector<1x16xf32>,
        %get3A_1215 = arith.index_cast %add3A_1203 : i32 to index
        %get3A_1216 = arith.constant 16 : index
        %get3A_1217 = tpu.vector_load %arg10[%get3A_1215, %get3A_1216] {strides = array<i32>} : memref<128x128xf32, #tpu.memory_space<vmem>>, vector<1x16xf32>,
        %get3A_1218 = vector.shape_cast %get3A_1217 : vector<1x16xf32> to vector<16xf32>
        %mul3A_1219 = vector.broadcast %squeeze3A_1199 : f32 to vector<16xf32>
        %mul3A_1220 = arith.mulf %get3A_1218, %mul3A_1219 : vector<16xf32>
        %swap3A_1221 = arith.index_cast %add3A_1203 : i32 to index
        %swap3A_1222 = arith.constant 16 : index
        %swap3A_1223 = tpu.vector_load %arg10[%swap3A_1221, %swap3A_1222] {strides = array<i32>} : memref<128x128xf32, #tpu.memory_space<vmem>>, vector<1x16xf32>,
        %swap3A_1224 = vector.shape_cast %swap3A_1223 : vector<1x16xf32> to vector<16xf32>
        %swap3A_1225 = vector.shape_cast %mul3A_1220 : vector<16xf32> to vector<1x16xf32>
        tpu.vector_store %arg10[%swap3A_1221, %swap3A_1222], %swap3A_1225 {strides = array<i32>} : memref<128x128xf32, #tpu.memory_space<vmem>>, vector<1x16xf32>,
        %get3A_1226 = arith.index_cast %add3A_1203 : i32 to index
        %get3A_1227 = arith.constant 32 : index
        %get3A_1228 = tpu.vector_load %arg10[%get3A_1226, %get3A_1227] {strides = array<i32>} : memref<128x128xf32, #tpu.memory_space<vmem>>, vector<1x16xf32>,
        %get3A_1229 = vector.shape_cast %get3A_1228 : vector<1x16xf32> to vector<16xf32>
        %mul3A_1230 = vector.broadcast %squeeze3A_1199 : f32 to vector<16xf32>
        %mul3A_1231 = arith.mulf %get3A_1229, %mul3A_1230 : vector<16xf32>
        %swap3A_1232 = arith.index_cast %add3A_1203 : i32 to index
        %swap3A_1233 = arith.constant 32 : index
        %swap3A_1234 = tpu.vector_load %arg10[%swap3A_1232, %swap3A_1233] {strides = array<i32>} : memref<128x128xf32, #tpu.memory_space<vmem>>, vector<1x16xf32>,
        %swap3A_1235 = vector.shape_cast %swap3A_1234 : vector<1x16xf32> to vector<16xf32>
        %swap3A_1236 = vector.shape_cast %mul3A_1231 : vector<16xf32> to vector<1x16xf32>
        tpu.vector_store %arg10[%swap3A_1232, %swap3A_1233], %swap3A_1236 {strides = array<i32>} : memref<128x128xf32, #tpu.memory_space<vmem>>, vector<1x16xf32>,
        %get3A_1237 = arith.index_cast %add3A_1203 : i32 to index
        %get3A_1238 = arith.constant 48 : index
        %get3A_1239 = tpu.vector_load %arg10[%get3A_1237, %get3A_1238] {strides = array<i32>} : memref<128x128xf32, #tpu.memory_space<vmem>>, vector<1x16xf32>,
        %get3A_1240 = vector.shape_cast %get3A_1239 : vector<1x16xf32> to vector<16xf32>
        %mul3A_1241 = vector.broadcast %squeeze3A_1199 : f32 to vector<16xf32>
        %mul3A_1242 = arith.mulf %get3A_1240, %mul3A_1241 : vector<16xf32>
        %swap3A_1243 = arith.index_cast %add3A_1203 : i32 to index
        %swap3A_1244 = arith.constant 48 : index
        %swap3A_1245 = tpu.vector_load %arg10[%swap3A_1243, %swap3A_1244] {strides = array<i32>} : memref<128x128xf32, #tpu.memory_space<vmem>>, vector<1x16xf32>,
        %swap3A_1246 = vector.shape_cast %swap3A_1245 : vector<1x16xf32> to vector<16xf32>
        %swap3A_1247 = vector.shape_cast %mul3A_1242 : vector<16xf32> to vector<1x16xf32>
        tpu.vector_store %arg10[%swap3A_1243, %swap3A_1244], %swap3A_1247 {strides = array<i32>} : memref<128x128xf32, #tpu.memory_space<vmem>>, vector<1x16xf32>,
        %get3A_1248 = arith.index_cast %add3A_1203 : i32 to index
        %get3A_1249 = arith.constant 64 : index
        %get3A_1250 = tpu.vector_load %arg10[%get3A_1248, %get3A_1249] {strides = array<i32>} : memref<128x128xf32, #tpu.memory_space<vmem>>, vector<1x16xf32>,
        %get3A_1251 = vector.shape_cast %get3A_1250 : vector<1x16xf32> to vector<16xf32>
        %mul3A_1252 = vector.broadcast %squeeze3A_1199 : f32 to vector<16xf32>
        %mul3A_1253 = arith.mulf %get3A_1251, %mul3A_1252 : vector<16xf32>
        %swap3A_1254 = arith.index_cast %add3A_1203 : i32 to index
        %swap3A_1255 = arith.constant 64 : index
        %swap3A_1256 = tpu.vector_load %arg10[%swap3A_1254, %swap3A_1255] {strides = array<i32>} : memref<128x128xf32, #tpu.memory_space<vmem>>, vector<1x16xf32>,
        %swap3A_1257 = vector.shape_cast %swap3A_1256 : vector<1x16xf32> to vector<16xf32>
        %swap3A_1258 = vector.shape_cast %mul3A_1253 : vector<16xf32> to vector<1x16xf32>
        tpu.vector_store %arg10[%swap3A_1254, %swap3A_1255], %swap3A_1258 {strides = array<i32>} : memref<128x128xf32, #tpu.memory_space<vmem>>, vector<1x16xf32>,
        %get3A_1259 = arith.index_cast %add3A_1203 : i32 to index
        %get3A_1260 = arith.constant 80 : index
        %get3A_1261 = tpu.vector_load %arg10[%get3A_1259, %get3A_1260] {strides = array<i32>} : memref<128x128xf32, #tpu.memory_space<vmem>>, vector<1x16xf32>,
        %get3A_1262 = vector.shape_cast %get3A_1261 : vector<1x16xf32> to vector<16xf32>
        %mul3A_1263 = vector.broadcast %squeeze3A_1199 : f32 to vector<16xf32>
        %mul3A_1264 = arith.mulf %get3A_1262, %mul3A_1263 : vector<16xf32>
        %swap3A_1265 = arith.index_cast %add3A_1203 : i32 to index
        %swap3A_1266 = arith.constant 80 : index
        %swap3A_1267 = tpu.vector_load %arg10[%swap3A_1265, %swap3A_1266] {strides = array<i32>} : memref<128x128xf32, #tpu.memory_space<vmem>>, vector<1x16xf32>,
        %swap3A_1268 = vector.shape_cast %swap3A_1267 : vector<1x16xf32> to vector<16xf32>
        %swap3A_1269 = vector.shape_cast %mul3A_1264 : vector<16xf32> to vector<1x16xf32>
        tpu.vector_store %arg10[%swap3A_1265, %swap3A_1266], %swap3A_1269 {strides = array<i32>} : memref<128x128xf32, #tpu.memory_space<vmem>>, vector<1x16xf32>,
        %get3A_1270 = arith.index_cast %add3A_1203 : i32 to index
        %get3A_1271 = arith.constant 96 : index
        %get3A_1272 = tpu.vector_load %arg10[%get3A_1270, %get3A_1271] {strides = array<i32>} : memref<128x128xf32, #tpu.memory_space<vmem>>, vector<1x16xf32>,
        %get3A_1273 = vector.shape_cast %get3A_1272 : vector<1x16xf32> to vector<16xf32>
        %mul3A_1274 = vector.broadcast %squeeze3A_1199 : f32 to vector<16xf32>
        %mul3A_1275 = arith.mulf %get3A_1273, %mul3A_1274 : vector<16xf32>
        %swap3A_1276 = arith.index_cast %add3A_1203 : i32 to index
        %swap3A_1277 = arith.constant 96 : index
        %swap3A_1278 = tpu.vector_load %arg10[%swap3A_1276, %swap3A_1277] {strides = array<i32>} : memref<128x128xf32, #tpu.memory_space<vmem>>, vector<1x16xf32>,
        %swap3A_1279 = vector.shape_cast %swap3A_1278 : vector<1x16xf32> to vector<16xf32>
        %swap3A_1280 = vector.shape_cast %mul3A_1275 : vector<16xf32> to vector<1x16xf32>
        tpu.vector_store %arg10[%swap3A_1276, %swap3A_1277], %swap3A_1280 {strides = array<i32>} : memref<128x128xf32, #tpu.memory_space<vmem>>, vector<1x16xf32>,
        %get3A_1281 = arith.index_cast %add3A_1203 : i32 to index
        %get3A_1282 = arith.constant 112 : index
        %get3A_1283 = tpu.vector_load %arg10[%get3A_1281, %get3A_1282] {strides = array<i32>} : memref<128x128xf32, #tpu.memory_space<vmem>>, vector<1x16xf32>,
        %get3A_1284 = vector.shape_cast %get3A_1283 : vector<1x16xf32> to vector<16xf32>
        %mul3A_1285 = vector.broadcast %squeeze3A_1199 : f32 to vector<16xf32>
        %mul3A_1286 = arith.mulf %get3A_1284, %mul3A_1285 : vector<16xf32>
        %swap3A_1287 = arith.index_cast %add3A_1203 : i32 to index
        %swap3A_1288 = arith.constant 112 : index
        %swap3A_1289 = tpu.vector_load %arg10[%swap3A_1287, %swap3A_1288] {strides = array<i32>} : memref<128x128xf32, #tpu.memory_space<vmem>>, vector<1x16xf32>,
        %swap3A_1290 = vector.shape_cast %swap3A_1289 : vector<1x16xf32> to vector<16xf32>
        %swap3A_1291 = vector.shape_cast %mul3A_1286 : vector<16xf32> to vector<1x16xf32>
        tpu.vector_store %arg10[%swap3A_1287, %swap3A_1288], %swap3A_1291 {strides = array<i32>} : memref<128x128xf32, #tpu.memory_space<vmem>>, vector<1x16xf32>,
        %slice3A_1292 = vector.extract_strided_slice %get3A_72 {offsets = [13], sizes = [1], strides = [1]} : vector<16xf32> to vector<1xf32>
        %squeeze3A_1293 = vector.extract %slice3A_1292[0] : f32 from vector<1xf32>
        %mul3A_1294 = arith.constant 16 : i32
        %mul3A_1295 = arith.muli %scan3A_67, %mul3A_1294 : i32
        %add3A_1296 = arith.constant 13 : i32
        %add3A_1297 = arith.addi %mul3A_1295, %add3A_1296 : i32
        %get3A_1298 = arith.index_cast %add3A_1297 : i32 to index
        %get3A_1299 = arith.constant 0 : index
        %get3A_1300 = tpu.vector_load %arg10[%get3A_1298, %get3A_1299] {strides = array<i32>} : memref<128x128xf32, #tpu.memory_space<vmem>>, vector<1x16xf32>,
        %get3A_1301 = vector.shape_cast %get3A_1300 : vector<1x16xf32> to vector<16xf32>
        %mul3A_1302 = vector.broadcast %squeeze3A_1293 : f32 to vector<16xf32>
        %mul3A_1303 = arith.mulf %get3A_1301, %mul3A_1302 : vector<16xf32>
        %swap3A_1304 = arith.index_cast %add3A_1297 : i32 to index
        %swap3A_1305 = arith.constant 0 : index
        %swap3A_1306 = tpu.vector_load %arg10[%swap3A_1304, %swap3A_1305] {strides = array<i32>} : memref<128x128xf32, #tpu.memory_space<vmem>>, vector<1x16xf32>,
        %swap3A_1307 = vector.shape_cast %swap3A_1306 : vector<1x16xf32> to vector<16xf32>
        %swap3A_1308 = vector.shape_cast %mul3A_1303 : vector<16xf32> to vector<1x16xf32>
        tpu.vector_store %arg10[%swap3A_1304, %swap3A_1305], %swap3A_1308 {strides = array<i32>} : memref<128x128xf32, #tpu.memory_space<vmem>>, vector<1x16xf32>,
        %get3A_1309 = arith.index_cast %add3A_1297 : i32 to index
        %get3A_1310 = arith.constant 16 : index
        %get3A_1311 = tpu.vector_load %arg10[%get3A_1309, %get3A_1310] {strides = array<i32>} : memref<128x128xf32, #tpu.memory_space<vmem>>, vector<1x16xf32>,
        %get3A_1312 = vector.shape_cast %get3A_1311 : vector<1x16xf32> to vector<16xf32>
        %mul3A_1313 = vector.broadcast %squeeze3A_1293 : f32 to vector<16xf32>
        %mul3A_1314 = arith.mulf %get3A_1312, %mul3A_1313 : vector<16xf32>
        %swap3A_1315 = arith.index_cast %add3A_1297 : i32 to index
        %swap3A_1316 = arith.constant 16 : index
        %swap3A_1317 = tpu.vector_load %arg10[%swap3A_1315, %swap3A_1316] {strides = array<i32>} : memref<128x128xf32, #tpu.memory_space<vmem>>, vector<1x16xf32>,
        %swap3A_1318 = vector.shape_cast %swap3A_1317 : vector<1x16xf32> to vector<16xf32>
        %swap3A_1319 = vector.shape_cast %mul3A_1314 : vector<16xf32> to vector<1x16xf32>
        tpu.vector_store %arg10[%swap3A_1315, %swap3A_1316], %swap3A_1319 {strides = array<i32>} : memref<128x128xf32, #tpu.memory_space<vmem>>, vector<1x16xf32>,
        %get3A_1320 = arith.index_cast %add3A_1297 : i32 to index
        %get3A_1321 = arith.constant 32 : index
        %get3A_1322 = tpu.vector_load %arg10[%get3A_1320, %get3A_1321] {strides = array<i32>} : memref<128x128xf32, #tpu.memory_space<vmem>>, vector<1x16xf32>,
        %get3A_1323 = vector.shape_cast %get3A_1322 : vector<1x16xf32> to vector<16xf32>
        %mul3A_1324 = vector.broadcast %squeeze3A_1293 : f32 to vector<16xf32>
        %mul3A_1325 = arith.mulf %get3A_1323, %mul3A_1324 : vector<16xf32>
        %swap3A_1326 = arith.index_cast %add3A_1297 : i32 to index
        %swap3A_1327 = arith.constant 32 : index
        %swap3A_1328 = tpu.vector_load %arg10[%swap3A_1326, %swap3A_1327] {strides = array<i32>} : memref<128x128xf32, #tpu.memory_space<vmem>>, vector<1x16xf32>,
        %swap3A_1329 = vector.shape_cast %swap3A_1328 : vector<1x16xf32> to vector<16xf32>
        %swap3A_1330 = vector.shape_cast %mul3A_1325 : vector<16xf32> to vector<1x16xf32>
        tpu.vector_store %arg10[%swap3A_1326, %swap3A_1327], %swap3A_1330 {strides = array<i32>} : memref<128x128xf32, #tpu.memory_space<vmem>>, vector<1x16xf32>,
        %get3A_1331 = arith.index_cast %add3A_1297 : i32 to index
        %get3A_1332 = arith.constant 48 : index
        %get3A_1333 = tpu.vector_load %arg10[%get3A_1331, %get3A_1332] {strides = array<i32>} : memref<128x128xf32, #tpu.memory_space<vmem>>, vector<1x16xf32>,
        %get3A_1334 = vector.shape_cast %get3A_1333 : vector<1x16xf32> to vector<16xf32>
        %mul3A_1335 = vector.broadcast %squeeze3A_1293 : f32 to vector<16xf32>
        %mul3A_1336 = arith.mulf %get3A_1334, %mul3A_1335 : vector<16xf32>
        %swap3A_1337 = arith.index_cast %add3A_1297 : i32 to index
        %swap3A_1338 = arith.constant 48 : index
        %swap3A_1339 = tpu.vector_load %arg10[%swap3A_1337, %swap3A_1338] {strides = array<i32>} : memref<128x128xf32, #tpu.memory_space<vmem>>, vector<1x16xf32>,
        %swap3A_1340 = vector.shape_cast %swap3A_1339 : vector<1x16xf32> to vector<16xf32>
        %swap3A_1341 = vector.shape_cast %mul3A_1336 : vector<16xf32> to vector<1x16xf32>
        tpu.vector_store %arg10[%swap3A_1337, %swap3A_1338], %swap3A_1341 {strides = array<i32>} : memref<128x128xf32, #tpu.memory_space<vmem>>, vector<1x16xf32>,
        %get3A_1342 = arith.index_cast %add3A_1297 : i32 to index
        %get3A_1343 = arith.constant 64 : index
        %get3A_1344 = tpu.vector_load %arg10[%get3A_1342, %get3A_1343] {strides = array<i32>} : memref<128x128xf32, #tpu.memory_space<vmem>>, vector<1x16xf32>,
        %get3A_1345 = vector.shape_cast %get3A_1344 : vector<1x16xf32> to vector<16xf32>
        %mul3A_1346 = vector.broadcast %squeeze3A_1293 : f32 to vector<16xf32>
        %mul3A_1347 = arith.mulf %get3A_1345, %mul3A_1346 : vector<16xf32>
        %swap3A_1348 = arith.index_cast %add3A_1297 : i32 to index
        %swap3A_1349 = arith.constant 64 : index
        %swap3A_1350 = tpu.vector_load %arg10[%swap3A_1348, %swap3A_1349] {strides = array<i32>} : memref<128x128xf32, #tpu.memory_space<vmem>>, vector<1x16xf32>,
        %swap3A_1351 = vector.shape_cast %swap3A_1350 : vector<1x16xf32> to vector<16xf32>
        %swap3A_1352 = vector.shape_cast %mul3A_1347 : vector<16xf32> to vector<1x16xf32>
        tpu.vector_store %arg10[%swap3A_1348, %swap3A_1349], %swap3A_1352 {strides = array<i32>} : memref<128x128xf32, #tpu.memory_space<vmem>>, vector<1x16xf32>,
        %get3A_1353 = arith.index_cast %add3A_1297 : i32 to index
        %get3A_1354 = arith.constant 80 : index
        %get3A_1355 = tpu.vector_load %arg10[%get3A_1353, %get3A_1354] {strides = array<i32>} : memref<128x128xf32, #tpu.memory_space<vmem>>, vector<1x16xf32>,
        %get3A_1356 = vector.shape_cast %get3A_1355 : vector<1x16xf32> to vector<16xf32>
        %mul3A_1357 = vector.broadcast %squeeze3A_1293 : f32 to vector<16xf32>
        %mul3A_1358 = arith.mulf %get3A_1356, %mul3A_1357 : vector<16xf32>
        %swap3A_1359 = arith.index_cast %add3A_1297 : i32 to index
        %swap3A_1360 = arith.constant 80 : index
        %swap3A_1361 = tpu.vector_load %arg10[%swap3A_1359, %swap3A_1360] {strides = array<i32>} : memref<128x128xf32, #tpu.memory_space<vmem>>, vector<1x16xf32>,
        %swap3A_1362 = vector.shape_cast %swap3A_1361 : vector<1x16xf32> to vector<16xf32>
        %swap3A_1363 = vector.shape_cast %mul3A_1358 : vector<16xf32> to vector<1x16xf32>
        tpu.vector_store %arg10[%swap3A_1359, %swap3A_1360], %swap3A_1363 {strides = array<i32>} : memref<128x128xf32, #tpu.memory_space<vmem>>, vector<1x16xf32>,
        %get3A_1364 = arith.index_cast %add3A_1297 : i32 to index
        %get3A_1365 = arith.constant 96 : index
        %get3A_1366 = tpu.vector_load %arg10[%get3A_1364, %get3A_1365] {strides = array<i32>} : memref<128x128xf32, #tpu.memory_space<vmem>>, vector<1x16xf32>,
        %get3A_1367 = vector.shape_cast %get3A_1366 : vector<1x16xf32> to vector<16xf32>
        %mul3A_1368 = vector.broadcast %squeeze3A_1293 : f32 to vector<16xf32>
        %mul3A_1369 = arith.mulf %get3A_1367, %mul3A_1368 : vector<16xf32>
        %swap3A_1370 = arith.index_cast %add3A_1297 : i32 to index
        %swap3A_1371 = arith.constant 96 : index
        %swap3A_1372 = tpu.vector_load %arg10[%swap3A_1370, %swap3A_1371] {strides = array<i32>} : memref<128x128xf32, #tpu.memory_space<vmem>>, vector<1x16xf32>,
        %swap3A_1373 = vector.shape_cast %swap3A_1372 : vector<1x16xf32> to vector<16xf32>
        %swap3A_1374 = vector.shape_cast %mul3A_1369 : vector<16xf32> to vector<1x16xf32>
        tpu.vector_store %arg10[%swap3A_1370, %swap3A_1371], %swap3A_1374 {strides = array<i32>} : memref<128x128xf32, #tpu.memory_space<vmem>>, vector<1x16xf32>,
        %get3A_1375 = arith.index_cast %add3A_1297 : i32 to index
        %get3A_1376 = arith.constant 112 : index
        %get3A_1377 = tpu.vector_load %arg10[%get3A_1375, %get3A_1376] {strides = array<i32>} : memref<128x128xf32, #tpu.memory_space<vmem>>, vector<1x16xf32>,
        %get3A_1378 = vector.shape_cast %get3A_1377 : vector<1x16xf32> to vector<16xf32>
        %mul3A_1379 = vector.broadcast %squeeze3A_1293 : f32 to vector<16xf32>
        %mul3A_1380 = arith.mulf %get3A_1378, %mul3A_1379 : vector<16xf32>
        %swap3A_1381 = arith.index_cast %add3A_1297 : i32 to index
        %swap3A_1382 = arith.constant 112 : index
        %swap3A_1383 = tpu.vector_load %arg10[%swap3A_1381, %swap3A_1382] {strides = array<i32>} : memref<128x128xf32, #tpu.memory_space<vmem>>, vector<1x16xf32>,
        %swap3A_1384 = vector.shape_cast %swap3A_1383 : vector<1x16xf32> to vector<16xf32>
        %swap3A_1385 = vector.shape_cast %mul3A_1380 : vector<16xf32> to vector<1x16xf32>
        tpu.vector_store %arg10[%swap3A_1381, %swap3A_1382], %swap3A_1385 {strides = array<i32>} : memref<128x128xf32, #tpu.memory_space<vmem>>, vector<1x16xf32>,
        %slice3A_1386 = vector.extract_strided_slice %get3A_72 {offsets = [14], sizes = [1], strides = [1]} : vector<16xf32> to vector<1xf32>
        %squeeze3A_1387 = vector.extract %slice3A_1386[0] : f32 from vector<1xf32>
        %mul3A_1388 = arith.constant 16 : i32
        %mul3A_1389 = arith.muli %scan3A_67, %mul3A_1388 : i32
        %add3A_1390 = arith.constant 14 : i32
        %add3A_1391 = arith.addi %mul3A_1389, %add3A_1390 : i32
        %get3A_1392 = arith.index_cast %add3A_1391 : i32 to index
        %get3A_1393 = arith.constant 0 : index
        %get3A_1394 = tpu.vector_load %arg10[%get3A_1392, %get3A_1393] {strides = array<i32>} : memref<128x128xf32, #tpu.memory_space<vmem>>, vector<1x16xf32>,
        %get3A_1395 = vector.shape_cast %get3A_1394 : vector<1x16xf32> to vector<16xf32>
        %mul3A_1396 = vector.broadcast %squeeze3A_1387 : f32 to vector<16xf32>
        %mul3A_1397 = arith.mulf %get3A_1395, %mul3A_1396 : vector<16xf32>
        %swap3A_1398 = arith.index_cast %add3A_1391 : i32 to index
        %swap3A_1399 = arith.constant 0 : index
        %swap3A_1400 = tpu.vector_load %arg10[%swap3A_1398, %swap3A_1399] {strides = array<i32>} : memref<128x128xf32, #tpu.memory_space<vmem>>, vector<1x16xf32>,
        %swap3A_1401 = vector.shape_cast %swap3A_1400 : vector<1x16xf32> to vector<16xf32>
        %swap3A_1402 = vector.shape_cast %mul3A_1397 : vector<16xf32> to vector<1x16xf32>
        tpu.vector_store %arg10[%swap3A_1398, %swap3A_1399], %swap3A_1402 {strides = array<i32>} : memref<128x128xf32, #tpu.memory_space<vmem>>, vector<1x16xf32>,
        %get3A_1403 = arith.index_cast %add3A_1391 : i32 to index
        %get3A_1404 = arith.constant 16 : index
        %get3A_1405 = tpu.vector_load %arg10[%get3A_1403, %get3A_1404] {strides = array<i32>} : memref<128x128xf32, #tpu.memory_space<vmem>>, vector<1x16xf32>,
        %get3A_1406 = vector.shape_cast %get3A_1405 : vector<1x16xf32> to vector<16xf32>
        %mul3A_1407 = vector.broadcast %squeeze3A_1387 : f32 to vector<16xf32>
        %mul3A_1408 = arith.mulf %get3A_1406, %mul3A_1407 : vector<16xf32>
        %swap3A_1409 = arith.index_cast %add3A_1391 : i32 to index
        %swap3A_1410 = arith.constant 16 : index
        %swap3A_1411 = tpu.vector_load %arg10[%swap3A_1409, %swap3A_1410] {strides = array<i32>} : memref<128x128xf32, #tpu.memory_space<vmem>>, vector<1x16xf32>,
        %swap3A_1412 = vector.shape_cast %swap3A_1411 : vector<1x16xf32> to vector<16xf32>
        %swap3A_1413 = vector.shape_cast %mul3A_1408 : vector<16xf32> to vector<1x16xf32>
        tpu.vector_store %arg10[%swap3A_1409, %swap3A_1410], %swap3A_1413 {strides = array<i32>} : memref<128x128xf32, #tpu.memory_space<vmem>>, vector<1x16xf32>,
        %get3A_1414 = arith.index_cast %add3A_1391 : i32 to index
        %get3A_1415 = arith.constant 32 : index
        %get3A_1416 = tpu.vector_load %arg10[%get3A_1414, %get3A_1415] {strides = array<i32>} : memref<128x128xf32, #tpu.memory_space<vmem>>, vector<1x16xf32>,
        %get3A_1417 = vector.shape_cast %get3A_1416 : vector<1x16xf32> to vector<16xf32>
        %mul3A_1418 = vector.broadcast %squeeze3A_1387 : f32 to vector<16xf32>
        %mul3A_1419 = arith.mulf %get3A_1417, %mul3A_1418 : vector<16xf32>
        %swap3A_1420 = arith.index_cast %add3A_1391 : i32 to index
        %swap3A_1421 = arith.constant 32 : index
        %swap3A_1422 = tpu.vector_load %arg10[%swap3A_1420, %swap3A_1421] {strides = array<i32>} : memref<128x128xf32, #tpu.memory_space<vmem>>, vector<1x16xf32>,
        %swap3A_1423 = vector.shape_cast %swap3A_1422 : vector<1x16xf32> to vector<16xf32>
        %swap3A_1424 = vector.shape_cast %mul3A_1419 : vector<16xf32> to vector<1x16xf32>
        tpu.vector_store %arg10[%swap3A_1420, %swap3A_1421], %swap3A_1424 {strides = array<i32>} : memref<128x128xf32, #tpu.memory_space<vmem>>, vector<1x16xf32>,
        %get3A_1425 = arith.index_cast %add3A_1391 : i32 to index
        %get3A_1426 = arith.constant 48 : index
        %get3A_1427 = tpu.vector_load %arg10[%get3A_1425, %get3A_1426] {strides = array<i32>} : memref<128x128xf32, #tpu.memory_space<vmem>>, vector<1x16xf32>,
        %get3A_1428 = vector.shape_cast %get3A_1427 : vector<1x16xf32> to vector<16xf32>
        %mul3A_1429 = vector.broadcast %squeeze3A_1387 : f32 to vector<16xf32>
        %mul3A_1430 = arith.mulf %get3A_1428, %mul3A_1429 : vector<16xf32>
        %swap3A_1431 = arith.index_cast %add3A_1391 : i32 to index
        %swap3A_1432 = arith.constant 48 : index
        %swap3A_1433 = tpu.vector_load %arg10[%swap3A_1431, %swap3A_1432] {strides = array<i32>} : memref<128x128xf32, #tpu.memory_space<vmem>>, vector<1x16xf32>,
        %swap3A_1434 = vector.shape_cast %swap3A_1433 : vector<1x16xf32> to vector<16xf32>
        %swap3A_1435 = vector.shape_cast %mul3A_1430 : vector<16xf32> to vector<1x16xf32>
        tpu.vector_store %arg10[%swap3A_1431, %swap3A_1432], %swap3A_1435 {strides = array<i32>} : memref<128x128xf32, #tpu.memory_space<vmem>>, vector<1x16xf32>,
        %get3A_1436 = arith.index_cast %add3A_1391 : i32 to index
        %get3A_1437 = arith.constant 64 : index
        %get3A_1438 = tpu.vector_load %arg10[%get3A_1436, %get3A_1437] {strides = array<i32>} : memref<128x128xf32, #tpu.memory_space<vmem>>, vector<1x16xf32>,
        %get3A_1439 = vector.shape_cast %get3A_1438 : vector<1x16xf32> to vector<16xf32>
        %mul3A_1440 = vector.broadcast %squeeze3A_1387 : f32 to vector<16xf32>
        %mul3A_1441 = arith.mulf %get3A_1439, %mul3A_1440 : vector<16xf32>
        %swap3A_1442 = arith.index_cast %add3A_1391 : i32 to index
        %swap3A_1443 = arith.constant 64 : index
        %swap3A_1444 = tpu.vector_load %arg10[%swap3A_1442, %swap3A_1443] {strides = array<i32>} : memref<128x128xf32, #tpu.memory_space<vmem>>, vector<1x16xf32>,
        %swap3A_1445 = vector.shape_cast %swap3A_1444 : vector<1x16xf32> to vector<16xf32>
        %swap3A_1446 = vector.shape_cast %mul3A_1441 : vector<16xf32> to vector<1x16xf32>
        tpu.vector_store %arg10[%swap3A_1442, %swap3A_1443], %swap3A_1446 {strides = array<i32>} : memref<128x128xf32, #tpu.memory_space<vmem>>, vector<1x16xf32>,
        %get3A_1447 = arith.index_cast %add3A_1391 : i32 to index
        %get3A_1448 = arith.constant 80 : index
        %get3A_1449 = tpu.vector_load %arg10[%get3A_1447, %get3A_1448] {strides = array<i32>} : memref<128x128xf32, #tpu.memory_space<vmem>>, vector<1x16xf32>,
        %get3A_1450 = vector.shape_cast %get3A_1449 : vector<1x16xf32> to vector<16xf32>
        %mul3A_1451 = vector.broadcast %squeeze3A_1387 : f32 to vector<16xf32>
        %mul3A_1452 = arith.mulf %get3A_1450, %mul3A_1451 : vector<16xf32>
        %swap3A_1453 = arith.index_cast %add3A_1391 : i32 to index
        %swap3A_1454 = arith.constant 80 : index
        %swap3A_1455 = tpu.vector_load %arg10[%swap3A_1453, %swap3A_1454] {strides = array<i32>} : memref<128x128xf32, #tpu.memory_space<vmem>>, vector<1x16xf32>,
        %swap3A_1456 = vector.shape_cast %swap3A_1455 : vector<1x16xf32> to vector<16xf32>
        %swap3A_1457 = vector.shape_cast %mul3A_1452 : vector<16xf32> to vector<1x16xf32>
        tpu.vector_store %arg10[%swap3A_1453, %swap3A_1454], %swap3A_1457 {strides = array<i32>} : memref<128x128xf32, #tpu.memory_space<vmem>>, vector<1x16xf32>,
        %get3A_1458 = arith.index_cast %add3A_1391 : i32 to index
        %get3A_1459 = arith.constant 96 : index
        %get3A_1460 = tpu.vector_load %arg10[%get3A_1458, %get3A_1459] {strides = array<i32>} : memref<128x128xf32, #tpu.memory_space<vmem>>, vector<1x16xf32>,
        %get3A_1461 = vector.shape_cast %get3A_1460 : vector<1x16xf32> to vector<16xf32>
        %mul3A_1462 = vector.broadcast %squeeze3A_1387 : f32 to vector<16xf32>
        %mul3A_1463 = arith.mulf %get3A_1461, %mul3A_1462 : vector<16xf32>
        %swap3A_1464 = arith.index_cast %add3A_1391 : i32 to index
        %swap3A_1465 = arith.constant 96 : index
        %swap3A_1466 = tpu.vector_load %arg10[%swap3A_1464, %swap3A_1465] {strides = array<i32>} : memref<128x128xf32, #tpu.memory_space<vmem>>, vector<1x16xf32>,
        %swap3A_1467 = vector.shape_cast %swap3A_1466 : vector<1x16xf32> to vector<16xf32>
        %swap3A_1468 = vector.shape_cast %mul3A_1463 : vector<16xf32> to vector<1x16xf32>
        tpu.vector_store %arg10[%swap3A_1464, %swap3A_1465], %swap3A_1468 {strides = array<i32>} : memref<128x128xf32, #tpu.memory_space<vmem>>, vector<1x16xf32>,
        %get3A_1469 = arith.index_cast %add3A_1391 : i32 to index
        %get3A_1470 = arith.constant 112 : index
        %get3A_1471 = tpu.vector_load %arg10[%get3A_1469, %get3A_1470] {strides = array<i32>} : memref<128x128xf32, #tpu.memory_space<vmem>>, vector<1x16xf32>,
        %get3A_1472 = vector.shape_cast %get3A_1471 : vector<1x16xf32> to vector<16xf32>
        %mul3A_1473 = vector.broadcast %squeeze3A_1387 : f32 to vector<16xf32>
        %mul3A_1474 = arith.mulf %get3A_1472, %mul3A_1473 : vector<16xf32>
        %swap3A_1475 = arith.index_cast %add3A_1391 : i32 to index
        %swap3A_1476 = arith.constant 112 : index
        %swap3A_1477 = tpu.vector_load %arg10[%swap3A_1475, %swap3A_1476] {strides = array<i32>} : memref<128x128xf32, #tpu.memory_space<vmem>>, vector<1x16xf32>,
        %swap3A_1478 = vector.shape_cast %swap3A_1477 : vector<1x16xf32> to vector<16xf32>
        %swap3A_1479 = vector.shape_cast %mul3A_1474 : vector<16xf32> to vector<1x16xf32>
        tpu.vector_store %arg10[%swap3A_1475, %swap3A_1476], %swap3A_1479 {strides = array<i32>} : memref<128x128xf32, #tpu.memory_space<vmem>>, vector<1x16xf32>,
        %slice3A_1480 = vector.extract_strided_slice %get3A_72 {offsets = [15], sizes = [1], strides = [1]} : vector<16xf32> to vector<1xf32>
        %squeeze3A_1481 = vector.extract %slice3A_1480[0] : f32 from vector<1xf32>
        %mul3A_1482 = arith.constant 16 : i32
        %mul3A_1483 = arith.muli %scan3A_67, %mul3A_1482 : i32
        %add3A_1484 = arith.constant 15 : i32
        %add3A_1485 = arith.addi %mul3A_1483, %add3A_1484 : i32
        %get3A_1486 = arith.index_cast %add3A_1485 : i32 to index
        %get3A_1487 = arith.constant 0 : index
        %get3A_1488 = tpu.vector_load %arg10[%get3A_1486, %get3A_1487] {strides = array<i32>} : memref<128x128xf32, #tpu.memory_space<vmem>>, vector<1x16xf32>,
        %get3A_1489 = vector.shape_cast %get3A_1488 : vector<1x16xf32> to vector<16xf32>
        %mul3A_1490 = vector.broadcast %squeeze3A_1481 : f32 to vector<16xf32>
        %mul3A_1491 = arith.mulf %get3A_1489, %mul3A_1490 : vector<16xf32>
        %swap3A_1492 = arith.index_cast %add3A_1485 : i32 to index
        %swap3A_1493 = arith.constant 0 : index
        %swap3A_1494 = tpu.vector_load %arg10[%swap3A_1492, %swap3A_1493] {strides = array<i32>} : memref<128x128xf32, #tpu.memory_space<vmem>>, vector<1x16xf32>,
        %swap3A_1495 = vector.shape_cast %swap3A_1494 : vector<1x16xf32> to vector<16xf32>
        %swap3A_1496 = vector.shape_cast %mul3A_1491 : vector<16xf32> to vector<1x16xf32>
        tpu.vector_store %arg10[%swap3A_1492, %swap3A_1493], %swap3A_1496 {strides = array<i32>} : memref<128x128xf32, #tpu.memory_space<vmem>>, vector<1x16xf32>,
        %get3A_1497 = arith.index_cast %add3A_1485 : i32 to index
        %get3A_1498 = arith.constant 16 : index
        %get3A_1499 = tpu.vector_load %arg10[%get3A_1497, %get3A_1498] {strides = array<i32>} : memref<128x128xf32, #tpu.memory_space<vmem>>, vector<1x16xf32>,
        %get3A_1500 = vector.shape_cast %get3A_1499 : vector<1x16xf32> to vector<16xf32>
        %mul3A_1501 = vector.broadcast %squeeze3A_1481 : f32 to vector<16xf32>
        %mul3A_1502 = arith.mulf %get3A_1500, %mul3A_1501 : vector<16xf32>
        %swap3A_1503 = arith.index_cast %add3A_1485 : i32 to index
        %swap3A_1504 = arith.constant 16 : index
        %swap3A_1505 = tpu.vector_load %arg10[%swap3A_1503, %swap3A_1504] {strides = array<i32>} : memref<128x128xf32, #tpu.memory_space<vmem>>, vector<1x16xf32>,
        %swap3A_1506 = vector.shape_cast %swap3A_1505 : vector<1x16xf32> to vector<16xf32>
        %swap3A_1507 = vector.shape_cast %mul3A_1502 : vector<16xf32> to vector<1x16xf32>
        tpu.vector_store %arg10[%swap3A_1503, %swap3A_1504], %swap3A_1507 {strides = array<i32>} : memref<128x128xf32, #tpu.memory_space<vmem>>, vector<1x16xf32>,
        %get3A_1508 = arith.index_cast %add3A_1485 : i32 to index
        %get3A_1509 = arith.constant 32 : index
        %get3A_1510 = tpu.vector_load %arg10[%get3A_1508, %get3A_1509] {strides = array<i32>} : memref<128x128xf32, #tpu.memory_space<vmem>>, vector<1x16xf32>,
        %get3A_1511 = vector.shape_cast %get3A_1510 : vector<1x16xf32> to vector<16xf32>
        %mul3A_1512 = vector.broadcast %squeeze3A_1481 : f32 to vector<16xf32>
        %mul3A_1513 = arith.mulf %get3A_1511, %mul3A_1512 : vector<16xf32>
        %swap3A_1514 = arith.index_cast %add3A_1485 : i32 to index
        %swap3A_1515 = arith.constant 32 : index
        %swap3A_1516 = tpu.vector_load %arg10[%swap3A_1514, %swap3A_1515] {strides = array<i32>} : memref<128x128xf32, #tpu.memory_space<vmem>>, vector<1x16xf32>,
        %swap3A_1517 = vector.shape_cast %swap3A_1516 : vector<1x16xf32> to vector<16xf32>
        %swap3A_1518 = vector.shape_cast %mul3A_1513 : vector<16xf32> to vector<1x16xf32>
        tpu.vector_store %arg10[%swap3A_1514, %swap3A_1515], %swap3A_1518 {strides = array<i32>} : memref<128x128xf32, #tpu.memory_space<vmem>>, vector<1x16xf32>,
        %get3A_1519 = arith.index_cast %add3A_1485 : i32 to index
        %get3A_1520 = arith.constant 48 : index
        %get3A_1521 = tpu.vector_load %arg10[%get3A_1519, %get3A_1520] {strides = array<i32>} : memref<128x128xf32, #tpu.memory_space<vmem>>, vector<1x16xf32>,
        %get3A_1522 = vector.shape_cast %get3A_1521 : vector<1x16xf32> to vector<16xf32>
        %mul3A_1523 = vector.broadcast %squeeze3A_1481 : f32 to vector<16xf32>
        %mul3A_1524 = arith.mulf %get3A_1522, %mul3A_1523 : vector<16xf32>
        %swap3A_1525 = arith.index_cast %add3A_1485 : i32 to index
        %swap3A_1526 = arith.constant 48 : index
        %swap3A_1527 = tpu.vector_load %arg10[%swap3A_1525, %swap3A_1526] {strides = array<i32>} : memref<128x128xf32, #tpu.memory_space<vmem>>, vector<1x16xf32>,
        %swap3A_1528 = vector.shape_cast %swap3A_1527 : vector<1x16xf32> to vector<16xf32>
        %swap3A_1529 = vector.shape_cast %mul3A_1524 : vector<16xf32> to vector<1x16xf32>
        tpu.vector_store %arg10[%swap3A_1525, %swap3A_1526], %swap3A_1529 {strides = array<i32>} : memref<128x128xf32, #tpu.memory_space<vmem>>, vector<1x16xf32>,
        %get3A_1530 = arith.index_cast %add3A_1485 : i32 to index
        %get3A_1531 = arith.constant 64 : index
        %get3A_1532 = tpu.vector_load %arg10[%get3A_1530, %get3A_1531] {strides = array<i32>} : memref<128x128xf32, #tpu.memory_space<vmem>>, vector<1x16xf32>,
        %get3A_1533 = vector.shape_cast %get3A_1532 : vector<1x16xf32> to vector<16xf32>
        %mul3A_1534 = vector.broadcast %squeeze3A_1481 : f32 to vector<16xf32>
        %mul3A_1535 = arith.mulf %get3A_1533, %mul3A_1534 : vector<16xf32>
        %swap3A_1536 = arith.index_cast %add3A_1485 : i32 to index
        %swap3A_1537 = arith.constant 64 : index
        %swap3A_1538 = tpu.vector_load %arg10[%swap3A_1536, %swap3A_1537] {strides = array<i32>} : memref<128x128xf32, #tpu.memory_space<vmem>>, vector<1x16xf32>,
        %swap3A_1539 = vector.shape_cast %swap3A_1538 : vector<1x16xf32> to vector<16xf32>
        %swap3A_1540 = vector.shape_cast %mul3A_1535 : vector<16xf32> to vector<1x16xf32>
        tpu.vector_store %arg10[%swap3A_1536, %swap3A_1537], %swap3A_1540 {strides = array<i32>} : memref<128x128xf32, #tpu.memory_space<vmem>>, vector<1x16xf32>,
        %get3A_1541 = arith.index_cast %add3A_1485 : i32 to index
        %get3A_1542 = arith.constant 80 : index
        %get3A_1543 = tpu.vector_load %arg10[%get3A_1541, %get3A_1542] {strides = array<i32>} : memref<128x128xf32, #tpu.memory_space<vmem>>, vector<1x16xf32>,
        %get3A_1544 = vector.shape_cast %get3A_1543 : vector<1x16xf32> to vector<16xf32>
        %mul3A_1545 = vector.broadcast %squeeze3A_1481 : f32 to vector<16xf32>
        %mul3A_1546 = arith.mulf %get3A_1544, %mul3A_1545 : vector<16xf32>
        %swap3A_1547 = arith.index_cast %add3A_1485 : i32 to index
        %swap3A_1548 = arith.constant 80 : index
        %swap3A_1549 = tpu.vector_load %arg10[%swap3A_1547, %swap3A_1548] {strides = array<i32>} : memref<128x128xf32, #tpu.memory_space<vmem>>, vector<1x16xf32>,
        %swap3A_1550 = vector.shape_cast %swap3A_1549 : vector<1x16xf32> to vector<16xf32>
        %swap3A_1551 = vector.shape_cast %mul3A_1546 : vector<16xf32> to vector<1x16xf32>
        tpu.vector_store %arg10[%swap3A_1547, %swap3A_1548], %swap3A_1551 {strides = array<i32>} : memref<128x128xf32, #tpu.memory_space<vmem>>, vector<1x16xf32>,
        %get3A_1552 = arith.index_cast %add3A_1485 : i32 to index
        %get3A_1553 = arith.constant 96 : index
        %get3A_1554 = tpu.vector_load %arg10[%get3A_1552, %get3A_1553] {strides = array<i32>} : memref<128x128xf32, #tpu.memory_space<vmem>>, vector<1x16xf32>,
        %get3A_1555 = vector.shape_cast %get3A_1554 : vector<1x16xf32> to vector<16xf32>
        %mul3A_1556 = vector.broadcast %squeeze3A_1481 : f32 to vector<16xf32>
        %mul3A_1557 = arith.mulf %get3A_1555, %mul3A_1556 : vector<16xf32>
        %swap3A_1558 = arith.index_cast %add3A_1485 : i32 to index
        %swap3A_1559 = arith.constant 96 : index
        %swap3A_1560 = tpu.vector_load %arg10[%swap3A_1558, %swap3A_1559] {strides = array<i32>} : memref<128x128xf32, #tpu.memory_space<vmem>>, vector<1x16xf32>,
        %swap3A_1561 = vector.shape_cast %swap3A_1560 : vector<1x16xf32> to vector<16xf32>
        %swap3A_1562 = vector.shape_cast %mul3A_1557 : vector<16xf32> to vector<1x16xf32>
        tpu.vector_store %arg10[%swap3A_1558, %swap3A_1559], %swap3A_1562 {strides = array<i32>} : memref<128x128xf32, #tpu.memory_space<vmem>>, vector<1x16xf32>,
        %get3A_1563 = arith.index_cast %add3A_1485 : i32 to index
        %get3A_1564 = arith.constant 112 : index
        %get3A_1565 = tpu.vector_load %arg10[%get3A_1563, %get3A_1564] {strides = array<i32>} : memref<128x128xf32, #tpu.memory_space<vmem>>, vector<1x16xf32>,
        %get3A_1566 = vector.shape_cast %get3A_1565 : vector<1x16xf32> to vector<16xf32>
        %mul3A_1567 = vector.broadcast %squeeze3A_1481 : f32 to vector<16xf32>
        %mul3A_1568 = arith.mulf %get3A_1566, %mul3A_1567 : vector<16xf32>
        %swap3A_1569 = arith.index_cast %add3A_1485 : i32 to index
        %swap3A_1570 = arith.constant 112 : index
        %swap3A_1571 = tpu.vector_load %arg10[%swap3A_1569, %swap3A_1570] {strides = array<i32>} : memref<128x128xf32, #tpu.memory_space<vmem>>, vector<1x16xf32>,
        %swap3A_1572 = vector.shape_cast %swap3A_1571 : vector<1x16xf32> to vector<16xf32>
        %swap3A_1573 = vector.shape_cast %mul3A_1568 : vector<16xf32> to vector<1x16xf32>
        tpu.vector_store %arg10[%swap3A_1569, %swap3A_1570], %swap3A_1573 {strides = array<i32>} : memref<128x128xf32, #tpu.memory_space<vmem>>, vector<1x16xf32>,
        %scan3A_1574 = arith.constant 0 : i32
        scf.yield %scan3A_1574 : i32
      }
      %scan3A_65 = arith.constant 8 : i32
      "tpu.region"() ({
        %run_scoped3A = tpu.sem_alloc : memref<!tpu.dma_semaphore, #tpu.memory_space<semaphore_mem>>
        %dma_start3A_67 = arith.constant 0 : i32
        %dma_start3A_68 = arith.constant 0 : i32
        %dma_start3A_69 = tpu.memref_slice %arg12[%dma_start3A_67, %dma_start3A_68] : memref<10240x128xf32, #tpu.memory_space<vmem_shared>> -> memref<10240x128xf32, #tpu.memory_space<vmem_shared>>
        tpu.enqueue_indirect_dma source(%arg10 : memref<128x128xf32, #tpu.memory_space<vmem>>) target(%dma_start3A_69 : memref<10240x128xf32, #tpu.memory_space<vmem_shared>>) offsets(%arg8 : memref<128xi32, #tpu.memory_space<vmem>>) semaphore(%run_scoped3A : memref<!tpu.dma_semaphore, #tpu.memory_space<semaphore_mem>>) {add = true}
        %dma_wait3A_70 = arith.constant 0 : i32
        %dma_wait3A_71 = arith.constant 0 : i32
        %dma_wait3A_72 = tpu.memref_slice %arg12[%dma_wait3A_70, %dma_wait3A_71] : memref<10240x128xf32, #tpu.memory_space<vmem_shared>> -> memref<10240x128xf32, #tpu.memory_space<vmem_shared>>
        tpu.wait_indirect_dma semaphore(%run_scoped3A : memref<!tpu.dma_semaphore, #tpu.memory_space<semaphore_mem>>) src(%arg10 : memref<128x128xf32, #tpu.memory_space<vmem>>) dst(%dma_wait3A_72 : memref<10240x128xf32, #tpu.memory_space<vmem_shared>>)
        tpu.yield
      }) : () -> ()
      %scan3A_66 = arith.constant 0 : i32
      scf.yield %scan3A_66 : i32
    }
    %scan3A_30 = arith.constant 79 : i32
    %barrier3A_31 = arith.constant 0 : index
    tpu.barrier barrier_id(%barrier3A_31)
    %mul3A_32 = arith.constant 640 : i32
    %mul3A_33 = arith.muli %arg1, %mul3A_32 : i32
    %add3A_34 = arith.constant 0 : i32
    %add3A_35 = arith.addi %mul3A_33, %add3A_34 : i32
    "tpu.region"() ({
      %run_scoped3A = tpu.sem_alloc : memref<!tpu.dma_semaphore, #tpu.memory_space<semaphore_mem>>
      %dma_start3A = arith.constant 0 : i32
      %dma_start3A_48 = tpu.memref_slice %arg12[%add3A_35, %dma_start3A] : memref<10240x128xf32, #tpu.memory_space<vmem_shared>> -> memref<160x128xf32, #tpu.memory_space<vmem_shared>>
      %dma_start3A_49 = arith.constant 0 : i32
      %dma_start3A_50 = tpu.memref_slice %arg12[%add3A_35, %dma_start3A_49] : memref<10240x128xf32, #tpu.memory_space<vmem_shared>> -> memref<160x128xf32, #tpu.memory_space<vmem_shared>>
      tpu.enqueue_dma source(%dma_start3A_50 : memref<160x128xf32, #tpu.memory_space<vmem_shared>>) target(%arg11 : memref<160x128xf32, #tpu.memory_space<vmem>>) target_semaphore(%run_scoped3A : memref<!tpu.dma_semaphore, #tpu.memory_space<semaphore_mem>>)
      %dma_wait3A = arith.constant 0 : i32
      %dma_wait3A_51 = tpu.memref_slice %arg12[%add3A_35, %dma_wait3A] : memref<10240x128xf32, #tpu.memory_space<vmem_shared>> -> memref<160x128xf32, #tpu.memory_space<vmem_shared>>
      %dma_wait3A_52 = arith.constant 0 : i32
      %dma_wait3A_53 = tpu.memref_slice %arg12[%add3A_35, %dma_wait3A_52] : memref<10240x128xf32, #tpu.memory_space<vmem_shared>> -> memref<160x128xf32, #tpu.memory_space<vmem_shared>>
      tpu.wait_dma2 semaphore(%run_scoped3A : memref<!tpu.dma_semaphore, #tpu.memory_space<semaphore_mem>>) src(%dma_wait3A_53 : memref<160x128xf32, #tpu.memory_space<vmem_shared>>) dst(%arg11 : memref<160x128xf32, #tpu.memory_space<vmem>>)
      tpu.yield
    }) : () -> ()
    "tpu.region"() ({
      %run_scoped3A = tpu.sem_alloc : memref<!tpu.dma_semaphore, #tpu.memory_space<semaphore_mem>>
      %dma_start3A = arith.constant 0 : i32
      %dma_start3A_48 = tpu.memref_slice %arg6[%arg0, %add3A_35, %dma_start3A] : memref<2x10240x128xf32, #tpu.memory_space<hbm>> -> memref<1x160x128xf32, #tpu.memory_space<hbm>>
      %dma_start3A_49 = tpu.memref_squeeze %dma_start3A_48 : memref<1x160x128xf32, #tpu.memory_space<hbm>> -> memref<160x128xf32, #tpu.memory_space<hbm>>
      %dma_start3A_50 = arith.constant 0 : i32
      %dma_start3A_51 = tpu.memref_slice %arg6[%arg0, %add3A_35, %dma_start3A_50] : memref<2x10240x128xf32, #tpu.memory_space<hbm>> -> memref<1x160x128xf32, #tpu.memory_space<hbm>>
      %dma_start3A_52 = tpu.memref_squeeze %dma_start3A_51 : memref<1x160x128xf32, #tpu.memory_space<hbm>> -> memref<160x128xf32, #tpu.memory_space<hbm>>
      tpu.enqueue_dma source(%arg11 : memref<160x128xf32, #tpu.memory_space<vmem>>) target(%dma_start3A_52 : memref<160x128xf32, #tpu.memory_space<hbm>>) target_semaphore(%run_scoped3A : memref<!tpu.dma_semaphore, #tpu.memory_space<semaphore_mem>>)
      %dma_wait3A = arith.constant 0 : i32
      %dma_wait3A_53 = tpu.memref_slice %arg6[%arg0, %add3A_35, %dma_wait3A] : memref<2x10240x128xf32, #tpu.memory_space<hbm>> -> memref<1x160x128xf32, #tpu.memory_space<hbm>>
      %dma_wait3A_54 = tpu.memref_squeeze %dma_wait3A_53 : memref<1x160x128xf32, #tpu.memory_space<hbm>> -> memref<160x128xf32, #tpu.memory_space<hbm>>
      %dma_wait3A_55 = arith.constant 0 : i32
      %dma_wait3A_56 = tpu.memref_slice %arg6[%arg0, %add3A_35, %dma_wait3A_55] : memref<2x10240x128xf32, #tpu.memory_space<hbm>> -> memref<1x160x128xf32, #tpu.memory_space<hbm>>
      %dma_wait3A_57 = tpu.memref_squeeze %dma_wait3A_56 : memref<1x160x128xf32, #tpu.memory_space<hbm>> -> memref<160x128xf32, #tpu.memory_space<hbm>>
      tpu.wait_dma2 semaphore(%run_scoped3A : memref<!tpu.dma_semaphore, #tpu.memory_space<semaphore_mem>>) src(%arg11 : memref<160x128xf32, #tpu.memory_space<vmem>>) dst(%dma_wait3A_57 : memref<160x128xf32, #tpu.memory_space<hbm>>)
      tpu.yield
    }) : () -> ()
    %mul3A_36 = arith.constant 640 : i32
    %mul3A_37 = arith.muli %arg1, %mul3A_36 : i32
    %add3A_38 = arith.constant 160 : i32
    %add3A_39 = arith.addi %mul3A_37, %add3A_38 : i32
    "tpu.region"() ({
      %run_scoped3A = tpu.sem_alloc : memref<!tpu.dma_semaphore, #tpu.memory_space<semaphore_mem>>
      %dma_start3A = arith.constant 0 : i32
      %dma_start3A_48 = tpu.memref_slice %arg12[%add3A_39, %dma_start3A] : memref<10240x128xf32, #tpu.memory_space<vmem_shared>> -> memref<160x128xf32, #tpu.memory_space<vmem_shared>>
      %dma_start3A_49 = arith.constant 0 : i32
      %dma_start3A_50 = tpu.memref_slice %arg12[%add3A_39, %dma_start3A_49] : memref<10240x128xf32, #tpu.memory_space<vmem_shared>> -> memref<160x128xf32, #tpu.memory_space<vmem_shared>>
      tpu.enqueue_dma source(%dma_start3A_50 : memref<160x128xf32, #tpu.memory_space<vmem_shared>>) target(%arg11 : memref<160x128xf32, #tpu.memory_space<vmem>>) target_semaphore(%run_scoped3A : memref<!tpu.dma_semaphore, #tpu.memory_space<semaphore_mem>>)
      %dma_wait3A = arith.constant 0 : i32
      %dma_wait3A_51 = tpu.memref_slice %arg12[%add3A_39, %dma_wait3A] : memref<10240x128xf32, #tpu.memory_space<vmem_shared>> -> memref<160x128xf32, #tpu.memory_space<vmem_shared>>
      %dma_wait3A_52 = arith.constant 0 : i32
      %dma_wait3A_53 = tpu.memref_slice %arg12[%add3A_39, %dma_wait3A_52] : memref<10240x128xf32, #tpu.memory_space<vmem_shared>> -> memref<160x128xf32, #tpu.memory_space<vmem_shared>>
      tpu.wait_dma2 semaphore(%run_scoped3A : memref<!tpu.dma_semaphore, #tpu.memory_space<semaphore_mem>>) src(%dma_wait3A_53 : memref<160x128xf32, #tpu.memory_space<vmem_shared>>) dst(%arg11 : memref<160x128xf32, #tpu.memory_space<vmem>>)
      tpu.yield
    }) : () -> ()
    "tpu.region"() ({
      %run_scoped3A = tpu.sem_alloc : memref<!tpu.dma_semaphore, #tpu.memory_space<semaphore_mem>>
      %dma_start3A = arith.constant 0 : i32
      %dma_start3A_48 = tpu.memref_slice %arg6[%arg0, %add3A_39, %dma_start3A] : memref<2x10240x128xf32, #tpu.memory_space<hbm>> -> memref<1x160x128xf32, #tpu.memory_space<hbm>>
      %dma_start3A_49 = tpu.memref_squeeze %dma_start3A_48 : memref<1x160x128xf32, #tpu.memory_space<hbm>> -> memref<160x128xf32, #tpu.memory_space<hbm>>
      %dma_start3A_50 = arith.constant 0 : i32
      %dma_start3A_51 = tpu.memref_slice %arg6[%arg0, %add3A_39, %dma_start3A_50] : memref<2x10240x128xf32, #tpu.memory_space<hbm>> -> memref<1x160x128xf32, #tpu.memory_space<hbm>>
      %dma_start3A_52 = tpu.memref_squeeze %dma_start3A_51 : memref<1x160x128xf32, #tpu.memory_space<hbm>> -> memref<160x128xf32, #tpu.memory_space<hbm>>
      tpu.enqueue_dma source(%arg11 : memref<160x128xf32, #tpu.memory_space<vmem>>) target(%dma_start3A_52 : memref<160x128xf32, #tpu.memory_space<hbm>>) target_semaphore(%run_scoped3A : memref<!tpu.dma_semaphore, #tpu.memory_space<semaphore_mem>>)
      %dma_wait3A = arith.constant 0 : i32
      %dma_wait3A_53 = tpu.memref_slice %arg6[%arg0, %add3A_39, %dma_wait3A] : memref<2x10240x128xf32, #tpu.memory_space<hbm>> -> memref<1x160x128xf32, #tpu.memory_space<hbm>>
      %dma_wait3A_54 = tpu.memref_squeeze %dma_wait3A_53 : memref<1x160x128xf32, #tpu.memory_space<hbm>> -> memref<160x128xf32, #tpu.memory_space<hbm>>
      %dma_wait3A_55 = arith.constant 0 : i32
      %dma_wait3A_56 = tpu.memref_slice %arg6[%arg0, %add3A_39, %dma_wait3A_55] : memref<2x10240x128xf32, #tpu.memory_space<hbm>> -> memref<1x160x128xf32, #tpu.memory_space<hbm>>
      %dma_wait3A_57 = tpu.memref_squeeze %dma_wait3A_56 : memref<1x160x128xf32, #tpu.memory_space<hbm>> -> memref<160x128xf32, #tpu.memory_space<hbm>>
      tpu.wait_dma2 semaphore(%run_scoped3A : memref<!tpu.dma_semaphore, #tpu.memory_space<semaphore_mem>>) src(%arg11 : memref<160x128xf32, #tpu.memory_space<vmem>>) dst(%dma_wait3A_57 : memref<160x128xf32, #tpu.memory_space<hbm>>)
      tpu.yield
    }) : () -> ()
    %mul3A_40 = arith.constant 640 : i32
    %mul3A_41 = arith.muli %arg1, %mul3A_40 : i32
    %add3A_42 = arith.constant 320 : i32
    %add3A_43 = arith.addi %mul3A_41, %add3A_42 : i32
    "tpu.region"() ({
      %run_scoped3A = tpu.sem_alloc : memref<!tpu.dma_semaphore, #tpu.memory_space<semaphore_mem>>
      %dma_start3A = arith.constant 0 : i32
      %dma_start3A_48 = tpu.memref_slice %arg12[%add3A_43, %dma_start3A] : memref<10240x128xf32, #tpu.memory_space<vmem_shared>> -> memref<160x128xf32, #tpu.memory_space<vmem_shared>>
      %dma_start3A_49 = arith.constant 0 : i32
      %dma_start3A_50 = tpu.memref_slice %arg12[%add3A_43, %dma_start3A_49] : memref<10240x128xf32, #tpu.memory_space<vmem_shared>> -> memref<160x128xf32, #tpu.memory_space<vmem_shared>>
      tpu.enqueue_dma source(%dma_start3A_50 : memref<160x128xf32, #tpu.memory_space<vmem_shared>>) target(%arg11 : memref<160x128xf32, #tpu.memory_space<vmem>>) target_semaphore(%run_scoped3A : memref<!tpu.dma_semaphore, #tpu.memory_space<semaphore_mem>>)
      %dma_wait3A = arith.constant 0 : i32
      %dma_wait3A_51 = tpu.memref_slice %arg12[%add3A_43, %dma_wait3A] : memref<10240x128xf32, #tpu.memory_space<vmem_shared>> -> memref<160x128xf32, #tpu.memory_space<vmem_shared>>
      %dma_wait3A_52 = arith.constant 0 : i32
      %dma_wait3A_53 = tpu.memref_slice %arg12[%add3A_43, %dma_wait3A_52] : memref<10240x128xf32, #tpu.memory_space<vmem_shared>> -> memref<160x128xf32, #tpu.memory_space<vmem_shared>>
      tpu.wait_dma2 semaphore(%run_scoped3A : memref<!tpu.dma_semaphore, #tpu.memory_space<semaphore_mem>>) src(%dma_wait3A_53 : memref<160x128xf32, #tpu.memory_space<vmem_shared>>) dst(%arg11 : memref<160x128xf32, #tpu.memory_space<vmem>>)
      tpu.yield
    }) : () -> ()
    "tpu.region"() ({
      %run_scoped3A = tpu.sem_alloc : memref<!tpu.dma_semaphore, #tpu.memory_space<semaphore_mem>>
      %dma_start3A = arith.constant 0 : i32
      %dma_start3A_48 = tpu.memref_slice %arg6[%arg0, %add3A_43, %dma_start3A] : memref<2x10240x128xf32, #tpu.memory_space<hbm>> -> memref<1x160x128xf32, #tpu.memory_space<hbm>>
      %dma_start3A_49 = tpu.memref_squeeze %dma_start3A_48 : memref<1x160x128xf32, #tpu.memory_space<hbm>> -> memref<160x128xf32, #tpu.memory_space<hbm>>
      %dma_start3A_50 = arith.constant 0 : i32
      %dma_start3A_51 = tpu.memref_slice %arg6[%arg0, %add3A_43, %dma_start3A_50] : memref<2x10240x128xf32, #tpu.memory_space<hbm>> -> memref<1x160x128xf32, #tpu.memory_space<hbm>>
      %dma_start3A_52 = tpu.memref_squeeze %dma_start3A_51 : memref<1x160x128xf32, #tpu.memory_space<hbm>> -> memref<160x128xf32, #tpu.memory_space<hbm>>
      tpu.enqueue_dma source(%arg11 : memref<160x128xf32, #tpu.memory_space<vmem>>) target(%dma_start3A_52 : memref<160x128xf32, #tpu.memory_space<hbm>>) target_semaphore(%run_scoped3A : memref<!tpu.dma_semaphore, #tpu.memory_space<semaphore_mem>>)
      %dma_wait3A = arith.constant 0 : i32
      %dma_wait3A_53 = tpu.memref_slice %arg6[%arg0, %add3A_43, %dma_wait3A] : memref<2x10240x128xf32, #tpu.memory_space<hbm>> -> memref<1x160x128xf32, #tpu.memory_space<hbm>>
      %dma_wait3A_54 = tpu.memref_squeeze %dma_wait3A_53 : memref<1x160x128xf32, #tpu.memory_space<hbm>> -> memref<160x128xf32, #tpu.memory_space<hbm>>
      %dma_wait3A_55 = arith.constant 0 : i32
      %dma_wait3A_56 = tpu.memref_slice %arg6[%arg0, %add3A_43, %dma_wait3A_55] : memref<2x10240x128xf32, #tpu.memory_space<hbm>> -> memref<1x160x128xf32, #tpu.memory_space<hbm>>
      %dma_wait3A_57 = tpu.memref_squeeze %dma_wait3A_56 : memref<1x160x128xf32, #tpu.memory_space<hbm>> -> memref<160x128xf32, #tpu.memory_space<hbm>>
      tpu.wait_dma2 semaphore(%run_scoped3A : memref<!tpu.dma_semaphore, #tpu.memory_space<semaphore_mem>>) src(%arg11 : memref<160x128xf32, #tpu.memory_space<vmem>>) dst(%dma_wait3A_57 : memref<160x128xf32, #tpu.memory_space<hbm>>)
      tpu.yield
    }) : () -> ()
    %mul3A_44 = arith.constant 640 : i32
    %mul3A_45 = arith.muli %arg1, %mul3A_44 : i32
    %add3A_46 = arith.constant 480 : i32
    %add3A_47 = arith.addi %mul3A_45, %add3A_46 : i32
    "tpu.region"() ({
      %run_scoped3A = tpu.sem_alloc : memref<!tpu.dma_semaphore, #tpu.memory_space<semaphore_mem>>
      %dma_start3A = arith.constant 0 : i32
      %dma_start3A_48 = tpu.memref_slice %arg12[%add3A_47, %dma_start3A] : memref<10240x128xf32, #tpu.memory_space<vmem_shared>> -> memref<160x128xf32, #tpu.memory_space<vmem_shared>>
      %dma_start3A_49 = arith.constant 0 : i32
      %dma_start3A_50 = tpu.memref_slice %arg12[%add3A_47, %dma_start3A_49] : memref<10240x128xf32, #tpu.memory_space<vmem_shared>> -> memref<160x128xf32, #tpu.memory_space<vmem_shared>>
      tpu.enqueue_dma source(%dma_start3A_50 : memref<160x128xf32, #tpu.memory_space<vmem_shared>>) target(%arg11 : memref<160x128xf32, #tpu.memory_space<vmem>>) target_semaphore(%run_scoped3A : memref<!tpu.dma_semaphore, #tpu.memory_space<semaphore_mem>>)
      %dma_wait3A = arith.constant 0 : i32
      %dma_wait3A_51 = tpu.memref_slice %arg12[%add3A_47, %dma_wait3A] : memref<10240x128xf32, #tpu.memory_space<vmem_shared>> -> memref<160x128xf32, #tpu.memory_space<vmem_shared>>
      %dma_wait3A_52 = arith.constant 0 : i32
      %dma_wait3A_53 = tpu.memref_slice %arg12[%add3A_47, %dma_wait3A_52] : memref<10240x128xf32, #tpu.memory_space<vmem_shared>> -> memref<160x128xf32, #tpu.memory_space<vmem_shared>>
      tpu.wait_dma2 semaphore(%run_scoped3A : memref<!tpu.dma_semaphore, #tpu.memory_space<semaphore_mem>>) src(%dma_wait3A_53 : memref<160x128xf32, #tpu.memory_space<vmem_shared>>) dst(%arg11 : memref<160x128xf32, #tpu.memory_space<vmem>>)
      tpu.yield
    }) : () -> ()
    "tpu.region"() ({
      %run_scoped3A = tpu.sem_alloc : memref<!tpu.dma_semaphore, #tpu.memory_space<semaphore_mem>>
      %dma_start3A = arith.constant 0 : i32
      %dma_start3A_48 = tpu.memref_slice %arg6[%arg0, %add3A_47, %dma_start3A] : memref<2x10240x128xf32, #tpu.memory_space<hbm>> -> memref<1x160x128xf32, #tpu.memory_space<hbm>>
      %dma_start3A_49 = tpu.memref_squeeze %dma_start3A_48 : memref<1x160x128xf32, #tpu.memory_space<hbm>> -> memref<160x128xf32, #tpu.memory_space<hbm>>
      %dma_start3A_50 = arith.constant 0 : i32
      %dma_start3A_51 = tpu.memref_slice %arg6[%arg0, %add3A_47, %dma_start3A_50] : memref<2x10240x128xf32, #tpu.memory_space<hbm>> -> memref<1x160x128xf32, #tpu.memory_space<hbm>>
      %dma_start3A_52 = tpu.memref_squeeze %dma_start3A_51 : memref<1x160x128xf32, #tpu.memory_space<hbm>> -> memref<160x128xf32, #tpu.memory_space<hbm>>
      tpu.enqueue_dma source(%arg11 : memref<160x128xf32, #tpu.memory_space<vmem>>) target(%dma_start3A_52 : memref<160x128xf32, #tpu.memory_space<hbm>>) target_semaphore(%run_scoped3A : memref<!tpu.dma_semaphore, #tpu.memory_space<semaphore_mem>>)
      %dma_wait3A = arith.constant 0 : i32
      %dma_wait3A_53 = tpu.memref_slice %arg6[%arg0, %add3A_47, %dma_wait3A] : memref<2x10240x128xf32, #tpu.memory_space<hbm>> -> memref<1x160x128xf32, #tpu.memory_space<hbm>>
      %dma_wait3A_54 = tpu.memref_squeeze %dma_wait3A_53 : memref<1x160x128xf32, #tpu.memory_space<hbm>> -> memref<160x128xf32, #tpu.memory_space<hbm>>
      %dma_wait3A_55 = arith.constant 0 : i32
      %dma_wait3A_56 = tpu.memref_slice %arg6[%arg0, %add3A_47, %dma_wait3A_55] : memref<2x10240x128xf32, #tpu.memory_space<hbm>> -> memref<1x160x128xf32, #tpu.memory_space<hbm>>
      %dma_wait3A_57 = tpu.memref_squeeze %dma_wait3A_56 : memref<1x160x128xf32, #tpu.memory_space<hbm>> -> memref<160x128xf32, #tpu.memory_space<hbm>>
      tpu.wait_dma2 semaphore(%run_scoped3A : memref<!tpu.dma_semaphore, #tpu.memory_space<semaphore_mem>>) src(%arg11 : memref<160x128xf32, #tpu.memory_space<vmem>>) dst(%dma_wait3A_57 : memref<160x128xf32, #tpu.memory_space<hbm>>)
      tpu.yield
    }) : () -> ()
    return
  }
}

module attributes {stable_mosaic.version = 14 : i64} {
  func.func @_dinv_body(%arg0: i32, %arg1: memref<2x400x1xf32, #tpu.memory_space<vmem>>, %arg2: memref<400x128xf32, #tpu.memory_space<vmem>>, %arg3: memref<400x1xf32, #tpu.memory_space<vmem>>, %arg4: memref<400x128xf32, #tpu.memory_space<vmem>>) attributes {dimension_semantics = [#tpu.dimension_semantics<arbitrary>], iteration_bounds = array<i64: 25>, scalar_prefetch = 0 : i64, scratch_operands = 0 : i64, tpu.core_type = #tpu.core_type<tc>, window_params = [{transform_indices = @transform_0, window_bounds = array<i64: 2, 400, 1>}, {transform_indices = @transform_1, window_bounds = array<i64: 400, 128>}, {transform_indices = @transform_2, window_bounds = array<i64: 400, 1>}, {transform_indices = @transform_3, window_bounds = array<i64: 400, 128>}]} {
    %get3A = arith.constant 0 : index
    %get3A_0 = arith.constant 0 : index
    %get3A_1 = arith.constant 0 : index
    %get3A_2 = vector.load %arg1[%get3A, %get3A_0, %get3A_1] : memref<2x400x1xf32, #tpu.memory_space<vmem>>, vector<1x400x1xf32>
    %get3A_3 = vector.shape_cast %get3A_2 : vector<1x400x1xf32> to vector<400x1xf32>
    %get3A_4 = arith.constant 1 : index
    %get3A_5 = arith.constant 0 : index
    %get3A_6 = arith.constant 0 : index
    %get3A_7 = vector.load %arg1[%get3A_4, %get3A_5, %get3A_6] : memref<2x400x1xf32, #tpu.memory_space<vmem>>, vector<1x400x1xf32>
    %get3A_8 = vector.shape_cast %get3A_7 : vector<1x400x1xf32> to vector<400x1xf32>
    %add3A = arith.addf %get3A_3, %get3A_8 : vector<400x1xf32>
    %add3A_9 = arith.constant 1.000000e+00 : f32
    %add3A_10 = vector.broadcast %add3A_9 : f32 to vector<400x1xf32>
    %add3A_11 = arith.addf %add3A, %add3A_10 : vector<400x1xf32>
    %rsqrt3A = math.rsqrt %add3A_11 : vector<400x1xf32>
    %swap3A = arith.constant 0 : index
    %swap3A_12 = arith.constant 0 : index
    %swap3A_13 = vector.load %arg3[%swap3A, %swap3A_12] : memref<400x1xf32, #tpu.memory_space<vmem>>, vector<400x1xf32>
    tpu.vector_store %arg3[%swap3A, %swap3A_12], %rsqrt3A {strides = array<i32>} : memref<400x1xf32, #tpu.memory_space<vmem>>, vector<400x1xf32>,
    %get3A_14 = arith.constant 0 : index
    %get3A_15 = arith.constant 0 : index
    %get3A_16 = vector.load %arg2[%get3A_14, %get3A_15] : memref<400x128xf32, #tpu.memory_space<vmem>>, vector<400x128xf32>
    %mul3A = vector.broadcast %rsqrt3A : vector<400x1xf32> to vector<400x128xf32>
    %mul3A_17 = arith.mulf %mul3A, %get3A_16 : vector<400x128xf32>
    %swap3A_18 = arith.constant 0 : index
    %swap3A_19 = arith.constant 0 : index
    %swap3A_20 = vector.load %arg4[%swap3A_18, %swap3A_19] : memref<400x128xf32, #tpu.memory_space<vmem>>, vector<400x128xf32>
    tpu.vector_store %arg4[%swap3A_18, %swap3A_19], %mul3A_17 {strides = array<i32>} : memref<400x128xf32, #tpu.memory_space<vmem>>, vector<400x128xf32>,
    return
  }
  func.func @transform_0(%arg0: i32) -> (i32, i32, i32) {
    %c0_i32 = arith.constant 0 : i32
    %c0_i32_0 = arith.constant 0 : i32
    %c0_i32_1 = arith.constant 0 : i32
    return %c0_i32, %arg0, %c0_i32_0 : i32, i32, i32
  }
  func.func @transform_1(%arg0: i32) -> (i32, i32) {
    %c0_i32 = arith.constant 0 : i32
    %c0_i32_0 = arith.constant 0 : i32
    return %arg0, %c0_i32 : i32, i32
  }
  func.func @transform_2(%arg0: i32) -> (i32, i32) {
    %c0_i32 = arith.constant 0 : i32
    %c0_i32_0 = arith.constant 0 : i32
    return %arg0, %c0_i32 : i32, i32
  }
  func.func @transform_3(%arg0: i32) -> (i32, i32) {
    %c0_i32 = arith.constant 0 : i32
    %c0_i32_0 = arith.constant 0 : i32
    return %arg0, %c0_i32 : i32, i32
  }
}

module attributes {stable_mosaic.version = 14 : i64} {
  func.func @_mm_body(%arg0: i32, %arg1: memref<400x128xf32, #tpu.memory_space<vmem>>, %arg2: memref<2x400x128xf32, #tpu.memory_space<vmem>>, %arg3: memref<400x1xf32, #tpu.memory_space<vmem>>, %arg4: memref<128x128xf32, #tpu.memory_space<vmem>>, %arg5: memref<1x128xf32, #tpu.memory_space<vmem>>, %arg6: memref<400x128xf32, #tpu.memory_space<vmem>>) attributes {dimension_semantics = [#tpu.dimension_semantics<arbitrary>], iteration_bounds = array<i64: 25>, scalar_prefetch = 0 : i64, scratch_operands = 0 : i64, tpu.core_type = #tpu.core_type<tc>, window_params = [{transform_indices = @transform_0, window_bounds = array<i64: 400, 128>}, {transform_indices = @transform_1, window_bounds = array<i64: 2, 400, 128>}, {transform_indices = @transform_2, window_bounds = array<i64: 400, 1>}, {pipeline_mode = #tpu.pipeline_mode<synchronous>, transform_indices = @transform_3, window_bounds = array<i64: 128, 128>}, {pipeline_mode = #tpu.pipeline_mode<synchronous>, transform_indices = @transform_4, window_bounds = array<i64: 1, 128>}, {transform_indices = @transform_5, window_bounds = array<i64: 400, 128>}]} {
    %get3A = arith.constant 0 : index
    %get3A_0 = arith.constant 0 : index
    %get3A_1 = arith.constant 0 : index
    %get3A_2 = vector.load %arg2[%get3A, %get3A_0, %get3A_1] : memref<2x400x128xf32, #tpu.memory_space<vmem>>, vector<1x400x128xf32>
    %get3A_3 = vector.shape_cast %get3A_2 : vector<1x400x128xf32> to vector<400x128xf32>
    %get3A_4 = arith.constant 1 : index
    %get3A_5 = arith.constant 0 : index
    %get3A_6 = arith.constant 0 : index
    %get3A_7 = vector.load %arg2[%get3A_4, %get3A_5, %get3A_6] : memref<2x400x128xf32, #tpu.memory_space<vmem>>, vector<1x400x128xf32>
    %get3A_8 = vector.shape_cast %get3A_7 : vector<1x400x128xf32> to vector<400x128xf32>
    %add3A = arith.addf %get3A_3, %get3A_8 : vector<400x128xf32>
    %get3A_9 = arith.constant 0 : index
    %get3A_10 = arith.constant 0 : index
    %get3A_11 = vector.load %arg1[%get3A_9, %get3A_10] : memref<400x128xf32, #tpu.memory_space<vmem>>, vector<400x128xf32>
    %add3A_12 = arith.addf %add3A, %get3A_11 : vector<400x128xf32>
    %get3A_13 = arith.constant 0 : index
    %get3A_14 = arith.constant 0 : index
    %get3A_15 = vector.load %arg4[%get3A_13, %get3A_14] : memref<128x128xf32, #tpu.memory_space<vmem>>, vector<128x128xf32>
    %dot_general3A = arith.constant dense<0.000000e+00> : vector<400x128xf32>
    %dot_general3A_16 = tpu.matmul %add3A_12, %get3A_15, %dot_general3A {dimension_numbers = #tpu.dot_dimension_numbers<[1], [0], [0], [1], [0, 0, 1, 1], [], []>, transpose_lhs_hint = false} : vector<400x128xf32>, vector<128x128xf32>, vector<400x128xf32> -> vector<400x128xf32>
    %get3A_17 = arith.constant 0 : index
    %get3A_18 = arith.constant 0 : index
    %get3A_19 = vector.load %arg3[%get3A_17, %get3A_18] : memref<400x1xf32, #tpu.memory_space<vmem>>, vector<400x1xf32>
    %mul3A = vector.broadcast %get3A_19 : vector<400x1xf32> to vector<400x128xf32>
    %mul3A_20 = arith.mulf %mul3A, %dot_general3A_16 : vector<400x128xf32>
    %get3A_21 = arith.constant 0 : index
    %get3A_22 = arith.constant 0 : index
    %get3A_23 = vector.load %arg5[%get3A_21, %get3A_22] : memref<1x128xf32, #tpu.memory_space<vmem>>, vector<1x128xf32>
    %add3A_24 = vector.broadcast %get3A_23 : vector<1x128xf32> to vector<400x128xf32>
    %add3A_25 = arith.addf %mul3A_20, %add3A_24 : vector<400x128xf32>
    %gt3A = arith.constant 0.000000e+00 : f32
    %gt3A_26 = vector.broadcast %gt3A : f32 to vector<400x128xf32>
    %gt3A_27 = arith.cmpf ogt, %add3A_25, %gt3A_26 : vector<400x128xf32>
    %exp3A = math.exp %add3A_25 : vector<400x128xf32>
    %sub3A = arith.constant 1.000000e+00 : f32
    %sub3A_28 = vector.broadcast %sub3A : f32 to vector<400x128xf32>
    %sub3A_29 = arith.subf %exp3A, %sub3A_28 : vector<400x128xf32>
    %select_n3A = arith.select %gt3A_27, %add3A_25, %sub3A_29 : vector<400x128xi1>, vector<400x128xf32>
    %swap3A = arith.constant 0 : index
    %swap3A_30 = arith.constant 0 : index
    %swap3A_31 = vector.load %arg6[%swap3A, %swap3A_30] : memref<400x128xf32, #tpu.memory_space<vmem>>, vector<400x128xf32>
    tpu.vector_store %arg6[%swap3A, %swap3A_30], %select_n3A {strides = array<i32>} : memref<400x128xf32, #tpu.memory_space<vmem>>, vector<400x128xf32>,
    return
  }
  func.func @transform_0(%arg0: i32) -> (i32, i32) {
    %c0_i32 = arith.constant 0 : i32
    %c0_i32_0 = arith.constant 0 : i32
    return %arg0, %c0_i32 : i32, i32
  }
  func.func @transform_1(%arg0: i32) -> (i32, i32, i32) {
    %c0_i32 = arith.constant 0 : i32
    %c0_i32_0 = arith.constant 0 : i32
    %c0_i32_1 = arith.constant 0 : i32
    return %c0_i32, %arg0, %c0_i32_0 : i32, i32, i32
  }
  func.func @transform_2(%arg0: i32) -> (i32, i32) {
    %c0_i32 = arith.constant 0 : i32
    %c0_i32_0 = arith.constant 0 : i32
    return %arg0, %c0_i32 : i32, i32
  }
  func.func @transform_3(%arg0: i32) -> (i32, i32) {
    %c0_i32 = arith.constant 0 : i32
    %c0_i32_0 = arith.constant 0 : i32
    %c0_i32_1 = arith.constant 0 : i32
    return %c0_i32, %c0_i32_0 : i32, i32
  }
  func.func @transform_4(%arg0: i32) -> (i32, i32) {
    %c0_i32 = arith.constant 0 : i32
    %c0_i32_0 = arith.constant 0 : i32
    %c0_i32_1 = arith.constant 0 : i32
    return %c0_i32, %c0_i32_0 : i32, i32
  }
  func.func @transform_5(%arg0: i32) -> (i32, i32) {
    %c0_i32 = arith.constant 0 : i32
    %c0_i32_0 = arith.constant 0 : i32
    return %arg0, %c0_i32 : i32, i32
  }
}

</mosaic_0001>

<sc_bundles>
// kernel: kernel.6.cloned.1.call-start
scs
__scs_entry_jumppad:
0x0: {  	(pc) =	sbr.rel $0x88, $3  }
0x1: {  	(tag) =	ssettag $0x0;
	lr =	simm.s32 $0x1  }
0x2: {  	[smem:$0x3F9C] =	sst lr;
	_ =	strace $0xD0000000  }
0x3: {  	_ = 	snop  }
0x4: {  	_ = 	snop  }
0x5: {  	_ = 	snop  }
0x6: {  	_ = 	snop  }
0x7: {  	_ = 	snop  }
__scs_overlays_trampoline_lowered:
0x8: {  	[smem:$0x3FAB] =	sst s0  }
0x9: {  	[smem:$0x3FAC] =	sst s1  }
0xa: {  	[smem:$0x3FAD] =	sst s2  }
0xb: {  	[smem:$0x3FAE] =	sst s3  }
0xc: {  	[smem:$0x3FAF] =	sst s4  }
0xd: {  	[smem:$0x3FB0] =	sst s5  }
0xe: {  	[smem:$0x3FB1] =	sst s6  }
0xf: {  	[smem:$0x3FB2] =	sst s7  }
0x10: {  	[smem:$0x3FB3] =	sst s8  }
0x11: {  	[smem:$0x3FB4] =	sst s9;
	s0 =	simm.s32 @!p0 $0x0  }
0x12: {  	s1 =	sld [smem:$0x3F9A];
	s0 =	simm.s32 @p0 $0x1  }
0x13: {  	[smem:$0x3FB5] =	sst s0;
	s0 =	simm.s32 @!p1 $0x0  }
0x14: {  	s2 =	sld [smem:$0x3F99];
	s0 =	simm.s32 @p1 $0x1  }
0x15: {  	[smem:$0x3FB6] =	sst s0;
	s0 =	simm.s32 @!p2 $0x0  }
0x16: {  	s3 =	sld [smem:$0x3FDB];
	s0 =	simm.s32 @p2 $0x1  }
0x17: {  	s4 =	simm.s32 $0x1BF5;
	[smem:$0x3FB8] =	sst s0  }
0x18: {  	s0 =	sld [smem:$0x3F9B];
	_ =	swait.ge [sflag:s4], $0x0  }
0x19: {  	s7 =	sld [smem:$0x3F9C]  }
0x1a: {  	s8 =	sadd.s32 $0xFFFFE003, lr  }
0x1b: {  	s9 =	sadd.s32 $0xFFFFFEF7, lr;
	s5 =	simm.s32 $0xFFFFFFFF;
	p2 =	slt.u32 s8, $0xFFFFF086  }
0x1c: {  	p1 =	slt.u32 s9, $0xF7A;
	s5 =	simm.s32 @!p2 $0x0  }
0x1d: {  	s5 =	simm.s32 @p1 $0x1;
	p0 =	seq.s32 s7, s2  }
0x1e: {  	s7 =	smul.u32 @!p0 $0xF7A, s2;
	p2 =	seq.s32 @!p0 s5, $0x0  }
0x1f: {  	s9 =	smul.u32 $0xF7A, s1;
	s8 =	simm.s32 @!p0 $0x1BF5;
	p2 =	por !p2, p0  }
0x20: {  	[sflag:s8] =	ssyncset.s32 @!p0 $0xFFFFF086;
	s6 =	sadd.s32 @!p0 s3, s7;
	s7 =	simm.s32 @!p0 $0x108  }
0x21: {  	s3 =	sadd.s32 s3, s9;
	s6 =	sadd.s32 @!p0 $0x88, s6;
	s7 =	simm.s32 @p2 $0x1082  }
0x22: {  	[simem:s7], [sflag:s8] =	dma.local @!p0 [hbm:s6], $0xF7A  }
0x23: {  	s9 =	sor.u32 $0xD0000000, s2;
	s6 =	simm.s32 $0x108;
	_ =	swait.ge @!p0 [sflag:s8], $0x0  }
0x24: {  	s3 =	sadd.s32 $0x88, s3;
	s6 =	simm.s32 @!p1 $0x1082;
	[sflag:s4] =	ssyncset.s32 $0xFFFFF086  }
0x25: {  	[simem:s6], [sflag:s4] =	dma.local [hbm:s3], $0xF7A  }
0x26: {  	[smem:$0x3F9C] =	sst s1;
	(tag) =	ssettag s2;
	_ =	strace s9  }
0x27: {  	s1 =	sld [smem:$0x3FAC]  }
0x28: {  	s2 =	sld [smem:$0x3FAD]  }
0x29: {  	s4 =	sld [smem:$0x3FAF]  }
0x2a: {  	p0 =	seq.s32 s5, $0x0;
	s5 =	sld [smem:$0x3FB0]  }
0x2b: {  	s6 =	sld [smem:$0x3FB1]  }
0x2c: {  	s7 =	sld [smem:$0x3FB2]  }
0x2d: {  	s3 =	simm.s32 $0x108;
	s8 =	sld [smem:$0x3FB3]  }
0x2e: {  	s3 =	simm.s32 @!p0 $0x1082;
	s9 =	sld [smem:$0x3FB4]  }
0x2f: {  	lr =	sadd.s32 s0, s3;
	s0 =	sld [smem:$0x3FAB]  }
0x30: {  	s3 =	sld [smem:$0x3FAE]  }
0x31: {  	[smem:$0x3FB7] =	sst s10  }
0x32: {  	s10 =	sld [smem:$0x3FB5];
	_ =	sdelay $0x3  }
0x33: {  	p0 =	seq.s32 s10, $0x1;
	s10 =	sld [smem:$0x3FB7];
	_ =	sdelay $0x3  }
0x34: {  	[smem:$0x3FB7] =	sst s10  }
0x35: {  	s10 =	sld [smem:$0x3FB6];
	_ =	sdelay $0x3  }
0x36: {  	p1 =	seq.s32 s10, $0x1;
	s10 =	sld [smem:$0x3FB7];
	_ =	sdelay $0x3  }
0x37: {  	[smem:$0x3FB7] =	sst s10  }
0x38: {  	s10 =	sld [smem:$0x3FB8]  }
0x39: {  	_ = 	snop;
	(pc) =	sbr.ind lr, $3  }
0x3a: {  	_ = 	snop  }
0x3b: {  	_ = 	snop  }
0x3c: {  	p2 =	seq.s32 s10, $0x1;
	s10 =	sld [smem:$0x3FB7]  }
0x3d: {  	_ =	shalt  }
0x3e: {  	_ =	shalt  }
0x3f: {  	_ =	shalt  }
0x40: {  	_ =	shalt  }
0x41: {  	_ =	shalt  }
0x42: {  	_ =	shalt  }
0x43: {  	_ =	shalt  }
0x44: {  	_ =	shalt  }
0x45: {  	_ =	shalt  }
0x46: {  	_ =	shalt  }
0x47: {  	_ =	shalt  }
0x48: {  	_ =	shalt  }
0x49: {  	_ =	shalt  }
0x4a: {  	_ =	shalt  }
0x4b: {  	_ =	shalt  }
0x4c: {  	_ =	shalt  }
0x4d: {  	_ =	shalt  }
0x4e: {  	_ =	shalt  }
0x4f: {  	_ =	shalt  }
0x50: {  	_ =	shalt  }
0x51: {  	_ =	shalt  }
0x52: {  	_ =	shalt  }
0x53: {  	_ =	shalt  }
0x54: {  	_ =	shalt  }
0x55: {  	_ =	shalt  }
0x56: {  	_ =	shalt  }
0x57: {  	_ =	shalt  }
0x58: {  	_ =	shalt  }
0x59: {  	_ =	shalt  }
0x5a: {  	_ =	shalt  }
0x5b: {  	_ =	shalt  }
0x5c: {  	_ =	shalt  }
0x5d: {  	_ =	shalt  }
0x5e: {  	_ =	shalt  }
0x5f: {  	_ =	shalt  }
0x60: {  	_ =	shalt  }
0x61: {  	_ =	shalt  }
0x62: {  	_ =	shalt  }
0x63: {  	_ =	shalt  }
0x64: {  	_ =	shalt  }
0x65: {  	_ =	shalt  }
0x66: {  	_ =	shalt  }
0x67: {  	_ =	shalt  }
0x68: {  	_ =	shalt  }
0x69: {  	_ =	shalt  }
0x6a: {  	_ =	shalt  }
0x6b: {  	_ =	shalt  }
0x6c: {  	_ =	shalt  }
0x6d: {  	_ =	shalt  }
0x6e: {  	_ =	shalt  }
0x6f: {  	_ =	shalt  }
0x70: {  	_ =	shalt  }
0x71: {  	_ =	shalt  }
0x72: {  	_ =	shalt  }
0x73: {  	_ =	shalt  }
0x74: {  	_ =	shalt  }
0x75: {  	_ =	shalt  }
0x76: {  	_ =	shalt  }
0x77: {  	_ =	shalt  }
0x78: {  	_ =	shalt  }
0x79: {  	_ =	shalt  }
0x7a: {  	_ =	shalt  }
0x7b: {  	_ =	shalt  }
0x7c: {  	_ =	shalt  }
0x7d: {  	_ =	shalt  }
0x7e: {  	_ =	shalt  }
0x7f: {  	_ =	shalt  }
0x80: {  	_ =	shalt  }
0x81: {  	_ =	shalt  }
0x82: {  	_ =	shalt  }
0x83: {  	_ =	shalt  }
0x84: {  	_ =	shalt  }
0x85: {  	_ =	shalt  }
0x86: {  	_ =	shalt  }
0x87: {  	_ =	shalt  }
.Lfunc_end0:
.L_simem_size_0:
called_computation_lowered:
.L_overlay_start_0:
0x88: {  	s2 =	sld [smem:$0x3FD9]  }
0x89: {  	s3 =	sld [smem:$0x3FFE];
	_ =	sdelay $0x1  }
0x8a: {  	s1 =	srdreg.scid  }
0x8b: {  	s0 =	sand.u32 $0x1, s1  }
0x8c: {  	s17 =	sshll.u32 s0, $0xA;
	s2 =	sadd.s32 s3, s2  }
0x8d: {  	s2 =	sadd.s32 s2, s17  }
0x8e: {  	[smem:$0x3FC3] =	sst s2  }
0x8f: {  	_ = 	snop  }
0x90: {  	s2 =	sld [smem:$0x3FD0];
	(tm) =	ssettm $0x1  }
0x91: {  	s18 =	sld [smem:$0x3FFB];
	_ =	sdelay $0x3  }
0x92: {  	_ =	strace s18  }
0x93: {  	s3 =	sld [smem:$0x3FFC];
	_ =	sdelay $0x3  }
0x94: {  	_ =	strace s3  }
0x95: {  	s3 =	sld [smem:$0x3FFD];
	_ =	sdelay $0x3  }
0x96: {  	_ =	strace s3  }
0x97: {  	_ =	strace $0x8FFFFFFF  }
0x98: {  	s19 =	sld [smem:$0x3FDB];
	_ =	sdelay $0x1  }
0x99: {  	s4 =	simm.s32 $_scs_section_size  }
0x9a: {  	s5 =	simm.s32 $_size__tile_overlayer_lowered;
	s6 =	simm.s32 $_tile_overlayer_lowered  }
0x9b: {  	s22 =	simm.s32 $0x1BFF;
	s21 =	sshll.u32 s6, $0x1;
	s3 =	sadd.s32 s4, s19  }
0x9c: {  	s7 =	simm.s32 $0x0;
	s20 =	sshll.u32 s5, $0x1;
	s5 =	sadd.s32 s21, s3  }
0x9d: {  	[timem:s7], [sflag:s22] =	dma.local [hbm:s5], s20  }
0x9e: {  	_ =	swait.ge [sflag:s22], s20  }
0x9f: {  	s4 =	ssub.s32 $0x0, s20;
	[sflag:s22] =	ssyncset.done $0x0  }
0xa0: {  	[sflag:s22] =	ssyncadd.s32 s4;
	_ =	sdelay $0x1  }
0xa1: {  	s23 =	simm.s32 $0x1B8B  }
0xa2: {  	_ =	swait.ge [sflag:s23], $0x1  }
0xa3: {  	[sflag:s23] =	ssyncset.done $0x0  }
0xa4: {  	s25 =	simm.s32 $0x1B8E;
	s24 =	sld [smem:$0x3FFE];
	[sflag:s23] =	ssyncadd.s32 $0xFFFFFFFF  }
0xa5: {  	s26 =	simm.s32 $execute0_lowered;
	[smem:$0x3FD2] =	sst s25  }
0xa6: {  	s5 =	sshll.u32 s26, $0x1;
	_ =	strace $0x80000046;
	[dreg:$0x1] =	wrdreg $0xFFFFFFFF  }
0xa7: {  	s28 =	simm.s32 $_size_execute0_lowered;
	s3 =	sadd.s32 s3, s5;
	[dreg:$0x0] =	wrdreg $0x0  }
0xa8: {  	s5 =	sshll.u32 s28, $0x1;
	[dreg:$0x2] =	wrdreg s3  }
0xa9: {  	[dreg:$0x3] =	wrdreg s5  }
0xaa: {  	[dreg:$0x4] =	wrdreg $0xC0  }
0xab: {  	_ =	task [dreg:s7], $0x5FFFF  }
0xac: {  	[dreg:$0x1] =	wrdreg $0xFFFFFFFF  }
0xad: {  	[dreg:$0x0] =	wrdreg $0x60  }
0xae: {  	[dreg:$0x2] =	wrdreg s24  }
0xaf: {  	[dreg:$0x3] =	wrdreg s2  }
0xb0: {  	[dreg:$0x4] =	wrdreg $0x3800  }
0xb1: {  	[dreg:$0x5] =	wrdreg $0x9  }
0xb2: {  	_ =	task.clear_ibuf [dreg:s7], $0x6FFFF;
	_ =	strace $0x90000046  }
0xb3: {  	s29 =	simm.s32 $0x9;
	_ =	strace $0x80000048  }
0xb4: {  	_ =	swait.ge [sflag:s29], $0x1  }
0xb5: {  	[sflag:s29] =	ssyncadd.s32 $0xFFFFFFFF  }
0xb6: {  	_ =	strace $0x90000048  }
0xb7: {  	_ =	sfence  }
0xb8: {  	s30 =	sld [smem:$0x0];
	_ =	sdelay $0x2  }
0xb9: {  	s31 =	sshll.u32 s1, $0xD;
	s1 =	sshrl.u32 s1, $0x2  }
0xba: {  	s3 =	sand.u32 $0x4000, s31;
	s1 =	sadd.s32 s1, s30  }
0xbb: {  	s0 =	sor.u32 s3, s0;
	s1 =	sshll.u32 s1, $0x11  }
0xbc: {  	s0 =	sor.u32 s1, s0  }
0xbd: {  	s0 =	sadd.s32 $0x8F2B, s0  }
0xbe: {  	[sflag:s0] =	ssyncadd.remote.s32 $0x1  }
0xbf: {  	_ =	sfence.sel $0xFFFF  }
0xc0: {  	[dreg:$0x0] =	wrdreg $0xFFFFFFFF;
	(pc) =	sbr.abs _section_cstart, $3  }
0xc1: {  	[dreg:$0x1] =	wrdreg $0xFFFFFFFF  }
0xc2: {  	_ =	task.clear_ibuf [dreg:s7], $0x2FFFF;
	_ =	strace $0x9FFFFFFF  }
0xc3: {  	(tm) =	ssettm $0x7FFFFFFF  }
tec
execute0_lowered:
.L_overlay_start_1:
0x0: {  	(tag) =	ssettag $0x1  }
0x1: {  	s4 =	rddreg [dreg:$0x0]  }
0x2: {  	s5 =	rddreg [dreg:$0x1]  }
0x3: {  	s2 =	rddreg [dreg:$0x2]  }
0x4: {  	s0 =	rddreg [dreg:$0x3];
	s1 =	stileid.u32  }
0x5: {  	s3 =	simm.s32 $0x0;
	s7 =	srdreg.scid;
	s6 =	smul.u32 $0x9E0, s1  }
0x6: {  	s12 =	simm.s32 $0x0;
	[smem:$0x7FF] =	sst s3;
	s8 =	smul.u32 $0xA00, s1  }
0x7: {  	s7 =	sand.u32 $0x1, s7;
	s10 =	smul.u32 $0x500, s1;
	_ =	strace $0x80000047  }
0x8: {  	s9 =	ssub.s32 $0x2, s7;
	s30 =	sshll.u32 s7, $0x7;
	s7 =	smul.u32 $0x4F0, s7  }
0x9: {  	s11 =	sadd.s32 s6, s4;
	s29 =	sshrl.u32 s9, $0x1;
	s8 =	sshrl.u32 s8, $0x2  }
0xa: {  	s6 =	sor.u32 s30, s10;
	s10 =	simm.s32 $0x1;
	s9 =	ssub.s32 s9, s29  }
0xb: {  	s4 =	sadd.s32 s8, s2;
	s6 =	sshrl.u32 s6, $0x3;
	s31 =	sadd.s32 s7, s11  }
0xc: {  	s11 =	simm.s32 $0x80;
	s5 =	sadd.s32 s5, s6;
	s6 =	smax.u32 s9, $0x1  }
0xd: {  	v0 =	vimm.f32 $0.0e+00;
	s7 =	sadd.s32 $0x1E00, s31;
	s8 =	sadd.s32 $0x15A00, s31;
	s9 =	simm.s32 $0x100  }
.LBB2_1:
0xe: {  	[tilespmem:$0x100] =	vst v0  }
0xf: {  	[tilespmem:$0x110] =	vst v0  }
0x10: {  	[tilespmem:$0x120] =	vst v0  }
0x11: {  	[tilespmem:$0x130] =	vst v0  }
0x12: {  	[tilespmem:$0x140] =	vst v0  }
0x13: {  	[tilespmem:$0x150] =	vst v0  }
0x14: {  	[tilespmem:$0x160] =	vst v0  }
0x15: {  	[tilespmem:$0x170] =	vst v0  }
0x16: {  	[tilespmem:$0x180] =	vst v0  }
0x17: {  	[tilespmem:$0x190] =	vst v0  }
0x18: {  	[tilespmem:$0x1A0] =	vst v0  }
0x19: {  	[tilespmem:$0x1B0] =	vst v0  }
0x1a: {  	[tilespmem:$0x1C0] =	vst v0  }
0x1b: {  	[tilespmem:$0x1D0] =	vst v0  }
0x1c: {  	[tilespmem:$0x1E0] =	vst v0  }
0x1d: {  	[tilespmem:$0x1F0] =	vst v0  }
0x1e: {  	[tilespmem:$0x200] =	vst v0  }
0x1f: {  	[tilespmem:$0x210] =	vst v0  }
0x20: {  	[tilespmem:$0x220] =	vst v0  }
0x21: {  	[tilespmem:$0x230] =	vst v0  }
0x22: {  	[tilespmem:$0x240] =	vst v0  }
0x23: {  	[tilespmem:$0x250] =	vst v0  }
0x24: {  	[tilespmem:$0x260] =	vst v0  }
0x25: {  	[tilespmem:$0x270] =	vst v0  }
0x26: {  	[tilespmem:$0x280] =	vst v0  }
0x27: {  	[tilespmem:$0x290] =	vst v0  }
0x28: {  	[tilespmem:$0x2A0] =	vst v0  }
0x29: {  	[tilespmem:$0x2B0] =	vst v0  }
0x2a: {  	[tilespmem:$0x2C0] =	vst v0  }
0x2b: {  	[tilespmem:$0x2D0] =	vst v0  }
0x2c: {  	[tilespmem:$0x2E0] =	vst v0  }
0x2d: {  	[tilespmem:$0x2F0] =	vst v0  }
0x2e: {  	[tilespmem:$0x300] =	vst v0  }
0x2f: {  	[tilespmem:$0x310] =	vst v0  }
0x30: {  	[tilespmem:$0x320] =	vst v0  }
0x31: {  	[tilespmem:$0x330] =	vst v0  }
0x32: {  	[tilespmem:$0x340] =	vst v0  }
0x33: {  	[tilespmem:$0x350] =	vst v0  }
0x34: {  	[tilespmem:$0x360] =	vst v0  }
0x35: {  	[tilespmem:$0x370] =	vst v0  }
0x36: {  	[spmem:s4] =	stream.linear.scatter [tilespmem:s9], [sflag:$0x1], $0x280, $0x38;
	[tilespmem:$0x600] =	vst v63  }
0x37: {  	_ =	swait.ge [sflag:s10], $0x280  }
0x38: {  	[sflag:s10] =	ssyncset.done $0x0  }
0x39: {  	[sflag:s10] =	ssyncadd.s32 $0xFFFFFD80  }
0x3a: {  	s13 =	sadd.s32 $0x0, s8;
	[bflag:$0x0] =	sbarrier.arrive $0xFFFF  }
0x3b: {  	[tilespmem:s3], [sflag:$0x1] =	stream.linear.gather [hbm4b:s13+s3], $0x80, $0x38;
	[tilespmem:$0x600] =	vst v63  }
0x3c: {  	_ =	swait.ge [sflag:s10], $0x80  }
0x3d: {  	[sflag:s10] =	ssyncset.done $0x0  }
0x3e: {  	s31 =	sadd.s32 $0x0, s7;
	[sflag:s10] =	ssyncadd.s32 $0xFFFFFF80  }
0x3f: {  	[tilespmem:s11], [sflag:$0x1] =	stream.linear.gather [hbm4b:s31+s3], $0x80, $0x38;
	[tilespmem:$0x600] =	vst v63  }
0x40: {  	_ =	swait.ge [sflag:s10], $0x80  }
0x41: {  	[sflag:s10] =	ssyncset.done $0x0  }
0x42: {  	[sflag:s10] =	ssyncadd.s32 $0xFFFFFF80  }
0x43: {  	[spmem:s2] =	stream.indirect.scatter.add.f32 [tilespmem:s11], [sflag:$0x1], $0x1, s3, s11, $0xb8;
	[tilespmem:$0x600] =	vst v63  }
0x44: {  	_ =	swait.ge [sflag:s10], $0x80  }
0x45: {  	s14 =	simm.s32 $0x20;
	s13 =	simm.s32 $0x10;
	[sflag:s10] =	ssyncset.done $0x0  }
.LBB2_2:
0x46: {  	s15 =	sadd.s32 s13, s8  }
0x47: {  	[sflag:s10] =	ssyncadd.s32 $0xFFFFFF80;
	s16 =	smov.u32 s14;
	s17 =	sadd.s32 $0x10, s14  }
0x48: {  	[tilespmem:s3], [sflag:$0x1] =	stream.linear.gather [hbm4b:s15+s3], $0x80, $0x38;
	[tilespmem:$0x600] =	vst v63  }
0x49: {  	p0 =	sne.s32 s14, $0x4E0;
	_ =	swait.ge [sflag:s10], $0x80  }
0x4a: {  	[sflag:s10] =	ssyncset.done $0x0  }
0x4b: {  	s14 =	sadd.s32 s13, s7;
	s13 =	smov.u32 s16;
	[sflag:s10] =	ssyncadd.s32 $0xFFFFFF80  }
0x4c: {  	[tilespmem:s11], [sflag:$0x1] =	stream.linear.gather [hbm4b:s14+s3], $0x80, $0x38;
	[tilespmem:$0x600] =	vst v63  }
0x4d: {  	_ =	swait.ge [sflag:s10], $0x80  }
.Ltmp0:
0x4e: {  	[sflag:s10] =	ssyncset.done $0x0;
	(pc) =	sbr.rel @p0 .LBB2_2-.Ltmp0, $4  }
0x4f: {  	[sflag:s10] =	ssyncadd.s32 $0xFFFFFF80  }
0x50: {  	[spmem:s2] =	stream.indirect.scatter.add.f32 [tilespmem:s11], [sflag:$0x1], $0x1, s3, s11, $0xb8;
	[tilespmem:$0x600] =	vst v63  }
0x51: {  	_ =	swait.ge [sflag:s10], $0x80  }
0x52: {  	s14 =	smov.u32 s17;
	[sflag:s10] =	ssyncset.done $0x0  }
0x53: {  	s14 =	sadd.s32 s13, s8;
	[sflag:s10] =	ssyncadd.s32 $0xFFFFFF80  }
0x54: {  	[tilespmem:s3], [sflag:$0x1] =	stream.linear.gather [hbm4b:s14+s3], $0x80, $0x38;
	[tilespmem:$0x600] =	vst v63  }
0x55: {  	_ =	swait.ge [sflag:s10], $0x80  }
0x56: {  	[sflag:s10] =	ssyncset.done $0x0  }
0x57: {  	s31 =	sadd.s32 s13, s7;
	[sflag:s10] =	ssyncadd.s32 $0xFFFFFF80  }
0x58: {  	[tilespmem:s11], [sflag:$0x1] =	stream.linear.gather [hbm4b:s31+s3], $0x80, $0x38;
	[tilespmem:$0x600] =	vst v63  }
0x59: {  	_ =	swait.ge [sflag:s10], $0x80  }
0x5a: {  	[sflag:s10] =	ssyncset.done $0x0  }
0x5b: {  	[sflag:s10] =	ssyncadd.s32 $0xFFFFFF80  }
0x5c: {  	[spmem:s2] =	stream.indirect.scatter.add.f32 [tilespmem:s11], [sflag:$0x1], $0x1, s3, s11, $0xb8;
	[tilespmem:$0x600] =	vst v63  }
0x5d: {  	_ =	swait.ge [sflag:s10], $0x80  }
0x5e: {  	[sflag:s10] =	ssyncset.done $0x0  }
0x5f: {  	[sflag:s10] =	ssyncadd.s32 $0xFFFFFF80  }
0x60: {  	[bflag:$0x0] =	sbarrier.arrive $0xFFFF  }
0x61: {  	[tilespmem:s9], [sflag:$0x1] =	stream.linear.gather [spmem:s4], $0x280, $0x38;
	[tilespmem:$0x600] =	vst v63  }
0x62: {  	s12 =	sadd.s32 $0x1, s12;
	_ =	swait.ge [sflag:s10], $0x280  }
0x63: {  	p0 =	sne.s32 s12, s6;
	[sflag:s10] =	ssyncset.done $0x0  }
.Ltmp1:
0x64: {  	[sflag:s10] =	ssyncadd.s32 $0xFFFFFD80;
	(pc) =	sbr.rel @p0 .LBB2_1-.Ltmp1, $4  }
0x65: {  	[hbm4b:s5+s11] =	stream.strided.scatter [tilespmem:s9], [sflag:$0x1], $0x280, s9, s11, $0x38;
	[tilespmem:$0x600] =	vst v63  }
0x66: {  	_ =	swait.ge [sflag:s10], $0x280  }
0x67: {  	[sflag:s10] =	ssyncset.done $0x0  }
0x68: {  	[sflag:s10] =	ssyncadd.s32 $0xFFFFFD80  }
0x69: {  	_ =	sfence.sel $0x180000  }
0x6a: {  	[bflag:$0x0] =	sbarrier.arrive $0xFFFF  }
0x6b: {  	p0 =	sne.s32 s1, $0x0;
	_ =	strace $0x90000047  }
0x6c: {  	s0 =	sadd.s32 @!p0 $0x100000, s0;
	[bflag:$0x2] =	sbarrier.arrive $0xFFFF  }
0x6d: {  	[sflag:s0] =	ssyncadd.tile.s32 @!p0 $0x1;
	_ =	shalt  }
.Lfunc_end2:
_tile_overlayer_lowered:
.L_overlay_start_2:
0x6e: {  	(tag) =	ssettag $0x2  }
0x6f: {  	s0 =	rddreg [dreg:$0x0];
	s2 =	stileid.u32  }
0x70: {  	s1 =	rddreg [dreg:$0x1];
	p0 =	sne.s32 s2, $0x0  }
0x71: {  	s3 =	rddreg [dreg:$0x2];
	[bflag:$0x3] =	sbarrier.arrive $0xFFFF;
	s2 =	simm.s32 @!p0 $0x1C01  }
0x72: {  	[timem:s3], [sflag:s2] =	dma.local @!p0 [hbm:s0], s1  }
0x73: {  	s0 =	simm.s32 @!p0 $0x1  }
0x74: {  	_ =	swait.ge @!p0 [sflag:s0], s1  }
0x75: {  	s1 =	ssub.s32 @!p0 $0x0, s1;
	[sflag:s0] =	ssyncset.done @!p0 $0x0  }
0x76: {  	[sflag:s0] =	ssyncadd.s32 @!p0 s1  }
0x77: {  	[bflag:$0x3] =	sbarrier.arrive $0xFFFF  }
0x78: {  	_ =	shalt  }

// kernel: kernel.9.cloned.1.call-start
scs
__scs_entry_jumppad:
0x0: {  	(pc) =	sbr.rel $0x88, $3  }
0x1: {  	(tag) =	ssettag $0x0;
	lr =	simm.s32 $0x1  }
0x2: {  	[smem:$0x3F9C] =	sst lr;
	_ =	strace $0xD0000000  }
0x3: {  	_ = 	snop  }
0x4: {  	_ = 	snop  }
0x5: {  	_ = 	snop  }
0x6: {  	_ = 	snop  }
0x7: {  	_ = 	snop  }
__scs_overlays_trampoline_lowered:
0x8: {  	[smem:$0x3FAB] =	sst s0  }
0x9: {  	[smem:$0x3FAC] =	sst s1  }
0xa: {  	[smem:$0x3FAD] =	sst s2  }
0xb: {  	[smem:$0x3FAE] =	sst s3  }
0xc: {  	[smem:$0x3FAF] =	sst s4  }
0xd: {  	[smem:$0x3FB0] =	sst s5  }
0xe: {  	[smem:$0x3FB1] =	sst s6  }
0xf: {  	[smem:$0x3FB2] =	sst s7  }
0x10: {  	[smem:$0x3FB3] =	sst s8  }
0x11: {  	[smem:$0x3FB4] =	sst s9;
	s0 =	simm.s32 @!p0 $0x0  }
0x12: {  	s1 =	sld [smem:$0x3F9A];
	s0 =	simm.s32 @p0 $0x1  }
0x13: {  	[smem:$0x3FB5] =	sst s0;
	s0 =	simm.s32 @!p1 $0x0  }
0x14: {  	s2 =	sld [smem:$0x3F99];
	s0 =	simm.s32 @p1 $0x1  }
0x15: {  	[smem:$0x3FB6] =	sst s0;
	s0 =	simm.s32 @!p2 $0x0  }
0x16: {  	s3 =	sld [smem:$0x3FDB];
	s0 =	simm.s32 @p2 $0x1  }
0x17: {  	s4 =	simm.s32 $0x1BF5;
	[smem:$0x3FB8] =	sst s0  }
0x18: {  	s0 =	sld [smem:$0x3F9B];
	_ =	swait.ge [sflag:s4], $0x0  }
0x19: {  	s7 =	sld [smem:$0x3F9C]  }
0x1a: {  	s8 =	sadd.s32 $0xFFFFE003, lr  }
0x1b: {  	s9 =	sadd.s32 $0xFFFFFEF7, lr;
	s5 =	simm.s32 $0xFFFFFFFF;
	p2 =	slt.u32 s8, $0xFFFFF086  }
0x1c: {  	p1 =	slt.u32 s9, $0xF7A;
	s5 =	simm.s32 @!p2 $0x0  }
0x1d: {  	s5 =	simm.s32 @p1 $0x1;
	p0 =	seq.s32 s7, s2  }
0x1e: {  	s7 =	smul.u32 @!p0 $0xF7A, s2;
	p2 =	seq.s32 @!p0 s5, $0x0  }
0x1f: {  	s9 =	smul.u32 $0xF7A, s1;
	s8 =	simm.s32 @!p0 $0x1BF5;
	p2 =	por !p2, p0  }
0x20: {  	[sflag:s8] =	ssyncset.s32 @!p0 $0xFFFFF086;
	s6 =	sadd.s32 @!p0 s3, s7;
	s7 =	simm.s32 @!p0 $0x108  }
0x21: {  	s3 =	sadd.s32 s3, s9;
	s6 =	sadd.s32 @!p0 $0x88, s6;
	s7 =	simm.s32 @p2 $0x1082  }
0x22: {  	[simem:s7], [sflag:s8] =	dma.local @!p0 [hbm:s6], $0xF7A  }
0x23: {  	s9 =	sor.u32 $0xD0000000, s2;
	s6 =	simm.s32 $0x108;
	_ =	swait.ge @!p0 [sflag:s8], $0x0  }
0x24: {  	s3 =	sadd.s32 $0x88, s3;
	s6 =	simm.s32 @!p1 $0x1082;
	[sflag:s4] =	ssyncset.s32 $0xFFFFF086  }
0x25: {  	[simem:s6], [sflag:s4] =	dma.local [hbm:s3], $0xF7A  }
0x26: {  	[smem:$0x3F9C] =	sst s1;
	(tag) =	ssettag s2;
	_ =	strace s9  }
0x27: {  	s1 =	sld [smem:$0x3FAC]  }
0x28: {  	s2 =	sld [smem:$0x3FAD]  }
0x29: {  	s4 =	sld [smem:$0x3FAF]  }
0x2a: {  	p0 =	seq.s32 s5, $0x0;
	s5 =	sld [smem:$0x3FB0]  }
0x2b: {  	s6 =	sld [smem:$0x3FB1]  }
0x2c: {  	s7 =	sld [smem:$0x3FB2]  }
0x2d: {  	s3 =	simm.s32 $0x108;
	s8 =	sld [smem:$0x3FB3]  }
0x2e: {  	s3 =	simm.s32 @!p0 $0x1082;
	s9 =	sld [smem:$0x3FB4]  }
0x2f: {  	lr =	sadd.s32 s0, s3;
	s0 =	sld [smem:$0x3FAB]  }
0x30: {  	s3 =	sld [smem:$0x3FAE]  }
0x31: {  	[smem:$0x3FB7] =	sst s10  }
0x32: {  	s10 =	sld [smem:$0x3FB5];
	_ =	sdelay $0x3  }
0x33: {  	p0 =	seq.s32 s10, $0x1;
	s10 =	sld [smem:$0x3FB7];
	_ =	sdelay $0x3  }
0x34: {  	[smem:$0x3FB7] =	sst s10  }
0x35: {  	s10 =	sld [smem:$0x3FB6];
	_ =	sdelay $0x3  }
0x36: {  	p1 =	seq.s32 s10, $0x1;
	s10 =	sld [smem:$0x3FB7];
	_ =	sdelay $0x3  }
0x37: {  	[smem:$0x3FB7] =	sst s10  }
0x38: {  	s10 =	sld [smem:$0x3FB8]  }
0x39: {  	_ = 	snop;
	(pc) =	sbr.ind lr, $3  }
0x3a: {  	_ = 	snop  }
0x3b: {  	_ = 	snop  }
0x3c: {  	p2 =	seq.s32 s10, $0x1;
	s10 =	sld [smem:$0x3FB7]  }
0x3d: {  	_ =	shalt  }
0x3e: {  	_ =	shalt  }
0x3f: {  	_ =	shalt  }
0x40: {  	_ =	shalt  }
0x41: {  	_ =	shalt  }
0x42: {  	_ =	shalt  }
0x43: {  	_ =	shalt  }
0x44: {  	_ =	shalt  }
0x45: {  	_ =	shalt  }
0x46: {  	_ =	shalt  }
0x47: {  	_ =	shalt  }
0x48: {  	_ =	shalt  }
0x49: {  	_ =	shalt  }
0x4a: {  	_ =	shalt  }
0x4b: {  	_ =	shalt  }
0x4c: {  	_ =	shalt  }
0x4d: {  	_ =	shalt  }
0x4e: {  	_ =	shalt  }
0x4f: {  	_ =	shalt  }
0x50: {  	_ =	shalt  }
0x51: {  	_ =	shalt  }
0x52: {  	_ =	shalt  }
0x53: {  	_ =	shalt  }
0x54: {  	_ =	shalt  }
0x55: {  	_ =	shalt  }
0x56: {  	_ =	shalt  }
0x57: {  	_ =	shalt  }
0x58: {  	_ =	shalt  }
0x59: {  	_ =	shalt  }
0x5a: {  	_ =	shalt  }
0x5b: {  	_ =	shalt  }
0x5c: {  	_ =	shalt  }
0x5d: {  	_ =	shalt  }
0x5e: {  	_ =	shalt  }
0x5f: {  	_ =	shalt  }
0x60: {  	_ =	shalt  }
0x61: {  	_ =	shalt  }
0x62: {  	_ =	shalt  }
0x63: {  	_ =	shalt  }
0x64: {  	_ =	shalt  }
0x65: {  	_ =	shalt  }
0x66: {  	_ =	shalt  }
0x67: {  	_ =	shalt  }
0x68: {  	_ =	shalt  }
0x69: {  	_ =	shalt  }
0x6a: {  	_ =	shalt  }
0x6b: {  	_ =	shalt  }
0x6c: {  	_ =	shalt  }
0x6d: {  	_ =	shalt  }
0x6e: {  	_ =	shalt  }
0x6f: {  	_ =	shalt  }
0x70: {  	_ =	shalt  }
0x71: {  	_ =	shalt  }
0x72: {  	_ =	shalt  }
0x73: {  	_ =	shalt  }
0x74: {  	_ =	shalt  }
0x75: {  	_ =	shalt  }
0x76: {  	_ =	shalt  }
0x77: {  	_ =	shalt  }
0x78: {  	_ =	shalt  }
0x79: {  	_ =	shalt  }
0x7a: {  	_ =	shalt  }
0x7b: {  	_ =	shalt  }
0x7c: {  	_ =	shalt  }
0x7d: {  	_ =	shalt  }
0x7e: {  	_ =	shalt  }
0x7f: {  	_ =	shalt  }
0x80: {  	_ =	shalt  }
0x81: {  	_ =	shalt  }
0x82: {  	_ =	shalt  }
0x83: {  	_ =	shalt  }
0x84: {  	_ =	shalt  }
0x85: {  	_ =	shalt  }
0x86: {  	_ =	shalt  }
0x87: {  	_ =	shalt  }
.Lfunc_end0:
.L_simem_size_0:
called_computation.1_lowered:
.L_overlay_start_0:
0x88: {  	s2 =	sld [smem:$0x3FD9]  }
0x89: {  	s3 =	sld [smem:$0x3FFE];
	_ =	sdelay $0x1  }
0x8a: {  	s1 =	srdreg.scid  }
0x8b: {  	s0 =	sand.u32 $0x1, s1  }
0x8c: {  	s17 =	sshll.u32 s0, $0xA;
	s2 =	sadd.s32 s3, s2  }
0x8d: {  	s2 =	sadd.s32 s2, s17  }
0x8e: {  	[smem:$0x3FC3] =	sst s2  }
0x8f: {  	_ = 	snop  }
0x90: {  	s2 =	sld [smem:$0x3FD0];
	(tm) =	ssettm $0x1  }
0x91: {  	s18 =	sld [smem:$0x3FFB];
	_ =	sdelay $0x3  }
0x92: {  	_ =	strace s18  }
0x93: {  	s3 =	sld [smem:$0x3FFC];
	_ =	sdelay $0x3  }
0x94: {  	_ =	strace s3  }
0x95: {  	s3 =	sld [smem:$0x3FFD];
	_ =	sdelay $0x3  }
0x96: {  	_ =	strace s3  }
0x97: {  	_ =	strace $0x8FFFFFFF  }
0x98: {  	s19 =	sld [smem:$0x3FDB];
	_ =	sdelay $0x1  }
0x99: {  	s4 =	simm.s32 $_scs_section_size  }
0x9a: {  	s5 =	simm.s32 $_size__tile_overlayer_lowered;
	s6 =	simm.s32 $_tile_overlayer_lowered  }
0x9b: {  	s22 =	simm.s32 $0x1BFF;
	s21 =	sshll.u32 s6, $0x1;
	s3 =	sadd.s32 s4, s19  }
0x9c: {  	s7 =	simm.s32 $0x0;
	s20 =	sshll.u32 s5, $0x1;
	s5 =	sadd.s32 s21, s3  }
0x9d: {  	[timem:s7], [sflag:s22] =	dma.local [hbm:s5], s20  }
0x9e: {  	_ =	swait.ge [sflag:s22], s20  }
0x9f: {  	s4 =	ssub.s32 $0x0, s20;
	[sflag:s22] =	ssyncset.done $0x0  }
0xa0: {  	[sflag:s22] =	ssyncadd.s32 s4;
	_ =	sdelay $0x1  }
0xa1: {  	s23 =	simm.s32 $0x1B8B  }
0xa2: {  	_ =	swait.ge [sflag:s23], $0x1  }
0xa3: {  	[sflag:s23] =	ssyncset.done $0x0  }
0xa4: {  	s25 =	simm.s32 $0x1B8E;
	s24 =	sld [smem:$0x3FFE];
	[sflag:s23] =	ssyncadd.s32 $0xFFFFFFFF  }
0xa5: {  	s26 =	simm.s32 $execute0_lowered;
	[smem:$0x3FD2] =	sst s25  }
0xa6: {  	s5 =	sshll.u32 s26, $0x1;
	_ =	strace $0x80000049;
	[dreg:$0x1] =	wrdreg $0xFFFFFFFF  }
0xa7: {  	s28 =	simm.s32 $_size_execute0_lowered;
	s3 =	sadd.s32 s3, s5;
	[dreg:$0x0] =	wrdreg $0x0  }
0xa8: {  	s5 =	sshll.u32 s28, $0x1;
	[dreg:$0x2] =	wrdreg s3  }
0xa9: {  	[dreg:$0x3] =	wrdreg s5  }
0xaa: {  	[dreg:$0x4] =	wrdreg $0xC0  }
0xab: {  	_ =	task [dreg:s7], $0x5FFFF  }
0xac: {  	[dreg:$0x1] =	wrdreg $0xFFFFFFFF  }
0xad: {  	[dreg:$0x0] =	wrdreg $0x60  }
0xae: {  	[dreg:$0x2] =	wrdreg s24  }
0xaf: {  	[dreg:$0x3] =	wrdreg s2  }
0xb0: {  	[dreg:$0x4] =	wrdreg $0x91800  }
0xb1: {  	[dreg:$0x5] =	wrdreg $0x9  }
0xb2: {  	_ =	task.clear_ibuf [dreg:s7], $0x6FFFF;
	_ =	strace $0x90000049  }
0xb3: {  	s29 =	simm.s32 $0x9;
	_ =	strace $0x8000004B  }
0xb4: {  	_ =	swait.ge [sflag:s29], $0x1  }
0xb5: {  	[sflag:s29] =	ssyncadd.s32 $0xFFFFFFFF  }
0xb6: {  	_ =	strace $0x9000004B  }
0xb7: {  	_ =	sfence  }
0xb8: {  	s30 =	sld [smem:$0x0];
	_ =	sdelay $0x2  }
0xb9: {  	s31 =	sshll.u32 s1, $0xD;
	s1 =	sshrl.u32 s1, $0x2  }
0xba: {  	s3 =	sand.u32 $0x4000, s31;
	s1 =	sadd.s32 s1, s30  }
0xbb: {  	s0 =	sor.u32 s3, s0;
	s1 =	sshll.u32 s1, $0x11  }
0xbc: {  	s0 =	sor.u32 s1, s0  }
0xbd: {  	s0 =	sadd.s32 $0x8F2B, s0  }
0xbe: {  	[sflag:s0] =	ssyncadd.remote.s32 $0x1  }
0xbf: {  	_ =	sfence.sel $0xFFFF  }
0xc0: {  	[dreg:$0x0] =	wrdreg $0xFFFFFFFF;
	(pc) =	sbr.abs _section_cstart, $3  }
0xc1: {  	[dreg:$0x1] =	wrdreg $0xFFFFFFFF  }
0xc2: {  	_ =	task.clear_ibuf [dreg:s7], $0x2FFFF;
	_ =	strace $0x9FFFFFFF  }
0xc3: {  	(tm) =	ssettm $0x7FFFFFFF  }
tec
execute0_lowered:
.L_overlay_start_1:
0x0: {  	(tag) =	ssettag $0x1  }
0x1: {  	s8 =	rddreg [dreg:$0x0]  }
0x2: {  	s1 =	rddreg [dreg:$0x1]  }
0x3: {  	s2 =	rddreg [dreg:$0x2]  }
0x4: {  	s0 =	rddreg [dreg:$0x3];
	s3 =	simm.s32 $0x0;
	s7 =	srdreg.scid  }
0x5: {  	s4 =	stileid.u32;
	s21 =	simm.s32 $0x100;
	s22 =	simm.s32 $0x180  }
0x6: {  	s23 =	simm.s32 $0x1;
	s24 =	simm.s32 $0x0;
	[smem:$0x7FF] =	sst s3  }
0x7: {  	s5 =	sadd.s32 $0xBC00, s8;
	s6 =	sadd.s32 $0x15A00, s8;
	s9 =	sand.u32 $0x1, s7  }
0x8: {  	s7 =	sadd.s32 $0x1E00, s8;
	s11 =	smul.u32 $0x50000, s4;
	s13 =	sshll.u32 s4, $0x1  }
0x9: {  	s14 =	smul.u32 $0x14000, s4;
	s16 =	sadd.s32 $0x1F800, s8;
	_ =	strace $0x8000004A  }
0xa: {  	s10 =	ssub.s32 $0x2, s9;
	s26 =	sor.u32 s9, s13;
	s18 =	smul.u32 $0x140000, s9  }
0xb: {  	s12 =	sshrl.u32 s10, $0x1;
	s28 =	sshrl.u32 s11, $0x2;
	s15 =	sadd.s32 $0x5000, s14  }
0xc: {  	s19 =	sadd.s32 $0xA000, s14;
	s20 =	sadd.s32 $0xF000, s14;
	s17 =	ssub.s32 s10, s12  }
0xd: {  	s8 =	sadd.s32 s28, s2;
	s9 =	sadd.s32 s15, s2;
	s10 =	sadd.s32 s19, s2  }
0xe: {  	s29 =	sadd.s32 s14, s18;
	s11 =	sadd.s32 s20, s2;
	s12 =	smul.u32 $0x4F, s26  }
0xf: {  	s30 =	sadd.s32 s18, s15;
	s31 =	sadd.s32 s18, s19;
	s18 =	sadd.s32 s18, s20  }
0x10: {  	s19 =	simm.s32 $0x2;
	s20 =	simm.s32 $0x80;
	s13 =	sshrl.u32 s29, $0x3  }
0x11: {  	s14 =	sshrl.u32 s30, $0x3;
	s15 =	sshrl.u32 s31, $0x3;
	s18 =	sshrl.u32 s18, $0x3  }
0x12: {  	s17 =	smax.u32 s17, $0x1;
	s13 =	sadd.s32 s16, s13;
	s14 =	sadd.s32 s16, s14  }
0x13: {  	v0 =	vimm.f32 $0.0e+00;
	s15 =	sadd.s32 s16, s15;
	s16 =	sadd.s32 s16, s18;
	s18 =	simm.s32 $0x4180  }
.LBB2_1:
0x14: {  	s25 =	simm.s32 $0x0;
	s26 =	simm.s32 $0x200  }
.LBB2_2:
0x15: {  	p0 =	sne.s32 s26, $0x13E00;
	[tilespmem:s25+$0x41F0] =	vst v0  }
0x16: {  	[tilespmem:s25+$0x4180] =	vst v0  }
0x17: {  	[tilespmem:s25+$0x4190] =	vst v0  }
.Ltmp0:
0x18: {  	[tilespmem:s25+$0x41A0] =	vst v0;
	(pc) =	sbr.rel @p0 .LBB2_2-.Ltmp0, $4  }
0x19: {  	[tilespmem:s25+$0x41B0] =	vst v0  }
0x1a: {  	[tilespmem:s25+$0x41C0] =	vst v0  }
0x1b: {  	[tilespmem:s25+$0x41D0] =	vst v0  }
0x1c: {  	[tilespmem:s25+$0x41E0] =	vst v0;
	s25 =	sshra.s32 s26, $0x2;
	s26 =	sadd.s32 $0x200, s26  }
0x1d: {  	[tilespmem:s25+$0x41F0] =	vst v0  }
0x1e: {  	[tilespmem:s25+$0x4180] =	vst v0  }
0x1f: {  	[tilespmem:s25+$0x4190] =	vst v0  }
0x20: {  	[tilespmem:s25+$0x41A0] =	vst v0  }
0x21: {  	[tilespmem:s25+$0x41B0] =	vst v0  }
0x22: {  	[tilespmem:s25+$0x41C0] =	vst v0  }
0x23: {  	[tilespmem:s25+$0x41D0] =	vst v0  }
0x24: {  	[tilespmem:s25+$0x41E0] =	vst v0  }
0x25: {  	[spmem:s8] =	stream.linear.scatter [tilespmem:s18], [sflag:$0x2], $0x5000, $0x38;
	[tilespmem:$0x1D180] =	vst v63  }
0x26: {  	_ =	swait.ge [sflag:s19], $0x5000  }
0x27: {  	[sflag:s19] =	ssyncset.done $0x0  }
0x28: {  	[sflag:s19] =	ssyncadd.s32 $0xFFFFB000  }
0x29: {  	[spmem:s9] =	stream.linear.scatter [tilespmem:s18], [sflag:$0x2], $0x5000, $0x38;
	[tilespmem:$0x1D180] =	vst v63  }
0x2a: {  	_ =	swait.ge [sflag:s19], $0x5000  }
0x2b: {  	[sflag:s19] =	ssyncset.done $0x0  }
0x2c: {  	[sflag:s19] =	ssyncadd.s32 $0xFFFFB000  }
0x2d: {  	[spmem:s10] =	stream.linear.scatter [tilespmem:s18], [sflag:$0x2], $0x5000, $0x38;
	[tilespmem:$0x1D180] =	vst v63  }
0x2e: {  	_ =	swait.ge [sflag:s19], $0x5000  }
0x2f: {  	[sflag:s19] =	ssyncset.done $0x0  }
0x30: {  	[sflag:s19] =	ssyncadd.s32 $0xFFFFB000  }
0x31: {  	[spmem:s11] =	stream.linear.scatter [tilespmem:s18], [sflag:$0x2], $0x5000, $0x38;
	[tilespmem:$0x1D180] =	vst v63  }
0x32: {  	_ =	swait.ge [sflag:s19], $0x5000  }
0x33: {  	[sflag:s19] =	ssyncset.done $0x0  }
0x34: {  	[sflag:s19] =	ssyncadd.s32 $0xFFFFB000  }
0x35: {  	s25 =	simm.s32 $0x0;
	s26 =	simm.s32 $0x0;
	[bflag:$0x0] =	sbarrier.arrive $0xFFFF  }
.LBB2_4:
0x36: {  	s28 =	sadd.s32 s12, s26  }
0x37: {  	s28 =	sshll.u32 s28, $0x4  }
0x38: {  	s29 =	sadd.s32 s5, s28  }
0x39: {  	[tilespmem:s25], [sflag:$0x2] =	stream.linear.gather [hbm4b:s29+s25], $0x80, $0x38;
	[tilespmem:$0x1D180] =	vst v63  }
0x3a: {  	_ =	swait.ge [sflag:s19], $0x80  }
0x3b: {  	[sflag:s19] =	ssyncset.done $0x0  }
0x3c: {  	s29 =	sadd.s32 s6, s28;
	[sflag:s19] =	ssyncadd.s32 $0xFFFFFF80  }
0x3d: {  	[tilespmem:s20], [sflag:$0x2] =	stream.linear.gather [hbm4b:s29+s25], $0x80, $0x38;
	[tilespmem:$0x1D180] =	vst v63  }
0x3e: {  	_ =	swait.ge [sflag:s19], $0x80  }
0x3f: {  	[sflag:s19] =	ssyncset.done $0x0  }
0x40: {  	s28 =	sadd.s32 s7, s28;
	[sflag:s19] =	ssyncadd.s32 $0xFFFFFF80  }
0x41: {  	[tilespmem:s21], [sflag:$0x2] =	stream.linear.gather [hbm4b:s28+s25], $0x80, $0x38;
	[tilespmem:$0x1D180] =	vst v63  }
0x42: {  	_ =	swait.ge [sflag:s19], $0x80  }
0x43: {  	[sflag:s19] =	ssyncset.done $0x0  }
0x44: {  	[sflag:s19] =	ssyncadd.s32 $0xFFFFFF80  }
0x45: {  	[tilespmem:s22], [sflag:$0x1] =	stream.indirect.gather [hbm4b:s1+s20], $0x80, s25, s20, $0xb8;
	[tilespmem:$0x1D180] =	vst v63  }
0x46: {  	_ =	swait.ge [sflag:s23], $0x4000  }
0x47: {  	s28 =	simm.s32 $0x0;
	[sflag:s23] =	ssyncset.done $0x0  }
0x48: {  	s28 =	sand.u32 $0x3FFFFFF0, s28;
	[sflag:s23] =	ssyncadd.s32 $0xFFFFC000  }
0x49: {  	s29 =	simm.s32 $0x0;
	v1 =	vld [tilespmem:s28+$0x100]  }
0x4a: {  	s28 =	sand.u32 $0x3FFFF800, s29  }
0x4b: {  	v3 =	vld [tilespmem:s28+$0x1A0]  }
0x4c: {  	v4 =	vld [tilespmem:s28+$0x1B0]  }
0x4d: {  	v10 =	vld [tilespmem:s28+$0x1E0]  }
0x4e: {  	v11 =	vld [tilespmem:s28+$0x1F0];
	v2 =	vbroadcast v1, $0x0  }
0x4f: {  	v12 =	vld [tilespmem:s28+$0x200]  }
0x50: {  	v13 =	vld [tilespmem:s28+$0x210];
	v3 =	vmul.f32 v3, v2  }
0x51: {  	v14 =	vld [tilespmem:s28+$0x220];
	v4 =	vmul.f32 v4, v2  }
0x52: {  	v9 =	vld [tilespmem:s28+$0x230];
	v23 =	vbroadcast v1, $0x1;
	v22 =	vmul.f32 v10, v2;
	[tilespmem:s28+$0x1A0] =	vst v3  }
0x53: {  	v7 =	vld [tilespmem:s28+$0x240];
	v11 =	vmul.f32 v11, v2;
	[tilespmem:s28+$0x1B0] =	vst v4  }
0x54: {  	v8 =	vld [tilespmem:s28+$0x250];
	v12 =	vmul.f32 v12, v23;
	[tilespmem:s28+$0x1E0] =	vst v22  }
0x55: {  	v25 =	vld [tilespmem:s28+$0x270];
	v13 =	vmul.f32 v13, v23;
	[tilespmem:s28+$0x1F0] =	vst v11  }
0x56: {  	v26 =	vld [tilespmem:s28+$0x280];
	v14 =	vmul.f32 v14, v23;
	[tilespmem:s28+$0x200] =	vst v12  }
0x57: {  	v27 =	vld [tilespmem:s28+$0x290];
	v9 =	vmul.f32 v9, v23;
	[tilespmem:s28+$0x210] =	vst v13  }
0x58: {  	v6 =	vld [tilespmem:s28+$0x6F0];
	v7 =	vmul.f32 v7, v23;
	[tilespmem:s28+$0x220] =	vst v14  }
0x59: {  	v24 =	vld [tilespmem:s28+$0x260];
	v15 =	vbroadcast v1, $0x2;
	v8 =	vmul.f32 v8, v23;
	[tilespmem:s28+$0x230] =	vst v9  }
0x5a: {  	v28 =	vld [tilespmem:s28+$0x2A0];
	v10 =	vmul.f32 v25, v23;
	[tilespmem:s28+$0x240] =	vst v7  }
0x5b: {  	v29 =	vld [tilespmem:s28+$0x2B0];
	v5 =	vbroadcast v1, $0xA;
	v32 =	vmul.f32 v26, v15;
	[tilespmem:s28+$0x250] =	vst v8  }
0x5c: {  	v30 =	vld [tilespmem:s28+$0x2C0];
	v34 =	vmul.f32 v27, v15;
	[tilespmem:s28+$0x270] =	vst v10  }
0x5d: {  	v33 =	vld [tilespmem:s28+$0x2E0];
	v3 =	vmul.f32 v6, v5;
	[tilespmem:s28+$0x280] =	vst v32  }
0x5e: {  	v35 =	vld [tilespmem:s28+$0x2F0];
	v11 =	vmul.f32 v24, v23;
	[tilespmem:s28+$0x290] =	vst v34  }
0x5f: {  	v36 =	vld [tilespmem:s28+$0x300];
	v9 =	vmul.f32 v28, v15;
	[tilespmem:s28+$0x6F0] =	vst v3  }
0x60: {  	v31 =	vld [tilespmem:s28+$0x2D0];
	v7 =	vmul.f32 v29, v15;
	[tilespmem:s28+$0x260] =	vst v11  }
0x61: {  	v37 =	vld [tilespmem:s28+$0x310];
	v8 =	vmul.f32 v30, v15;
	[tilespmem:s28+$0x2A0] =	vst v9  }
0x62: {  	v38 =	vld [tilespmem:s28+$0x320];
	v41 =	vbroadcast v1, $0x3;
	v10 =	vmul.f32 v33, v15;
	[tilespmem:s28+$0x2B0] =	vst v7  }
0x63: {  	v39 =	vld [tilespmem:s28+$0x330];
	v12 =	vmul.f32 v35, v15;
	[tilespmem:s28+$0x2C0] =	vst v8  }
0x64: {  	v42 =	vld [tilespmem:s28+$0x350];
	v13 =	vmul.f32 v36, v41;
	[tilespmem:s28+$0x2E0] =	vst v10  }
0x65: {  	v43 =	vld [tilespmem:s28+$0x360];
	v11 =	vmul.f32 v31, v15;
	[tilespmem:s28+$0x2F0] =	vst v12  }
0x66: {  	v44 =	vld [tilespmem:s28+$0x370];
	v9 =	vmul.f32 v37, v41;
	[tilespmem:s28+$0x300] =	vst v13  }
0x67: {  	v40 =	vld [tilespmem:s28+$0x340];
	v7 =	vmul.f32 v38, v41;
	[tilespmem:s28+$0x2D0] =	vst v11  }
0x68: {  	v45 =	vld [tilespmem:s28+$0x380];
	v8 =	vmul.f32 v39, v41;
	[tilespmem:s28+$0x310] =	vst v9  }
0x69: {  	v46 =	vld [tilespmem:s28+$0x390];
	v10 =	vmul.f32 v42, v41;
	[tilespmem:s28+$0x320] =	vst v7  }
0x6a: {  	v47 =	vld [tilespmem:s28+$0x3A0];
	v12 =	vmul.f32 v43, v41;
	[tilespmem:s28+$0x330] =	vst v8  }
0x6b: {  	v49 =	vld [tilespmem:s28+$0x3C0];
	v50 =	vbroadcast v1, $0x4;
	v13 =	vmul.f32 v44, v41;
	[tilespmem:s28+$0x350] =	vst v10  }
0x6c: {  	v51 =	vld [tilespmem:s28+$0x3D0];
	v11 =	vmul.f32 v40, v41;
	[tilespmem:s28+$0x360] =	vst v12  }
0x6d: {  	v52 =	vld [tilespmem:s28+$0x3E0];
	v9 =	vmul.f32 v45, v50;
	[tilespmem:s28+$0x370] =	vst v13  }
0x6e: {  	v48 =	vld [tilespmem:s28+$0x3B0];
	v7 =	vmul.f32 v46, v50;
	[tilespmem:s28+$0x340] =	vst v11  }
0x6f: {  	v53 =	vld [tilespmem:s28+$0x3F0];
	v8 =	vmul.f32 v47, v50;
	[tilespmem:s28+$0x380] =	vst v9  }
0x70: {  	v54 =	vld [tilespmem:s28+$0x400];
	v10 =	vmul.f32 v49, v50;
	[tilespmem:s28+$0x390] =	vst v7  }
0x71: {  	v55 =	vld [tilespmem:s28+$0x410];
	v12 =	vmul.f32 v51, v50;
	[tilespmem:s28+$0x3A0] =	vst v8  }
0x72: {  	v57 =	vld [tilespmem:s28+$0x430];
	v13 =	vmul.f32 v52, v50;
	[tilespmem:s28+$0x3C0] =	vst v10  }
0x73: {  	v58 =	vld [tilespmem:s28+$0x440];
	v59 =	vbroadcast v1, $0x5;
	v11 =	vmul.f32 v48, v50;
	[tilespmem:s28+$0x3D0] =	vst v12  }
0x74: {  	v60 =	vld [tilespmem:s28+$0x450];
	v9 =	vmul.f32 v53, v50;
	[tilespmem:s28+$0x3E0] =	vst v13  }
0x75: {  	v56 =	vld [tilespmem:s28+$0x420];
	v7 =	vmul.f32 v54, v59;
	[tilespmem:s28+$0x3B0] =	vst v11  }
0x76: {  	v61 =	vld [tilespmem:s28+$0x460];
	v8 =	vmul.f32 v55, v59;
	[tilespmem:s28+$0x3F0] =	vst v9  }
0x77: {  	v62 =	vld [tilespmem:s28+$0x470];
	v10 =	vmul.f32 v57, v59;
	[tilespmem:s28+$0x400] =	vst v7  }
0x78: {  	v63 =	vld [tilespmem:s28+$0x480];
	v12 =	vmul.f32 v58, v59;
	[tilespmem:s28+$0x410] =	vst v8  }
0x79: {  	v19 =	vld [tilespmem:s28+$0x4A0];
	v13 =	vmul.f32 v60, v59;
	[tilespmem:s28+$0x430] =	vst v10  }
0x7a: {  	v20 =	vld [tilespmem:s28+$0x4B0];
	v11 =	vmul.f32 v56, v59;
	[tilespmem:s28+$0x440] =	vst v12  }
0x7b: {  	v21 =	vld [tilespmem:s28+$0x4C0];
	v22 =	vbroadcast v1, $0x6;
	v9 =	vmul.f32 v61, v59;
	[tilespmem:s28+$0x450] =	vst v13  }
0x7c: {  	v18 =	vld [tilespmem:s28+$0x490];
	v7 =	vmul.f32 v62, v59;
	[tilespmem:s28+$0x420] =	vst v11  }
0x7d: {  	v23 =	vld [tilespmem:s28+$0x4D0];
	v8 =	vmul.f32 v63, v22;
	[tilespmem:s28+$0x460] =	vst v9  }
0x7e: {  	v24 =	vld [tilespmem:s28+$0x4E0];
	v10 =	vmul.f32 v19, v22;
	[tilespmem:s28+$0x470] =	vst v7  }
0x7f: {  	v25 =	vld [tilespmem:s28+$0x4F0];
	v12 =	vmul.f32 v20, v22;
	[tilespmem:s28+$0x480] =	vst v8  }
0x80: {  	v27 =	vld [tilespmem:s28+$0x510];
	v13 =	vmul.f32 v21, v22;
	[tilespmem:s28+$0x4A0] =	vst v10  }
0x81: {  	v28 =	vld [tilespmem:s28+$0x520];
	v11 =	vmul.f32 v18, v22;
	[tilespmem:s28+$0x4B0] =	vst v12  }
0x82: {  	v29 =	vld [tilespmem:s28+$0x530];
	v9 =	vmul.f32 v23, v22;
	[tilespmem:s28+$0x4C0] =	vst v13  }
0x83: {  	v31 =	vbroadcast v1, $0x7;
	v53 =	vld [tilespmem:s28+$0x680];
	v7 =	vmul.f32 v24, v22;
	[tilespmem:s28+$0x490] =	vst v11  }
0x84: {  	v57 =	vld [tilespmem:s28+$0x6C0];
	v8 =	vmul.f32 v25, v22;
	[tilespmem:s28+$0x4D0] =	vst v9  }
0x85: {  	v58 =	vld [tilespmem:s28+$0x6D0];
	v10 =	vmul.f32 v27, v31;
	[tilespmem:s28+$0x4E0] =	vst v7  }
0x86: {  	v26 =	vld [tilespmem:s28+$0x500];
	v12 =	vmul.f32 v28, v31;
	[tilespmem:s28+$0x4F0] =	vst v8  }
0x87: {  	v30 =	vld [tilespmem:s28+$0x540];
	v13 =	vmul.f32 v29, v31;
	[tilespmem:s28+$0x510] =	vst v10  }
0x88: {  	v32 =	vld [tilespmem:s28+$0x550];
	v59 =	vmul.f32 v53, v5;
	[tilespmem:s28+$0x520] =	vst v12  }
0x89: {  	v33 =	vld [tilespmem:s28+$0x560];
	v18 =	vmul.f32 v57, v5;
	[tilespmem:s28+$0x530] =	vst v13  }
0x8a: {  	v35 =	vld [tilespmem:s28+$0x580];
	v20 =	vmul.f32 v58, v5;
	[tilespmem:s28+$0x680] =	vst v59  }
0x8b: {  	v36 =	vld [tilespmem:s28+$0x590];
	v11 =	vmul.f32 v26, v31;
	[tilespmem:s28+$0x6C0] =	vst v18  }
0x8c: {  	v37 =	vld [tilespmem:s28+$0x5A0];
	v9 =	vmul.f32 v30, v31;
	[tilespmem:s28+$0x6D0] =	vst v20  }
0x8d: {  	v4 =	vld [tilespmem:s28+$0x700];
	v40 =	vbroadcast v1, $0x8;
	v7 =	vmul.f32 v32, v31;
	[tilespmem:s28+$0x500] =	vst v11  }
0x8e: {  	v6 =	vld [tilespmem:s28+$0x710];
	v8 =	vmul.f32 v33, v31;
	[tilespmem:s28+$0x540] =	vst v9  }
0x8f: {  	v3 =	vld [tilespmem:s28+$0x950];
	v10 =	vmul.f32 v35, v40;
	[tilespmem:s28+$0x550] =	vst v7  }
0x90: {  	v61 =	vld [tilespmem:s28+$0x180];
	v23 =	vbroadcast v1, $0xB;
	v12 =	vmul.f32 v36, v40;
	[tilespmem:s28+$0x560] =	vst v8  }
0x91: {  	v34 =	vld [tilespmem:s28+$0x570];
	v13 =	vmul.f32 v37, v40;
	[tilespmem:s28+$0x580] =	vst v10  }
0x92: {  	v38 =	vld [tilespmem:s28+$0x5B0];
	v27 =	vbroadcast v1, $0xF;
	v4 =	vmul.f32 v4, v23;
	[tilespmem:s28+$0x590] =	vst v12  }
0x93: {  	v39 =	vld [tilespmem:s28+$0x5C0];
	v6 =	vmul.f32 v6, v23;
	[tilespmem:s28+$0x5A0] =	vst v13  }
0x94: {  	v41 =	vld [tilespmem:s28+$0x5D0];
	v3 =	vmul.f32 v3, v27;
	[tilespmem:s28+$0x700] =	vst v4  }
0x95: {  	v43 =	vld [tilespmem:s28+$0x5F0];
	v24 =	vmul.f32 v2, v61;
	[tilespmem:s28+$0x710] =	vst v6  }
0x96: {  	v44 =	vld [tilespmem:s28+$0x600];
	v11 =	vmul.f32 v34, v31;
	[tilespmem:s28+$0x950] =	vst v3  }
0x97: {  	v45 =	vld [tilespmem:s28+$0x610];
	v9 =	vmul.f32 v38, v40;
	[tilespmem:s28+$0x180] =	vst v24  }
0x98: {  	v63 =	vld [tilespmem:s28+$0x1C0];
	v7 =	vmul.f32 v39, v40;
	[tilespmem:s28+$0x570] =	vst v11  }
0x99: {  	v49 =	vbroadcast v1, $0x9;
	v29 =	vld [tilespmem:s28+$0x770];
	v8 =	vmul.f32 v41, v40;
	[tilespmem:s28+$0x5B0] =	vst v9  }
0x9a: {  	v42 =	vld [tilespmem:s28+$0x5E0];
	v10 =	vmul.f32 v43, v40;
	[tilespmem:s28+$0x5C0] =	vst v7  }
0x9b: {  	v46 =	vld [tilespmem:s28+$0x620];
	v12 =	vmul.f32 v44, v49;
	[tilespmem:s28+$0x5D0] =	vst v8  }
0x9c: {  	v47 =	vld [tilespmem:s28+$0x630];
	v13 =	vmul.f32 v45, v49;
	[tilespmem:s28+$0x5F0] =	vst v10  }
0x9d: {  	v48 =	vld [tilespmem:s28+$0x640];
	v3 =	vmul.f32 v63, v2;
	[tilespmem:s28+$0x600] =	vst v12  }
0x9e: {  	v51 =	vld [tilespmem:s28+$0x660];
	v6 =	vmul.f32 v29, v23;
	[tilespmem:s28+$0x610] =	vst v13  }
0x9f: {  	v52 =	vld [tilespmem:s28+$0x670];
	v11 =	vmul.f32 v42, v40;
	[tilespmem:s28+$0x1C0] =	vst v3  }
0xa0: {  	v28 =	vld [tilespmem:s28+$0x760];
	v9 =	vmul.f32 v46, v49;
	[tilespmem:s28+$0x770] =	vst v6  }
0xa1: {  	v26 =	vld [tilespmem:s28+$0x750];
	v7 =	vmul.f32 v47, v49;
	[tilespmem:s28+$0x5E0] =	vst v11  }
0xa2: {  	v30 =	vld [tilespmem:s28+$0x780];
	v8 =	vmul.f32 v48, v49;
	[tilespmem:s28+$0x620] =	vst v9  }
0xa3: {  	v50 =	vld [tilespmem:s28+$0x650];
	v10 =	vmul.f32 v51, v49;
	[tilespmem:s28+$0x630] =	vst v7  }
0xa4: {  	v54 =	vld [tilespmem:s28+$0x690];
	v12 =	vmul.f32 v52, v49;
	[tilespmem:s28+$0x640] =	vst v8  }
0xa5: {  	v55 =	vld [tilespmem:s28+$0x6A0];
	v35 =	vbroadcast v1, $0xC;
	v40 =	vmul.f32 v28, v23;
	[tilespmem:s28+$0x660] =	vst v10  }
0xa6: {  	v56 =	vld [tilespmem:s28+$0x6B0];
	v32 =	vmul.f32 v26, v23;
	[tilespmem:s28+$0x670] =	vst v12  }
0xa7: {  	v60 =	vld [tilespmem:s28+$0x6E0];
	v15 =	vmul.f32 v30, v35;
	[tilespmem:s28+$0x760] =	vst v40  }
0xa8: {  	v62 =	vld [tilespmem:s28+$0x190];
	v11 =	vmul.f32 v50, v49;
	[tilespmem:s28+$0x750] =	vst v32  }
0xa9: {  	v19 =	vld [tilespmem:s28+$0x1D0];
	v9 =	vmul.f32 v54, v5;
	[tilespmem:s28+$0x780] =	vst v15  }
0xaa: {  	v33 =	vld [tilespmem:s28+$0x7B0];
	v7 =	vmul.f32 v55, v5;
	[tilespmem:s28+$0x650] =	vst v11  }
0xab: {  	v61 =	vld [tilespmem:s28+$0x970];
	v8 =	vmul.f32 v56, v5;
	[tilespmem:s28+$0x690] =	vst v9  }
0xac: {  	v38 =	vld [tilespmem:s28+$0x7F0];
	v5 =	vmul.f32 v60, v5;
	[tilespmem:s28+$0x6A0] =	vst v7  }
0xad: {  	v21 =	vld [tilespmem:s28+$0x720];
	v12 =	vmul.f32 v62, v2;
	[tilespmem:s28+$0x6B0] =	vst v8  }
0xae: {  	v22 =	vld [tilespmem:s28+$0x730];
	v2 =	vmul.f32 v19, v2;
	[tilespmem:s28+$0x6E0] =	vst v5  }
0xaf: {  	v25 =	vld [tilespmem:s28+$0x740];
	v62 =	vmul.f32 v33, v35;
	[tilespmem:s28+$0x190] =	vst v12  }
0xb0: {  	v31 =	vld [tilespmem:s28+$0x790];
	v63 =	vmul.f32 v61, v27;
	[tilespmem:s28+$0x1D0] =	vst v2  }
0xb1: {  	v34 =	vld [tilespmem:s28+$0x7C0];
	v15 =	vmul.f32 v38, v35;
	[tilespmem:s28+$0x7B0] =	vst v62  }
0xb2: {  	v41 =	vld [tilespmem:s28+$0x820];
	v7 =	vmul.f32 v21, v23;
	[tilespmem:s28+$0x970] =	vst v63  }
0xb3: {  	v46 =	vld [tilespmem:s28+$0x860];
	v8 =	vmul.f32 v22, v23;
	[tilespmem:s28+$0x7F0] =	vst v15  }
0xb4: {  	v36 =	vld [tilespmem:s28+$0x7D0];
	v5 =	vmul.f32 v25, v23;
	[tilespmem:s28+$0x720] =	vst v7  }
0xb5: {  	v44 =	vbroadcast v1, $0xD;
	v9 =	vmul.f32 v31, v35;
	v2 =	vld [tilespmem:s28+$0x810];
	[tilespmem:s28+$0x730] =	vst v8  }
0xb6: {  	v37 =	vld [tilespmem:s28+$0x7E0];
	v12 =	vmul.f32 v34, v35;
	[tilespmem:s28+$0x740] =	vst v5  }
0xb7: {  	v39 =	vld [tilespmem:s28+$0x800];
	v11 =	vmul.f32 v41, v44;
	[tilespmem:s28+$0x790] =	vst v9  }
0xb8: {  	v42 =	vld [tilespmem:s28+$0x830];
	v51 =	vmul.f32 v46, v44;
	[tilespmem:s28+$0x7C0] =	vst v12  }
0xb9: {  	v48 =	vld [tilespmem:s28+$0x890];
	v8 =	vmul.f32 v36, v35;
	[tilespmem:s28+$0x820] =	vst v11  }
0xba: {  	v49 =	vld [tilespmem:s28+$0x8A0];
	[tilespmem:s28+$0x860] =	vst v51;
	v2 =	vmul.f32 v2, v44  }
0xbb: {  	v50 =	vld [tilespmem:s28+$0x8B0];
	v5 =	vmul.f32 v37, v35;
	[tilespmem:s28+$0x7D0] =	vst v8  }
0xbc: {  	v1 =	vbroadcast v1, $0xE;
	v9 =	vmul.f32 v39, v44;
	[tilespmem:s28+$0x810] =	vst v2;
	v2 =	vld [tilespmem:s28+$0x880]  }
0xbd: {  	v60 =	vld [tilespmem:s28+$0x960];
	v12 =	vmul.f32 v42, v44;
	[tilespmem:s28+$0x7E0] =	vst v5  }
0xbe: {  	v45 =	vld [tilespmem:s28+$0x850];
	v11 =	vmul.f32 v48, v1;
	[tilespmem:s28+$0x800] =	vst v9  }
0xbf: {  	v47 =	vld [tilespmem:s28+$0x870];
	v10 =	vmul.f32 v49, v1;
	[tilespmem:s28+$0x830] =	vst v12  }
0xc0: {  	v43 =	vld [tilespmem:s28+$0x840];
	v6 =	vmul.f32 v50, v1;
	[tilespmem:s28+$0x890] =	vst v11  }
0xc1: {  	v55 =	vld [tilespmem:s28+$0x900];
	[tilespmem:s28+$0x8A0] =	vst v10;
	v2 =	vmul.f32 v2, v1  }
0xc2: {  	v57 =	vld [tilespmem:s28+$0x920];
	v4 =	vmul.f32 v60, v27;
	[tilespmem:s28+$0x8B0] =	vst v6  }
0xc3: {  	v5 =	vmul.f32 v45, v44;
	[tilespmem:s28+$0x880] =	vst v2;
	v2 =	vld [tilespmem:s28+$0x8F0]  }
0xc4: {  	v52 =	vld [tilespmem:s28+$0x8C0];
	v9 =	vmul.f32 v47, v44;
	[tilespmem:s28+$0x960] =	vst v4  }
0xc5: {  	v56 =	vld [tilespmem:s28+$0x910];
	v8 =	vmul.f32 v43, v44;
	[tilespmem:s28+$0x850] =	vst v5  }
0xc6: {  	v54 =	vld [tilespmem:s28+$0x8E0];
	v11 =	vmul.f32 v55, v27;
	[tilespmem:s28+$0x870] =	vst v9  }
0xc7: {  	v58 =	vld [tilespmem:s28+$0x930];
	v6 =	vmul.f32 v57, v27;
	[tilespmem:s28+$0x840] =	vst v8  }
0xc8: {  	v53 =	vld [tilespmem:s28+$0x8D0];
	[tilespmem:s28+$0x900] =	vst v11;
	v2 =	vmul.f32 v2, v1  }
0xc9: {  	v59 =	vld [tilespmem:s28+$0x940];
	v5 =	vmul.f32 v52, v1;
	[tilespmem:s28+$0x920] =	vst v6  }
0xca: {  	[tilespmem:s28+$0x8F0] =	vst v2;
	v2 =	vmul.f32 v56, v27  }
0xcb: {  	v3 =	vld [tilespmem:s28+$0x7A0];
	v9 =	vmul.f32 v54, v1;
	[tilespmem:s28+$0x8C0] =	vst v5  }
0xcc: {  	[tilespmem:s28+$0x910] =	vst v2;
	v2 =	vmul.f32 v58, v27  }
0xcd: {  	[tilespmem:s28+$0x8E0] =	vst v9;
	v1 =	vmul.f32 v53, v1  }
0xce: {  	[tilespmem:s28+$0x930] =	vst v2;
	v2 =	vmul.f32 v59, v27  }
0xcf: {  	[tilespmem:s28+$0x8D0] =	vst v1  }
0xd0: {  	s29 =	simm.s32 $0x1;
	[tilespmem:s28+$0x940] =	vst v2;
	v2 =	vmul.f32 v3, v35  }
.LBB2_5:
0xd1: {  	s30 =	sshll.u32 s29, $0x4  }
0xd2: {  	p0 =	sne.s32 s29, $0x7;
	[tilespmem:s28+$0x7A0] =	vst v2;
	s28 =	smov.u32 s29;
	s29 =	sadd.s32 $0x1, s29  }
0xd3: {  	s30 =	sand.u32 $0x3FFFFFF0, s30  }
0xd4: {  	s28 =	sshll.u32 s28, $0xB;
	v1 =	vld [tilespmem:s30+$0x100]  }
0xd5: {  	s28 =	sand.u32 $0x3FFFF800, s28  }
0xd6: {  	v8 =	vld [tilespmem:s28+$0x240]  }
0xd7: {  	v9 =	vld [tilespmem:s28+$0x250]  }
0xd8: {  	v10 =	vld [tilespmem:s28+$0x230]  }
0xd9: {  	v2 =	vbroadcast v1, $0x0;
	v3 =	vld [tilespmem:s28+$0x1A0];
	v7 =	vbroadcast v1, $0x4  }
0xda: {  	v5 =	vld [tilespmem:s28+$0x1B0]  }
0xdb: {  	v6 =	vld [tilespmem:s28+$0x6F0]  }
0xdc: {  	v11 =	vld [tilespmem:s28+$0x1E0]  }
0xdd: {  	v12 =	vld [tilespmem:s28+$0x1F0]  }
0xde: {  	v4 =	vbroadcast v1, $0xA;
	v3 =	vmul.f32 v3, v2;
	v13 =	vld [tilespmem:s28+$0x200]  }
0xdf: {  	v5 =	vmul.f32 v5, v2;
	v14 =	vld [tilespmem:s28+$0x210]  }
0xe0: {  	[tilespmem:s28+$0x1A0] =	vst v3;
	v15 =	vld [tilespmem:s28+$0x220];
	v3 =	vmul.f32 v6, v4  }
0xe1: {  	[tilespmem:s28+$0x1B0] =	vst v5;
	v6 =	vmul.f32 v11, v2;
	v11 =	vbroadcast v1, $0x1;
	v5 =	vld [tilespmem:s28+$0x700]  }
0xe2: {  	v12 =	vmul.f32 v12, v2;
	[tilespmem:s28+$0x6F0] =	vst v3;
	v3 =	vld [tilespmem:s28+$0x950]  }
0xe3: {  	[tilespmem:s28+$0x1E0] =	vst v6;
	v13 =	vmul.f32 v13, v11;
	v6 =	vld [tilespmem:s28+$0x710]  }
0xe4: {  	[tilespmem:s28+$0x1F0] =	vst v12;
	v12 =	vmul.f32 v14, v11;
	v14 =	vld [tilespmem:s28+$0x260]  }
0xe5: {  	[tilespmem:s28+$0x200] =	vst v13;
	v13 =	vmul.f32 v15, v11;
	v15 =	vld [tilespmem:s28+$0x270]  }
0xe6: {  	v10 =	vmul.f32 v10, v11;
	[tilespmem:s28+$0x210] =	vst v12;
	v12 =	vld [tilespmem:s28+$0x280]  }
0xe7: {  	v8 =	vmul.f32 v8, v11;
	[tilespmem:s28+$0x220] =	vst v13;
	v13 =	vld [tilespmem:s28+$0x290]  }
0xe8: {  	v9 =	vmul.f32 v9, v11;
	[tilespmem:s28+$0x230] =	vst v10;
	v10 =	vld [tilespmem:s28+$0x2A0]  }
0xe9: {  	[tilespmem:s28+$0x240] =	vst v8;
	v8 =	vmul.f32 v14, v11;
	v14 =	vbroadcast v1, $0x2;
	v16 =	vld [tilespmem:s28+$0x2B0]  }
0xea: {  	[tilespmem:s28+$0x250] =	vst v9;
	v9 =	vmul.f32 v15, v11;
	v11 =	vld [tilespmem:s28+$0x2C0]  }
0xeb: {  	[tilespmem:s28+$0x260] =	vst v8;
	v8 =	vmul.f32 v12, v14;
	v12 =	vld [tilespmem:s28+$0x2D0]  }
0xec: {  	[tilespmem:s28+$0x270] =	vst v9;
	v9 =	vmul.f32 v13, v14;
	v13 =	vld [tilespmem:s28+$0x2E0]  }
0xed: {  	[tilespmem:s28+$0x280] =	vst v8;
	v8 =	vmul.f32 v10, v14;
	v10 =	vld [tilespmem:s28+$0x2F0]  }
0xee: {  	[tilespmem:s28+$0x290] =	vst v9;
	v9 =	vmul.f32 v16, v14;
	v15 =	vld [tilespmem:s28+$0x300]  }
0xef: {  	[tilespmem:s28+$0x2A0] =	vst v8;
	v8 =	vmul.f32 v11, v14;
	v11 =	vld [tilespmem:s28+$0x310]  }
0xf0: {  	[tilespmem:s28+$0x2B0] =	vst v9;
	v9 =	vmul.f32 v12, v14;
	v12 =	vld [tilespmem:s28+$0x320]  }
0xf1: {  	[tilespmem:s28+$0x2C0] =	vst v8;
	v8 =	vmul.f32 v13, v14;
	v13 =	vbroadcast v1, $0x3;
	v16 =	vld [tilespmem:s28+$0x330]  }
0xf2: {  	[tilespmem:s28+$0x2D0] =	vst v9;
	v9 =	vmul.f32 v10, v14;
	v10 =	vld [tilespmem:s28+$0x340]  }
0xf3: {  	[tilespmem:s28+$0x2E0] =	vst v8;
	v8 =	vmul.f32 v15, v13;
	v14 =	vld [tilespmem:s28+$0x350]  }
0xf4: {  	[tilespmem:s28+$0x2F0] =	vst v9;
	v9 =	vmul.f32 v11, v13;
	v11 =	vld [tilespmem:s28+$0x360]  }
0xf5: {  	[tilespmem:s28+$0x300] =	vst v8;
	v8 =	vmul.f32 v12, v13;
	v12 =	vld [tilespmem:s28+$0x370]  }
0xf6: {  	[tilespmem:s28+$0x310] =	vst v9;
	v9 =	vmul.f32 v16, v13;
	v15 =	vld [tilespmem:s28+$0x380]  }
0xf7: {  	[tilespmem:s28+$0x320] =	vst v8;
	v8 =	vmul.f32 v10, v13;
	v10 =	vld [tilespmem:s28+$0x390]  }
0xf8: {  	[tilespmem:s28+$0x330] =	vst v9;
	v9 =	vmul.f32 v14, v13;
	v14 =	vld [tilespmem:s28+$0x3A0]  }
0xf9: {  	[tilespmem:s28+$0x340] =	vst v8;
	v8 =	vmul.f32 v11, v13;
	v11 =	vld [tilespmem:s28+$0x3B0]  }
0xfa: {  	[tilespmem:s28+$0x350] =	vst v9;
	v9 =	vmul.f32 v12, v13;
	v12 =	vld [tilespmem:s28+$0x3C0]  }
0xfb: {  	[tilespmem:s28+$0x360] =	vst v8;
	v8 =	vmul.f32 v15, v7;
	v13 =	vld [tilespmem:s28+$0x3D0]  }
0xfc: {  	[tilespmem:s28+$0x370] =	vst v9;
	v9 =	vmul.f32 v10, v7;
	v10 =	vld [tilespmem:s28+$0x3E0]  }
0xfd: {  	[tilespmem:s28+$0x380] =	vst v8;
	v8 =	vmul.f32 v14, v7;
	v14 =	vld [tilespmem:s28+$0x3F0]  }
0xfe: {  	[tilespmem:s28+$0x390] =	vst v9;
	v9 =	vmul.f32 v11, v7;
	v11 =	vld [tilespmem:s28+$0x400]  }
0xff: {  	[tilespmem:s28+$0x3A0] =	vst v8;
	v8 =	vmul.f32 v12, v7;
	v12 =	vld [tilespmem:s28+$0x410]  }
0x100: {  	[tilespmem:s28+$0x3B0] =	vst v9;
	v9 =	vmul.f32 v13, v7;
	v13 =	vld [tilespmem:s28+$0x420]  }
0x101: {  	[tilespmem:s28+$0x3C0] =	vst v8;
	v8 =	vmul.f32 v10, v7;
	v10 =	vbroadcast v1, $0x5;
	v15 =	vld [tilespmem:s28+$0x430]  }
0x102: {  	[tilespmem:s28+$0x3D0] =	vst v9;
	v7 =	vmul.f32 v14, v7;
	v9 =	vld [tilespmem:s28+$0x440]  }
0x103: {  	[tilespmem:s28+$0x3E0] =	vst v8;
	v8 =	vmul.f32 v11, v10;
	v11 =	vld [tilespmem:s28+$0x450]  }
0x104: {  	[tilespmem:s28+$0x3F0] =	vst v7;
	v7 =	vmul.f32 v12, v10;
	v12 =	vld [tilespmem:s28+$0x460]  }
0x105: {  	[tilespmem:s28+$0x400] =	vst v8;
	v8 =	vmul.f32 v13, v10;
	v13 =	vld [tilespmem:s28+$0x470]  }
0x106: {  	[tilespmem:s28+$0x410] =	vst v7;
	v7 =	vmul.f32 v15, v10;
	v14 =	vld [tilespmem:s28+$0x480]  }
0x107: {  	[tilespmem:s28+$0x420] =	vst v8;
	v8 =	vmul.f32 v9, v10;
	v9 =	vld [tilespmem:s28+$0x490]  }
0x108: {  	[tilespmem:s28+$0x430] =	vst v7;
	v7 =	vmul.f32 v11, v10;
	v11 =	vld [tilespmem:s28+$0x4A0]  }
0x109: {  	[tilespmem:s28+$0x440] =	vst v8;
	v8 =	vmul.f32 v12, v10;
	v12 =	vbroadcast v1, $0x6;
	v15 =	vld [tilespmem:s28+$0x4B0]  }
0x10a: {  	[tilespmem:s28+$0x450] =	vst v7;
	v7 =	vmul.f32 v13, v10;
	v10 =	vld [tilespmem:s28+$0x4C0]  }
0x10b: {  	[tilespmem:s28+$0x460] =	vst v8;
	v8 =	vmul.f32 v14, v12;
	v13 =	vld [tilespmem:s28+$0x4D0]  }
0x10c: {  	[tilespmem:s28+$0x470] =	vst v7;
	v7 =	vmul.f32 v9, v12;
	v9 =	vld [tilespmem:s28+$0x4E0]  }
0x10d: {  	[tilespmem:s28+$0x480] =	vst v8;
	v8 =	vmul.f32 v11, v12;
	v11 =	vld [tilespmem:s28+$0x4F0]  }
0x10e: {  	[tilespmem:s28+$0x490] =	vst v7;
	v7 =	vmul.f32 v15, v12;
	v14 =	vld [tilespmem:s28+$0x500]  }
0x10f: {  	[tilespmem:s28+$0x4A0] =	vst v8;
	v8 =	vmul.f32 v10, v12;
	v10 =	vld [tilespmem:s28+$0x510]  }
0x110: {  	[tilespmem:s28+$0x4B0] =	vst v7;
	v7 =	vmul.f32 v13, v12;
	v13 =	vld [tilespmem:s28+$0x520]  }
0x111: {  	[tilespmem:s28+$0x4C0] =	vst v8;
	v8 =	vmul.f32 v9, v12;
	v9 =	vbroadcast v1, $0x7;
	v15 =	vld [tilespmem:s28+$0x530]  }
0x112: {  	[tilespmem:s28+$0x4D0] =	vst v7;
	v7 =	vmul.f32 v11, v12;
	v11 =	vld [tilespmem:s28+$0x540]  }
0x113: {  	[tilespmem:s28+$0x4E0] =	vst v8;
	v8 =	vmul.f32 v14, v9;
	v12 =	vld [tilespmem:s28+$0x550]  }
0x114: {  	[tilespmem:s28+$0x4F0] =	vst v7;
	v7 =	vmul.f32 v10, v9;
	v10 =	vld [tilespmem:s28+$0x560]  }
0x115: {  	[tilespmem:s28+$0x500] =	vst v8;
	v8 =	vmul.f32 v13, v9;
	v13 =	vld [tilespmem:s28+$0x570]  }
0x116: {  	[tilespmem:s28+$0x510] =	vst v7;
	v7 =	vmul.f32 v15, v9;
	v14 =	vld [tilespmem:s28+$0x580]  }
0x117: {  	[tilespmem:s28+$0x520] =	vst v8;
	v8 =	vmul.f32 v11, v9;
	v11 =	vld [tilespmem:s28+$0x590]  }
0x118: {  	[tilespmem:s28+$0x530] =	vst v7;
	v7 =	vmul.f32 v12, v9;
	v12 =	vld [tilespmem:s28+$0x5A0]  }
0x119: {  	[tilespmem:s28+$0x540] =	vst v8;
	v8 =	vmul.f32 v10, v9;
	v10 =	vbroadcast v1, $0x8;
	v15 =	vld [tilespmem:s28+$0x5B0]  }
0x11a: {  	[tilespmem:s28+$0x550] =	vst v7;
	v7 =	vmul.f32 v13, v9;
	v9 =	vld [tilespmem:s28+$0x5C0]  }
0x11b: {  	[tilespmem:s28+$0x560] =	vst v8;
	v8 =	vmul.f32 v14, v10;
	v13 =	vld [tilespmem:s28+$0x5D0]  }
0x11c: {  	[tilespmem:s28+$0x570] =	vst v7;
	v7 =	vmul.f32 v11, v10;
	v11 =	vld [tilespmem:s28+$0x5E0]  }
0x11d: {  	[tilespmem:s28+$0x580] =	vst v8;
	v8 =	vmul.f32 v12, v10;
	v12 =	vld [tilespmem:s28+$0x5F0]  }
0x11e: {  	[tilespmem:s28+$0x590] =	vst v7;
	v7 =	vmul.f32 v15, v10;
	v14 =	vld [tilespmem:s28+$0x600]  }
0x11f: {  	[tilespmem:s28+$0x5A0] =	vst v8;
	v8 =	vmul.f32 v9, v10;
	v9 =	vld [tilespmem:s28+$0x610]  }
0x120: {  	[tilespmem:s28+$0x5B0] =	vst v7;
	v7 =	vmul.f32 v13, v10;
	v13 =	vld [tilespmem:s28+$0x620]  }
0x121: {  	[tilespmem:s28+$0x5C0] =	vst v8;
	v8 =	vmul.f32 v11, v10;
	v11 =	vbroadcast v1, $0x9;
	v15 =	vld [tilespmem:s28+$0x630]  }
0x122: {  	[tilespmem:s28+$0x5D0] =	vst v7;
	v7 =	vmul.f32 v12, v10;
	v10 =	vld [tilespmem:s28+$0x640]  }
0x123: {  	[tilespmem:s28+$0x5E0] =	vst v8;
	v8 =	vmul.f32 v14, v11;
	v12 =	vld [tilespmem:s28+$0x650]  }
0x124: {  	[tilespmem:s28+$0x5F0] =	vst v7;
	v7 =	vmul.f32 v9, v11;
	v9 =	vld [tilespmem:s28+$0x660]  }
0x125: {  	[tilespmem:s28+$0x600] =	vst v8;
	v8 =	vmul.f32 v13, v11;
	v13 =	vld [tilespmem:s28+$0x670]  }
0x126: {  	[tilespmem:s28+$0x610] =	vst v7;
	v7 =	vmul.f32 v15, v11;
	v14 =	vld [tilespmem:s28+$0x680]  }
0x127: {  	[tilespmem:s28+$0x620] =	vst v8;
	v8 =	vmul.f32 v10, v11;
	v10 =	vld [tilespmem:s28+$0x690]  }
0x128: {  	[tilespmem:s28+$0x630] =	vst v7;
	v7 =	vmul.f32 v12, v11;
	v12 =	vld [tilespmem:s28+$0x6A0]  }
0x129: {  	[tilespmem:s28+$0x640] =	vst v8;
	v8 =	vmul.f32 v9, v11;
	v9 =	vld [tilespmem:s28+$0x6B0]  }
0x12a: {  	[tilespmem:s28+$0x650] =	vst v7;
	v7 =	vmul.f32 v13, v11;
	v11 =	vld [tilespmem:s28+$0x6C0]  }
0x12b: {  	[tilespmem:s28+$0x660] =	vst v8;
	v8 =	vmul.f32 v14, v4;
	v13 =	vld [tilespmem:s28+$0x6D0]  }
0x12c: {  	[tilespmem:s28+$0x670] =	vst v7;
	v7 =	vmul.f32 v10, v4;
	v10 =	vld [tilespmem:s28+$0x6E0]  }
0x12d: {  	v14 =	vld [tilespmem:s28+$0x180];
	[tilespmem:s28+$0x680] =	vst v8;
	v8 =	vmul.f32 v12, v4  }
0x12e: {  	v12 =	vld [tilespmem:s28+$0x190];
	[tilespmem:s28+$0x690] =	vst v7;
	v7 =	vmul.f32 v9, v4  }
0x12f: {  	v9 =	vld [tilespmem:s28+$0x1C0];
	[tilespmem:s28+$0x6A0] =	vst v8;
	v8 =	vmul.f32 v11, v4  }
0x130: {  	v11 =	vld [tilespmem:s28+$0x1D0];
	[tilespmem:s28+$0x6B0] =	vst v7;
	v7 =	vmul.f32 v13, v4  }
0x131: {  	[tilespmem:s28+$0x6C0] =	vst v8;
	v8 =	vmul.f32 v10, v4;
	v10 =	vbroadcast v1, $0xB;
	v13 =	vld [tilespmem:s28+$0x720]  }
0x132: {  	v4 =	vbroadcast v1, $0xF;
	v14 =	vmul.f32 v2, v14;
	[tilespmem:s28+$0x6D0] =	vst v7;
	v7 =	vld [tilespmem:s28+$0x730]  }
0x133: {  	v12 =	vmul.f32 v12, v2;
	[tilespmem:s28+$0x6E0] =	vst v8;
	v5 =	vmul.f32 v5, v10;
	v8 =	vld [tilespmem:s28+$0x740]  }
0x134: {  	v6 =	vmul.f32 v6, v10;
	[tilespmem:s28+$0x180] =	vst v14;
	v9 =	vmul.f32 v9, v2;
	v14 =	vld [tilespmem:s28+$0x750]  }
0x135: {  	v3 =	vmul.f32 v3, v4;
	v11 =	vmul.f32 v11, v2;
	[tilespmem:s28+$0x700] =	vst v5;
	v2 =	vld [tilespmem:s28+$0x760]  }
0x136: {  	[tilespmem:s28+$0x710] =	vst v6;
	v5 =	vmul.f32 v13, v10;
	v6 =	vld [tilespmem:s28+$0x770]  }
0x137: {  	v7 =	vmul.f32 v7, v10;
	v13 =	vld [tilespmem:s28+$0x780];
	[tilespmem:s28+$0x950] =	vst v3  }
0x138: {  	[tilespmem:s28+$0x190] =	vst v12;
	v3 =	vmul.f32 v8, v10;
	v8 =	vld [tilespmem:s28+$0x790]  }
0x139: {  	[tilespmem:s28+$0x1C0] =	vst v9;
	v9 =	vmul.f32 v14, v10;
	v12 =	vld [tilespmem:s28+$0x7A0]  }
0x13a: {  	v14 =	vbroadcast v1, $0xC;
	[tilespmem:s28+$0x720] =	vst v5;
	v5 =	vmul.f32 v2, v10;
	v15 =	vld [tilespmem:s28+$0x7B0]  }
0x13b: {  	[tilespmem:s28+$0x750] =	vst v9;
	v6 =	vmul.f32 v6, v10;
	v9 =	vld [tilespmem:s28+$0x7C0]  }
0x13c: {  	[tilespmem:s28+$0x730] =	vst v7;
	v2 =	vmul.f32 v13, v14;
	v7 =	vld [tilespmem:s28+$0x7D0]  }
0x13d: {  	[tilespmem:s28+$0x740] =	vst v3;
	v3 =	vmul.f32 v8, v14;
	v8 =	vld [tilespmem:s28+$0x7E0]  }
0x13e: {  	[tilespmem:s28+$0x780] =	vst v2;
	v2 =	vmul.f32 v12, v14;
	v10 =	vld [tilespmem:s28+$0x7F0]  }
0x13f: {  	[tilespmem:s28+$0x790] =	vst v3;
	v3 =	vld [tilespmem:s28+$0x800]  }
0x140: {  	[tilespmem:s28+$0x1D0] =	vst v11;
	v9 =	vmul.f32 v9, v14;
	v11 =	vld [tilespmem:s28+$0x810]  }
0x141: {  	[tilespmem:s28+$0x760] =	vst v5;
	v5 =	vmul.f32 v7, v14;
	v7 =	vld [tilespmem:s28+$0x820]  }
0x142: {  	[tilespmem:s28+$0x7C0] =	vst v9;
	v8 =	vmul.f32 v8, v14;
	v9 =	vbroadcast v1, $0xD;
	v12 =	vld [tilespmem:s28+$0x830]  }
0x143: {  	[tilespmem:s28+$0x7D0] =	vst v5;
	v5 =	vmul.f32 v10, v14;
	v10 =	vld [tilespmem:s28+$0x840]  }
0x144: {  	[tilespmem:s28+$0x7E0] =	vst v8;
	v3 =	vmul.f32 v3, v9;
	v8 =	vld [tilespmem:s28+$0x850]  }
0x145: {  	[tilespmem:s28+$0x7F0] =	vst v5;
	v5 =	vmul.f32 v11, v9;
	v11 =	vld [tilespmem:s28+$0x860]  }
0x146: {  	[tilespmem:s28+$0x800] =	vst v3;
	v3 =	vmul.f32 v7, v9;
	v7 =	vld [tilespmem:s28+$0x870]  }
0x147: {  	[tilespmem:s28+$0x810] =	vst v5;
	v5 =	vmul.f32 v12, v9;
	v12 =	vld [tilespmem:s28+$0x880]  }
0x148: {  	[tilespmem:s28+$0x820] =	vst v3;
	v3 =	vmul.f32 v10, v9;
	v10 =	vld [tilespmem:s28+$0x890]  }
0x149: {  	[tilespmem:s28+$0x830] =	vst v5;
	v5 =	vmul.f32 v8, v9;
	v8 =	vld [tilespmem:s28+$0x8A0]  }
0x14a: {  	v1 =	vbroadcast v1, $0xE;
	[tilespmem:s28+$0x770] =	vst v6;
	v6 =	vmul.f32 v11, v9;
	v11 =	vld [tilespmem:s28+$0x8B0]  }
0x14b: {  	[tilespmem:s28+$0x850] =	vst v5;
	v5 =	vmul.f32 v7, v9;
	v7 =	vld [tilespmem:s28+$0x8C0]  }
0x14c: {  	[tilespmem:s28+$0x860] =	vst v6;
	v6 =	vmul.f32 v12, v1;
	v9 =	vld [tilespmem:s28+$0x8D0]  }
0x14d: {  	[tilespmem:s28+$0x870] =	vst v5;
	v5 =	vmul.f32 v10, v1;
	v10 =	vld [tilespmem:s28+$0x8E0]  }
0x14e: {  	[tilespmem:s28+$0x880] =	vst v6;
	v6 =	vmul.f32 v8, v1;
	v8 =	vld [tilespmem:s28+$0x8F0]  }
0x14f: {  	[tilespmem:s28+$0x890] =	vst v5;
	v5 =	vmul.f32 v11, v1;
	v11 =	vld [tilespmem:s28+$0x900]  }
0x150: {  	[tilespmem:s28+$0x8A0] =	vst v6;
	v6 =	vmul.f32 v7, v1;
	v7 =	vld [tilespmem:s28+$0x910]  }
0x151: {  	[tilespmem:s28+$0x8B0] =	vst v5;
	v5 =	vmul.f32 v9, v1;
	v9 =	vld [tilespmem:s28+$0x920]  }
0x152: {  	[tilespmem:s28+$0x8C0] =	vst v6;
	v6 =	vmul.f32 v10, v1;
	v10 =	vld [tilespmem:s28+$0x930]  }
0x153: {  	[tilespmem:s28+$0x840] =	vst v3;
	v1 =	vmul.f32 v8, v1;
	v3 =	vld [tilespmem:s28+$0x940]  }
0x154: {  	[tilespmem:s28+$0x8E0] =	vst v6;
	v6 =	vmul.f32 v11, v4;
	v8 =	vld [tilespmem:s28+$0x960]  }
0x155: {  	[tilespmem:s28+$0x8F0] =	vst v1;
	v1 =	vmul.f32 v7, v4;
	v7 =	vld [tilespmem:s28+$0x970]  }
0x156: {  	[tilespmem:s28+$0x900] =	vst v6;
	v6 =	vmul.f32 v9, v4  }
0x157: {  	[tilespmem:s28+$0x910] =	vst v1;
	v1 =	vmul.f32 v10, v4  }
0x158: {  	v9 =	vmul.f32 v15, v14;
	[tilespmem:s28+$0x920] =	vst v6  }
0x159: {  	[tilespmem:s28+$0x930] =	vst v1;
	v1 =	vmul.f32 v3, v4  }
.Ltmp1:
0x15a: {  	[tilespmem:s28+$0x7B0] =	vst v9;
	v3 =	vmul.f32 v7, v4;
	(pc) =	sbr.rel @p0 .LBB2_5-.Ltmp1, $4  }
0x15b: {  	[tilespmem:s28+$0x940] =	vst v1  }
0x15c: {  	v1 =	vmul.f32 v8, v4;
	[tilespmem:s28+$0x970] =	vst v3  }
0x15d: {  	[tilespmem:s28+$0x8D0] =	vst v5  }
0x15e: {  	[tilespmem:s28+$0x960] =	vst v1  }
0x15f: {  	s26 =	sadd.s32 $0x1, s26  }
0x160: {  	p0 =	sne.s32 s26, $0x4F  }
.Ltmp2:
0x161: {  	[tilespmem:s28+$0x7A0] =	vst v2;
	(pc) =	sbr.rel @p0 .LBB2_4-.Ltmp2, $4  }
0x162: {  	[spmem:s2] =	stream.indirect.scatter.add.f32 [tilespmem:s22], [sflag:$0x2], $0x80, s20, s20, $0xb8;
	[tilespmem:$0x1D180] =	vst v63  }
0x163: {  	_ =	swait.ge [sflag:s19], $0x4000  }
0x164: {  	[sflag:s19] =	ssyncset.done $0x0  }
0x165: {  	[sflag:s19] =	ssyncadd.s32 $0xFFFFC000  }
0x166: {  	[bflag:$0x0] =	sbarrier.arrive $0xFFFF  }
0x167: {  	[tilespmem:s18], [sflag:$0x2] =	stream.linear.gather [spmem:s8], $0x5000, $0x38;
	[tilespmem:$0x1D180] =	vst v63  }
0x168: {  	_ =	swait.ge [sflag:s19], $0x5000  }
0x169: {  	[sflag:s19] =	ssyncset.done $0x0  }
0x16a: {  	[sflag:s19] =	ssyncadd.s32 $0xFFFFB000  }
0x16b: {  	[hbm4b:s13+s3] =	stream.linear.scatter [tilespmem:s18], [sflag:$0x2], $0x5000, $0x38;
	[tilespmem:$0x1D180] =	vst v63  }
0x16c: {  	_ =	swait.ge [sflag:s19], $0x5000  }
0x16d: {  	[sflag:s19] =	ssyncset.done $0x0  }
0x16e: {  	[sflag:s19] =	ssyncadd.s32 $0xFFFFB000  }
0x16f: {  	[tilespmem:s18], [sflag:$0x2] =	stream.linear.gather [spmem:s9], $0x5000, $0x38;
	[tilespmem:$0x1D180] =	vst v63  }
0x170: {  	_ =	swait.ge [sflag:s19], $0x5000  }
0x171: {  	[sflag:s19] =	ssyncset.done $0x0  }
0x172: {  	[sflag:s19] =	ssyncadd.s32 $0xFFFFB000  }
0x173: {  	[hbm4b:s14+s3] =	stream.linear.scatter [tilespmem:s18], [sflag:$0x2], $0x5000, $0x38;
	[tilespmem:$0x1D180] =	vst v63  }
0x174: {  	_ =	swait.ge [sflag:s19], $0x5000  }
0x175: {  	[sflag:s19] =	ssyncset.done $0x0  }
0x176: {  	[sflag:s19] =	ssyncadd.s32 $0xFFFFB000  }
0x177: {  	[tilespmem:s18], [sflag:$0x2] =	stream.linear.gather [spmem:s10], $0x5000, $0x38;
	[tilespmem:$0x1D180] =	vst v63  }
0x178: {  	_ =	swait.ge [sflag:s19], $0x5000  }
0x179: {  	[sflag:s19] =	ssyncset.done $0x0  }
0x17a: {  	[sflag:s19] =	ssyncadd.s32 $0xFFFFB000  }
0x17b: {  	[hbm4b:s15+s3] =	stream.linear.scatter [tilespmem:s18], [sflag:$0x2], $0x5000, $0x38;
	[tilespmem:$0x1D180] =	vst v63  }
0x17c: {  	_ =	swait.ge [sflag:s19], $0x5000  }
0x17d: {  	[sflag:s19] =	ssyncset.done $0x0  }
0x17e: {  	[sflag:s19] =	ssyncadd.s32 $0xFFFFB000  }
0x17f: {  	[tilespmem:s18], [sflag:$0x2] =	stream.linear.gather [spmem:s11], $0x5000, $0x38;
	[tilespmem:$0x1D180] =	vst v63  }
0x180: {  	s24 =	sadd.s32 $0x1, s24;
	_ =	swait.ge [sflag:s19], $0x5000  }
0x181: {  	p0 =	sne.s32 s24, s17;
	[sflag:s19] =	ssyncset.done $0x0  }
.Ltmp3:
0x182: {  	[sflag:s19] =	ssyncadd.s32 $0xFFFFB000;
	(pc) =	sbr.rel @p0 .LBB2_1-.Ltmp3, $4  }
0x183: {  	[hbm4b:s16+s3] =	stream.linear.scatter [tilespmem:s18], [sflag:$0x2], $0x5000, $0x38;
	[tilespmem:$0x1D180] =	vst v63  }
0x184: {  	_ =	swait.ge [sflag:s19], $0x5000  }
0x185: {  	[sflag:s19] =	ssyncset.done $0x0  }
0x186: {  	[sflag:s19] =	ssyncadd.s32 $0xFFFFB000  }
0x187: {  	_ =	sfence.sel $0x180000  }
0x188: {  	[bflag:$0x0] =	sbarrier.arrive $0xFFFF  }
0x189: {  	p0 =	sne.s32 s4, $0x0;
	_ =	strace $0x9000004A  }
0x18a: {  	s0 =	sadd.s32 @!p0 $0x100000, s0;
	[bflag:$0x2] =	sbarrier.arrive $0xFFFF  }
0x18b: {  	[sflag:s0] =	ssyncadd.tile.s32 @!p0 $0x1;
	_ =	shalt  }
.Lfunc_end2:
_tile_overlayer_lowered:
.L_overlay_start_2:
0x18c: {  	(tag) =	ssettag $0x2  }
0x18d: {  	s0 =	rddreg [dreg:$0x0];
	s2 =	stileid.u32  }
0x18e: {  	s1 =	rddreg [dreg:$0x1];
	p0 =	sne.s32 s2, $0x0  }
0x18f: {  	s3 =	rddreg [dreg:$0x2];
	[bflag:$0x3] =	sbarrier.arrive $0xFFFF;
	s2 =	simm.s32 @!p0 $0x1C02  }
0x190: {  	[timem:s3], [sflag:s2] =	dma.local @!p0 [hbm:s0], s1  }
0x191: {  	s0 =	simm.s32 @!p0 $0x2  }
0x192: {  	_ =	swait.ge @!p0 [sflag:s0], s1  }
0x193: {  	s1 =	ssub.s32 @!p0 $0x0, s1;
	[sflag:s0] =	ssyncset.done @!p0 $0x0  }
0x194: {  	[sflag:s0] =	ssyncadd.s32 @!p0 s1  }
0x195: {  	[bflag:$0x3] =	sbarrier.arrive $0xFFFF  }
0x196: {  	_ =	shalt  }

</sc_bundles>
